<compile_context>
chip_gen: v7x
topology: tpu7x:2x2x1
jax: 0.10.2.dev20260603
libtpu: 0.0.44.dev20260713+nightly
codegen_flags: <defaults>
</compile_context>

<pallas_src>
import functools

import jax
import jax.numpy as jnp
from jax import lax
from jax.experimental import pallas as pl
from jax.experimental.pallas import tpu as pltpu
from jax.experimental.pallas import tpu_sc as plsc

N = 2048
D = 1024
H = 2816
E = 8
K = 2

TM = 256
P = N * K + E * TM
T = P // TM
TH = 1408
HC = H // TH

NC = 2
NS = 16
NW = NC * NS

_SC_MESH = dict(core_axis_name="c", subcore_axis_name="s")


def _router_body(x_ref, wr_ref, posw_ref, gates_ref, eot_ref):
    xf = x_ref[...]
    wr = wr_ref[...]
    lt = lax.dot_general(wr, xf, (((0,), (1,)), ((), ())),
                         preferred_element_type=jnp.float32)
    e_iota = lax.broadcasted_iota(jnp.int32, (E, N), 0)
    m1 = jnp.max(lt, axis=0, keepdims=True)
    i1 = jnp.min(jnp.where(lt == m1, e_iota, E), axis=0, keepdims=True)
    oh1 = e_iota == i1
    lt2 = jnp.where(oh1, -jnp.inf, lt)
    m2 = jnp.max(lt2, axis=0, keepdims=True)
    i2 = jnp.min(jnp.where(lt2 == m2, e_iota, E), axis=0, keepdims=True)
    oh2 = e_iota == i2
    w1 = jax.nn.sigmoid(m1 - m2)
    w2 = jax.nn.sigmoid(m2 - m1)
    maskf = (oh1 | oh2).astype(jnp.float32)
    r_io = lax.broadcasted_iota(jnp.int32, (N, N), 0)
    c_io = lax.broadcasted_iota(jnp.int32, (N, N), 1)
    upper = (r_io < c_io).astype(jnp.float32)
    ranks = lax.dot_general(maskf, upper, (((1,), (0,)), ((), ())),
                            preferred_element_type=jnp.float32)
    counts = jnp.sum(maskf, axis=1, keepdims=True)
    tiles = jnp.floor((counts + (TM - 1)) / TM)
    l8 = (lax.broadcasted_iota(jnp.int32, (E, E), 0)
          > lax.broadcasted_iota(jnp.int32, (E, E), 1)).astype(jnp.float32)
    ct_excl = lax.dot_general(l8, tiles, (((1,), (0,)), ((), ())),
                              preferred_element_type=jnp.float32)
    base = TM * ct_excl
    pos0 = jnp.sum(oh1.astype(jnp.float32) * (ranks + base), axis=0,
                   keepdims=True)
    pos1 = jnp.sum(oh2.astype(jnp.float32) * (ranks + base), axis=0,
                   keepdims=True)
    posw_ref[...] = jnp.concatenate([pos0, pos1], axis=0).astype(jnp.int32)
    gates_ref[...] = jnp.concatenate([w1, w2], axis=0)
    tile_io = lax.broadcasted_iota(jnp.int32, (E, 32), 1).astype(jnp.float32)
    ge = (tile_io >= ct_excl).astype(jnp.float32)
    eot = jnp.clip(jnp.sum(ge, axis=0, keepdims=True) - 1.0, 0, E - 1)
    total_tiles = jnp.sum(tiles)
    act = (lax.broadcasted_iota(jnp.int32, (1, 32), 1).astype(jnp.float32)
           < total_tiles).astype(jnp.float32)
    eot_ref[...] = jnp.concatenate([eot, act], axis=0).astype(jnp.int32)


def _router(xf, Wr):
    return pl.pallas_call(
        _router_body,
        out_shape=(
            jax.ShapeDtypeStruct((K, N), jnp.int32),
            jax.ShapeDtypeStruct((K, N), jnp.float32),
            jax.ShapeDtypeStruct((2, 32), jnp.int32),
        ),
    )(xf, Wr)


GROUP = 8
NG = T // GROUP



def _gemm_body(meta_ref, posw_ref, gates_ref, x_ref, wg_ref, wu_ref, wd_ref,
               y_ref, acc_ref, xg_ref):
    h = pl.program_id(1)
    ts = pl.program_id(2)
    tile = pl.program_id(0) * GROUP + ts

    @pl.when(meta_ref[32 + tile] == 1)
    def _():
        r_glob = (tile * TM
                  + lax.broadcasted_iota(jnp.int32, (TM, N), 0))
        oh0 = r_glob == posw_ref[0:1, :]
        oh1 = r_glob == posw_ref[1:2, :]

        @pl.when(h == 0)
        def _():
            onehot = (oh0 | oh1).astype(jnp.bfloat16)
            xg = jnp.dot(onehot, x_ref[...],
                         preferred_element_type=jnp.float32)
            xg_ref[ts] = xg.astype(jnp.bfloat16)

        xt = xg_ref[ts]
        wg = wg_ref[0].astype(jnp.bfloat16)
        wu = wu_ref[0].astype(jnp.bfloat16)
        wd = wd_ref[0].astype(jnp.bfloat16)
        g = jnp.dot(xt, wg, preferred_element_type=jnp.float32)
        u = jnp.dot(xt, wu, preferred_element_type=jnp.float32)
        gu = g * jax.nn.sigmoid(g) * u
        part = jnp.dot(gu.astype(jnp.bfloat16), wd,
                       preferred_element_type=jnp.float32)

        @pl.when(h == 0)
        def _():
            acc_ref[ts] = part

        @pl.when(jnp.logical_and(h > 0, h < HC - 1))
        def _():
            acc_ref[ts] = acc_ref[ts] + part

        @pl.when(h == HC - 1)
        def _():
            zero = jnp.zeros((), jnp.float32)
            ohw = (jnp.where(oh0, gates_ref[0:1, :], zero)
                   + jnp.where(oh1, gates_ref[1:2, :], zero))
            rg = jnp.sum(ohw, axis=1, keepdims=True)
            y_ref[...] = (acc_ref[ts] + part) * rg


def _gemm(meta, posw, gates, xbf, Wg, Wu, Wd):
    grid_spec = pltpu.PrefetchScalarGridSpec(
        num_scalar_prefetch=1,
        grid=(NG, HC, GROUP),
        in_specs=[
            pl.BlockSpec((K, N), lambda tg, h, ts, m: (0, 0)),
            pl.BlockSpec((K, N), lambda tg, h, ts, m: (0, 0)),
            pl.BlockSpec((N, D), lambda tg, h, ts, m: (0, 0)),
            pl.BlockSpec((1, D, TH),
                         lambda tg, h, ts, m: (m[tg * GROUP + ts], 0, h)),
            pl.BlockSpec((1, D, TH),
                         lambda tg, h, ts, m: (m[tg * GROUP + ts], 0, h)),
            pl.BlockSpec((1, TH, D),
                         lambda tg, h, ts, m: (m[tg * GROUP + ts], h, 0)),
        ],
        out_specs=pl.BlockSpec(
            (TM, D),
            lambda tg, h, ts, m: (jnp.where(h == HC - 1,
                                            tg * GROUP + ts, T), 0)),
        scratch_shapes=[pltpu.VMEM((GROUP, TM, D), jnp.float32),
                        pltpu.VMEM((GROUP, TM, D), jnp.bfloat16)],
    )
    return pl.pallas_call(
        _gemm_body,
        grid_spec=grid_spec,
        compiler_params=pltpu.CompilerParams(
            vmem_limit_bytes=128 * 1024 * 1024),
        out_shape=jax.ShapeDtypeStruct((P + TM, D), jnp.float32),
    )(meta, posw, gates, xbf, Wg, Wu, Wd)


_C_CHUNK = 32


def _combine_body(y_hbm, posw_hbm, out_hbm, p0_v, p1_v, r0_v, r1_v, sem):
    wid = lax.axis_index("s") * NC + lax.axis_index("c")
    for c in range(N // (NW * _C_CHUNK)):
        tbase = wid * (N // NW) + c * _C_CHUNK
        pltpu.sync_copy(posw_hbm.at[0, pl.ds(tbase, _C_CHUNK)], p0_v)
        pltpu.sync_copy(posw_hbm.at[1, pl.ds(tbase, _C_CHUNK)], p1_v)
        cp0 = pltpu.async_copy(y_hbm.at[p0_v], r0_v, sem)
        cp1 = pltpu.async_copy(y_hbm.at[p1_v], r1_v, sem)
        cp0.wait()
        cp1.wait()

        def row(i, _):
            for j in range(0, D, 16):
                r0_v[i, pl.ds(j, 16)] = (r0_v[i, pl.ds(j, 16)]
                                         + r1_v[i, pl.ds(j, 16)])
            return 0
        lax.fori_loop(0, _C_CHUNK, row, 0)
        pltpu.sync_copy(r0_v, out_hbm.at[pl.ds(tbase, _C_CHUNK)])


def _combine(y, posw):
    return pl.kernel(
        _combine_body,
        out_type=jax.ShapeDtypeStruct((N, D), jnp.float32),
        mesh=plsc.VectorSubcoreMesh(**_SC_MESH),
        scratch_types=[
            pltpu.VMEM((_C_CHUNK,), jnp.int32),
            pltpu.VMEM((_C_CHUNK,), jnp.int32),
            pltpu.VMEM((_C_CHUNK, D), jnp.float32),
            pltpu.VMEM((_C_CHUNK, D), jnp.float32),
            pltpu.SemaphoreType.DMA,
        ],
    )(y, posw)


def kernel(x, Wr, Wg, Wu, Wd):
    b, s, d = x.shape
    xf = x.reshape(b * s, d)
    posw, gates, meta2 = _router(xf, Wr)
    meta = meta2.reshape(64)
    y = _gemm(meta, posw, gates, xf.astype(jnp.bfloat16), Wg, Wu, Wd)
    out = _combine(y, posw)
    return out.reshape(b, s, d)

# --- scband reference (transcript-rebuilt; emitter-appended) ---
"""Pipeline reference for scband-sparse-mo-e-87402584473690 (READ-ONLY COPY).

The authoritative reference and input builder live on the scoring server;
editing this copy changes nothing except your own understanding.
"""

import jax, jax.numpy as jnp
import numpy as np

B, S, D, H, E, K = 1, 2048, 1024, 2816, 8, 2

def setup_inputs(seed: int = 0) -> dict:
    key = jax.random.key(seed)
    ks = jax.random.split(key, 5)
    x = jax.random.normal(ks[0], (B, S, D), dtype=jnp.float32)
    Wr = jax.random.normal(ks[1], (D, E), dtype=jnp.float32) * 0.02
    Wg = jax.random.normal(ks[2], (E, D, H), dtype=jnp.float32) * 0.02
    Wu = jax.random.normal(ks[3], (E, D, H), dtype=jnp.float32) * 0.02
    Wd = jax.random.normal(ks[4], (E, H, D), dtype=jnp.float32) * 0.02
    return {"x": x, "Wr": Wr, "Wg": Wg, "Wu": Wu, "Wd": Wd}

def reference(x, Wr, Wg, Wu, Wd):
    b, s, d = x.shape
    e_total = Wr.shape[1]
    x_flat = x.reshape(-1, d)
    # router + top-k gating
    router_logits = x_flat @ Wr
    top_k_logits, top_k_indices = jax.lax.top_k(router_logits, K)
    top_k_weights = jax.nn.softmax(top_k_logits, axis=-1)
    # per-token per-expert combine weights (exactly zero for unselected experts,
    # so summing over all experts is mathematically identical to sparse dispatch)
    gates = jnp.sum(top_k_weights[..., None] * jax.nn.one_hot(top_k_indices, e_total, dtype=x.dtype), axis=1)  # [N, E]
    final_output = jnp.zeros_like(x_flat)
    for i in range(e_total):
        gate = jax.nn.silu(x_flat @ Wg[i])
        up = x_flat @ Wu[i]
        expert_out = (gate * up) @ Wd[i]
        final_output = final_output + expert_out * gates[:, i:i + 1]
    return final_output.reshape(b, s, d)

if __name__ == "__main__":
    import jax
    _d = setup_inputs()
    print(jax.jit(kernel)(*tuple(_d.values())))

</pallas_src>

<mosaic_0001>
#map = affine_map<(d0, d1) -> (0, 0)>
module attributes {stable_mosaic.version = 14 : i64} {
  func.func @_combine_body(%arg0: i32, %arg1: i32, %arg2: memref<6400x1024xf32, #tpu.memory_space<hbm>>, %arg3: memref<2x2048xi32, #tpu.memory_space<hbm>>, %arg4: memref<2048x1024xf32, #tpu.memory_space<hbm>>, %arg5: memref<32xi32, #tpu.memory_space<vmem>>, %arg6: memref<32xi32, #tpu.memory_space<vmem>>, %arg7: memref<32x1024xf32, #tpu.memory_space<vmem>>, %arg8: memref<32x1024xf32, #tpu.memory_space<vmem>>, %arg9: memref<!tpu.dma_semaphore, #tpu.memory_space<semaphore_mem>>) attributes {dimension_semantics = [#tpu.dimension_semantics<core_parallel>, #tpu.dimension_semantics<subcore_parallel>], iteration_bounds = array<i64: 2, 16>, scalar_prefetch = 0 : i64, scratch_operands = 5 : i64, tpu.core_type = #tpu.core_type<sc_vector_subcore>, window_params = [{transform_indices = #map}, {transform_indices = #map}, {transform_indices = #map}]} {
    %mul3A = arith.constant 2 : i32
    %mul3A_0 = arith.muli %arg1, %mul3A : i32
    %add3A = arith.addi %mul3A_0, %arg0 : i32
    %mul3A_1 = arith.constant 64 : i32
    %mul3A_2 = arith.muli %add3A, %mul3A_1 : i32
    %add3A_3 = arith.constant 0 : i32
    %add3A_4 = arith.addi %mul3A_2, %add3A_3 : i32
    %run_scoped3A = arith.constant 0 : i32
    "tpu.region"() ({
      %run_scoped3A_47 = tpu.sem_alloc : memref<!tpu.dma_semaphore, #tpu.memory_space<semaphore_mem>>
      %dma_start3A_48 = tpu.memref_slice %arg3[%run_scoped3A, %add3A_4] : memref<2x2048xi32, #tpu.memory_space<hbm>> -> memref<1x32xi32, #tpu.memory_space<hbm>>
      %dma_start3A_49 = tpu.memref_squeeze %dma_start3A_48 : memref<1x32xi32, #tpu.memory_space<hbm>> -> memref<32xi32, #tpu.memory_space<hbm>>
      %dma_start3A_50 = tpu.memref_slice %arg3[%run_scoped3A, %add3A_4] : memref<2x2048xi32, #tpu.memory_space<hbm>> -> memref<1x32xi32, #tpu.memory_space<hbm>>
      %dma_start3A_51 = tpu.memref_squeeze %dma_start3A_50 : memref<1x32xi32, #tpu.memory_space<hbm>> -> memref<32xi32, #tpu.memory_space<hbm>>
      tpu.enqueue_dma source(%dma_start3A_51 : memref<32xi32, #tpu.memory_space<hbm>>) target(%arg5 : memref<32xi32, #tpu.memory_space<vmem>>) target_semaphore(%run_scoped3A_47 : memref<!tpu.dma_semaphore, #tpu.memory_space<semaphore_mem>>)
      %dma_wait3A_52 = tpu.memref_slice %arg3[%run_scoped3A, %add3A_4] : memref<2x2048xi32, #tpu.memory_space<hbm>> -> memref<1x32xi32, #tpu.memory_space<hbm>>
      %dma_wait3A_53 = tpu.memref_squeeze %dma_wait3A_52 : memref<1x32xi32, #tpu.memory_space<hbm>> -> memref<32xi32, #tpu.memory_space<hbm>>
      %dma_wait3A_54 = tpu.memref_slice %arg3[%run_scoped3A, %add3A_4] : memref<2x2048xi32, #tpu.memory_space<hbm>> -> memref<1x32xi32, #tpu.memory_space<hbm>>
      %dma_wait3A_55 = tpu.memref_squeeze %dma_wait3A_54 : memref<1x32xi32, #tpu.memory_space<hbm>> -> memref<32xi32, #tpu.memory_space<hbm>>
      tpu.wait_dma2 semaphore(%run_scoped3A_47 : memref<!tpu.dma_semaphore, #tpu.memory_space<semaphore_mem>>) src(%dma_wait3A_55 : memref<32xi32, #tpu.memory_space<hbm>>) dst(%arg5 : memref<32xi32, #tpu.memory_space<vmem>>)
      tpu.yield
    }) : () -> ()
    %run_scoped3A_5 = arith.constant 1 : i32
    "tpu.region"() ({
      %run_scoped3A_47 = tpu.sem_alloc : memref<!tpu.dma_semaphore, #tpu.memory_space<semaphore_mem>>
      %dma_start3A_48 = tpu.memref_slice %arg3[%run_scoped3A_5, %add3A_4] : memref<2x2048xi32, #tpu.memory_space<hbm>> -> memref<1x32xi32, #tpu.memory_space<hbm>>
      %dma_start3A_49 = tpu.memref_squeeze %dma_start3A_48 : memref<1x32xi32, #tpu.memory_space<hbm>> -> memref<32xi32, #tpu.memory_space<hbm>>
      %dma_start3A_50 = tpu.memref_slice %arg3[%run_scoped3A_5, %add3A_4] : memref<2x2048xi32, #tpu.memory_space<hbm>> -> memref<1x32xi32, #tpu.memory_space<hbm>>
      %dma_start3A_51 = tpu.memref_squeeze %dma_start3A_50 : memref<1x32xi32, #tpu.memory_space<hbm>> -> memref<32xi32, #tpu.memory_space<hbm>>
      tpu.enqueue_dma source(%dma_start3A_51 : memref<32xi32, #tpu.memory_space<hbm>>) target(%arg6 : memref<32xi32, #tpu.memory_space<vmem>>) target_semaphore(%run_scoped3A_47 : memref<!tpu.dma_semaphore, #tpu.memory_space<semaphore_mem>>)
      %dma_wait3A_52 = tpu.memref_slice %arg3[%run_scoped3A_5, %add3A_4] : memref<2x2048xi32, #tpu.memory_space<hbm>> -> memref<1x32xi32, #tpu.memory_space<hbm>>
      %dma_wait3A_53 = tpu.memref_squeeze %dma_wait3A_52 : memref<1x32xi32, #tpu.memory_space<hbm>> -> memref<32xi32, #tpu.memory_space<hbm>>
      %dma_wait3A_54 = tpu.memref_slice %arg3[%run_scoped3A_5, %add3A_4] : memref<2x2048xi32, #tpu.memory_space<hbm>> -> memref<1x32xi32, #tpu.memory_space<hbm>>
      %dma_wait3A_55 = tpu.memref_squeeze %dma_wait3A_54 : memref<1x32xi32, #tpu.memory_space<hbm>> -> memref<32xi32, #tpu.memory_space<hbm>>
      tpu.wait_dma2 semaphore(%run_scoped3A_47 : memref<!tpu.dma_semaphore, #tpu.memory_space<semaphore_mem>>) src(%dma_wait3A_55 : memref<32xi32, #tpu.memory_space<hbm>>) dst(%arg6 : memref<32xi32, #tpu.memory_space<vmem>>)
      tpu.yield
    }) : () -> ()
    %dma_start3A = arith.constant 0 : i32
    %dma_start3A_6 = arith.constant 0 : i32
    %dma_start3A_7 = tpu.memref_slice %arg2[%dma_start3A, %dma_start3A_6] : memref<6400x1024xf32, #tpu.memory_space<hbm>> -> memref<6400x1024xf32, #tpu.memory_space<hbm>>
    tpu.enqueue_indirect_dma source(%dma_start3A_7 : memref<6400x1024xf32, #tpu.memory_space<hbm>>) target(%arg7 : memref<32x1024xf32, #tpu.memory_space<vmem>>) offsets(%arg5 : memref<32xi32, #tpu.memory_space<vmem>>) semaphore(%arg9 : memref<!tpu.dma_semaphore, #tpu.memory_space<semaphore_mem>>)
    %dma_start3A_8 = arith.constant 0 : i32
    %dma_start3A_9 = arith.constant 0 : i32
    %dma_start3A_10 = tpu.memref_slice %arg2[%dma_start3A_8, %dma_start3A_9] : memref<6400x1024xf32, #tpu.memory_space<hbm>> -> memref<6400x1024xf32, #tpu.memory_space<hbm>>
    tpu.enqueue_indirect_dma source(%dma_start3A_10 : memref<6400x1024xf32, #tpu.memory_space<hbm>>) target(%arg8 : memref<32x1024xf32, #tpu.memory_space<vmem>>) offsets(%arg6 : memref<32xi32, #tpu.memory_space<vmem>>) semaphore(%arg9 : memref<!tpu.dma_semaphore, #tpu.memory_space<semaphore_mem>>)
    %dma_wait3A = arith.constant 0 : i32
    %dma_wait3A_11 = arith.constant 0 : i32
    %dma_wait3A_12 = tpu.memref_slice %arg2[%dma_wait3A, %dma_wait3A_11] : memref<6400x1024xf32, #tpu.memory_space<hbm>> -> memref<6400x1024xf32, #tpu.memory_space<hbm>>
    tpu.wait_indirect_dma semaphore(%arg9 : memref<!tpu.dma_semaphore, #tpu.memory_space<semaphore_mem>>) src(%dma_wait3A_12 : memref<6400x1024xf32, #tpu.memory_space<hbm>>) dst(%arg7 : memref<32x1024xf32, #tpu.memory_space<vmem>>)
    %dma_wait3A_13 = arith.constant 0 : i32
    %dma_wait3A_14 = arith.constant 0 : i32
    %dma_wait3A_15 = tpu.memref_slice %arg2[%dma_wait3A_13, %dma_wait3A_14] : memref<6400x1024xf32, #tpu.memory_space<hbm>> -> memref<6400x1024xf32, #tpu.memory_space<hbm>>
    tpu.wait_indirect_dma semaphore(%arg9 : memref<!tpu.dma_semaphore, #tpu.memory_space<semaphore_mem>>) src(%dma_wait3A_15 : memref<6400x1024xf32, #tpu.memory_space<hbm>>) dst(%arg8 : memref<32x1024xf32, #tpu.memory_space<vmem>>)
    %scan3A = arith.constant 0 : i32
    %scan3A_16 = arith.constant 0 : i32
    %scan3A_17 = arith.constant 32 : i32
    %scan3A_18 = arith.addi %scan3A_16, %scan3A_17 : i32
    %scan3A_19 = arith.constant 1 : i32
    %scan3A_20 = scf.for %scan3A_47 = %scan3A_16 to %scan3A_18 step %scan3A_19 iter_args(%scan3A_48 = %scan3A) -> (i32)  : i32 {
      %get3A = arith.index_cast %scan3A_47 : i32 to index
      %get3A_49 = arith.constant 0 : index
      %get3A_50 = tpu.vector_load %arg7[%get3A, %get3A_49] {strides = array<i32>} : memref<32x1024xf32, #tpu.memory_space<vmem>>, vector<1x16xf32>,
      %get3A_51 = vector.shape_cast %get3A_50 : vector<1x16xf32> to vector<16xf32>
      %get3A_52 = arith.index_cast %scan3A_47 : i32 to index
      %get3A_53 = arith.constant 0 : index
      %get3A_54 = tpu.vector_load %arg8[%get3A_52, %get3A_53] {strides = array<i32>} : memref<32x1024xf32, #tpu.memory_space<vmem>>, vector<1x16xf32>,
      %get3A_55 = vector.shape_cast %get3A_54 : vector<1x16xf32> to vector<16xf32>
      %add3A_56 = arith.addf %get3A_51, %get3A_55 : vector<16xf32>
      %swap3A = arith.index_cast %scan3A_47 : i32 to index
      %swap3A_57 = arith.constant 0 : index
      %swap3A_58 = tpu.vector_load %arg7[%swap3A, %swap3A_57] {strides = array<i32>} : memref<32x1024xf32, #tpu.memory_space<vmem>>, vector<1x16xf32>,
      %swap3A_59 = vector.shape_cast %swap3A_58 : vector<1x16xf32> to vector<16xf32>
      %swap3A_60 = vector.shape_cast %add3A_56 : vector<16xf32> to vector<1x16xf32>
      tpu.vector_store %arg7[%swap3A, %swap3A_57], %swap3A_60 {strides = array<i32>} : memref<32x1024xf32, #tpu.memory_space<vmem>>, vector<1x16xf32>,
      %get3A_61 = arith.index_cast %scan3A_47 : i32 to index
      %get3A_62 = arith.constant 16 : index
      %get3A_63 = tpu.vector_load %arg7[%get3A_61, %get3A_62] {strides = array<i32>} : memref<32x1024xf32, #tpu.memory_space<vmem>>, vector<1x16xf32>,
      %get3A_64 = vector.shape_cast %get3A_63 : vector<1x16xf32> to vector<16xf32>
      %get3A_65 = arith.index_cast %scan3A_47 : i32 to index
      %get3A_66 = arith.constant 16 : index
      %get3A_67 = tpu.vector_load %arg8[%get3A_65, %get3A_66] {strides = array<i32>} : memref<32x1024xf32, #tpu.memory_space<vmem>>, vector<1x16xf32>,
      %get3A_68 = vector.shape_cast %get3A_67 : vector<1x16xf32> to vector<16xf32>
      %add3A_69 = arith.addf %get3A_64, %get3A_68 : vector<16xf32>
      %swap3A_70 = arith.index_cast %scan3A_47 : i32 to index
      %swap3A_71 = arith.constant 16 : index
      %swap3A_72 = tpu.vector_load %arg7[%swap3A_70, %swap3A_71] {strides = array<i32>} : memref<32x1024xf32, #tpu.memory_space<vmem>>, vector<1x16xf32>,
      %swap3A_73 = vector.shape_cast %swap3A_72 : vector<1x16xf32> to vector<16xf32>
      %swap3A_74 = vector.shape_cast %add3A_69 : vector<16xf32> to vector<1x16xf32>
      tpu.vector_store %arg7[%swap3A_70, %swap3A_71], %swap3A_74 {strides = array<i32>} : memref<32x1024xf32, #tpu.memory_space<vmem>>, vector<1x16xf32>,
      %get3A_75 = arith.index_cast %scan3A_47 : i32 to index
      %get3A_76 = arith.constant 32 : index
      %get3A_77 = tpu.vector_load %arg7[%get3A_75, %get3A_76] {strides = array<i32>} : memref<32x1024xf32, #tpu.memory_space<vmem>>, vector<1x16xf32>,
      %get3A_78 = vector.shape_cast %get3A_77 : vector<1x16xf32> to vector<16xf32>
      %get3A_79 = arith.index_cast %scan3A_47 : i32 to index
      %get3A_80 = arith.constant 32 : index
      %get3A_81 = tpu.vector_load %arg8[%get3A_79, %get3A_80] {strides = array<i32>} : memref<32x1024xf32, #tpu.memory_space<vmem>>, vector<1x16xf32>,
      %get3A_82 = vector.shape_cast %get3A_81 : vector<1x16xf32> to vector<16xf32>
      %add3A_83 = arith.addf %get3A_78, %get3A_82 : vector<16xf32>
      %swap3A_84 = arith.index_cast %scan3A_47 : i32 to index
      %swap3A_85 = arith.constant 32 : index
      %swap3A_86 = tpu.vector_load %arg7[%swap3A_84, %swap3A_85] {strides = array<i32>} : memref<32x1024xf32, #tpu.memory_space<vmem>>, vector<1x16xf32>,
      %swap3A_87 = vector.shape_cast %swap3A_86 : vector<1x16xf32> to vector<16xf32>
      %swap3A_88 = vector.shape_cast %add3A_83 : vector<16xf32> to vector<1x16xf32>
      tpu.vector_store %arg7[%swap3A_84, %swap3A_85], %swap3A_88 {strides = array<i32>} : memref<32x1024xf32, #tpu.memory_space<vmem>>, vector<1x16xf32>,
      %get3A_89 = arith.index_cast %scan3A_47 : i32 to index
      %get3A_90 = arith.constant 48 : index
      %get3A_91 = tpu.vector_load %arg7[%get3A_89, %get3A_90] {strides = array<i32>} : memref<32x1024xf32, #tpu.memory_space<vmem>>, vector<1x16xf32>,
      %get3A_92 = vector.shape_cast %get3A_91 : vector<1x16xf32> to vector<16xf32>
      %get3A_93 = arith.index_cast %scan3A_47 : i32 to index
      %get3A_94 = arith.constant 48 : index
      %get3A_95 = tpu.vector_load %arg8[%get3A_93, %get3A_94] {strides = array<i32>} : memref<32x1024xf32, #tpu.memory_space<vmem>>, vector<1x16xf32>,
      %get3A_96 = vector.shape_cast %get3A_95 : vector<1x16xf32> to vector<16xf32>
      %add3A_97 = arith.addf %get3A_92, %get3A_96 : vector<16xf32>
      %swap3A_98 = arith.index_cast %scan3A_47 : i32 to index
      %swap3A_99 = arith.constant 48 : index
      %swap3A_100 = tpu.vector_load %arg7[%swap3A_98, %swap3A_99] {strides = array<i32>} : memref<32x1024xf32, #tpu.memory_space<vmem>>, vector<1x16xf32>,
      %swap3A_101 = vector.shape_cast %swap3A_100 : vector<1x16xf32> to vector<16xf32>
      %swap3A_102 = vector.shape_cast %add3A_97 : vector<16xf32> to vector<1x16xf32>
      tpu.vector_store %arg7[%swap3A_98, %swap3A_99], %swap3A_102 {strides = array<i32>} : memref<32x1024xf32, #tpu.memory_space<vmem>>, vector<1x16xf32>,
      %get3A_103 = arith.index_cast %scan3A_47 : i32 to index
      %get3A_104 = arith.constant 64 : index
      %get3A_105 = tpu.vector_load %arg7[%get3A_103, %get3A_104] {strides = array<i32>} : memref<32x1024xf32, #tpu.memory_space<vmem>>, vector<1x16xf32>,
      %get3A_106 = vector.shape_cast %get3A_105 : vector<1x16xf32> to vector<16xf32>
      %get3A_107 = arith.index_cast %scan3A_47 : i32 to index
      %get3A_108 = arith.constant 64 : index
      %get3A_109 = tpu.vector_load %arg8[%get3A_107, %get3A_108] {strides = array<i32>} : memref<32x1024xf32, #tpu.memory_space<vmem>>, vector<1x16xf32>,
      %get3A_110 = vector.shape_cast %get3A_109 : vector<1x16xf32> to vector<16xf32>
      %add3A_111 = arith.addf %get3A_106, %get3A_110 : vector<16xf32>
      %swap3A_112 = arith.index_cast %scan3A_47 : i32 to index
      %swap3A_113 = arith.constant 64 : index
      %swap3A_114 = tpu.vector_load %arg7[%swap3A_112, %swap3A_113] {strides = array<i32>} : memref<32x1024xf32, #tpu.memory_space<vmem>>, vector<1x16xf32>,
      %swap3A_115 = vector.shape_cast %swap3A_114 : vector<1x16xf32> to vector<16xf32>
      %swap3A_116 = vector.shape_cast %add3A_111 : vector<16xf32> to vector<1x16xf32>
      tpu.vector_store %arg7[%swap3A_112, %swap3A_113], %swap3A_116 {strides = array<i32>} : memref<32x1024xf32, #tpu.memory_space<vmem>>, vector<1x16xf32>,
      %get3A_117 = arith.index_cast %scan3A_47 : i32 to index
      %get3A_118 = arith.constant 80 : index
      %get3A_119 = tpu.vector_load %arg7[%get3A_117, %get3A_118] {strides = array<i32>} : memref<32x1024xf32, #tpu.memory_space<vmem>>, vector<1x16xf32>,
      %get3A_120 = vector.shape_cast %get3A_119 : vector<1x16xf32> to vector<16xf32>
      %get3A_121 = arith.index_cast %scan3A_47 : i32 to index
      %get3A_122 = arith.constant 80 : index
      %get3A_123 = tpu.vector_load %arg8[%get3A_121, %get3A_122] {strides = array<i32>} : memref<32x1024xf32, #tpu.memory_space<vmem>>, vector<1x16xf32>,
      %get3A_124 = vector.shape_cast %get3A_123 : vector<1x16xf32> to vector<16xf32>
      %add3A_125 = arith.addf %get3A_120, %get3A_124 : vector<16xf32>
      %swap3A_126 = arith.index_cast %scan3A_47 : i32 to index
      %swap3A_127 = arith.constant 80 : index
      %swap3A_128 = tpu.vector_load %arg7[%swap3A_126, %swap3A_127] {strides = array<i32>} : memref<32x1024xf32, #tpu.memory_space<vmem>>, vector<1x16xf32>,
      %swap3A_129 = vector.shape_cast %swap3A_128 : vector<1x16xf32> to vector<16xf32>
      %swap3A_130 = vector.shape_cast %add3A_125 : vector<16xf32> to vector<1x16xf32>
      tpu.vector_store %arg7[%swap3A_126, %swap3A_127], %swap3A_130 {strides = array<i32>} : memref<32x1024xf32, #tpu.memory_space<vmem>>, vector<1x16xf32>,
      %get3A_131 = arith.index_cast %scan3A_47 : i32 to index
      %get3A_132 = arith.constant 96 : index
      %get3A_133 = tpu.vector_load %arg7[%get3A_131, %get3A_132] {strides = array<i32>} : memref<32x1024xf32, #tpu.memory_space<vmem>>, vector<1x16xf32>,
      %get3A_134 = vector.shape_cast %get3A_133 : vector<1x16xf32> to vector<16xf32>
      %get3A_135 = arith.index_cast %scan3A_47 : i32 to index
      %get3A_136 = arith.constant 96 : index
      %get3A_137 = tpu.vector_load %arg8[%get3A_135, %get3A_136] {strides = array<i32>} : memref<32x1024xf32, #tpu.memory_space<vmem>>, vector<1x16xf32>,
      %get3A_138 = vector.shape_cast %get3A_137 : vector<1x16xf32> to vector<16xf32>
      %add3A_139 = arith.addf %get3A_134, %get3A_138 : vector<16xf32>
      %swap3A_140 = arith.index_cast %scan3A_47 : i32 to index
      %swap3A_141 = arith.constant 96 : index
      %swap3A_142 = tpu.vector_load %arg7[%swap3A_140, %swap3A_141] {strides = array<i32>} : memref<32x1024xf32, #tpu.memory_space<vmem>>, vector<1x16xf32>,
      %swap3A_143 = vector.shape_cast %swap3A_142 : vector<1x16xf32> to vector<16xf32>
      %swap3A_144 = vector.shape_cast %add3A_139 : vector<16xf32> to vector<1x16xf32>
      tpu.vector_store %arg7[%swap3A_140, %swap3A_141], %swap3A_144 {strides = array<i32>} : memref<32x1024xf32, #tpu.memory_space<vmem>>, vector<1x16xf32>,
      %get3A_145 = arith.index_cast %scan3A_47 : i32 to index
      %get3A_146 = arith.constant 112 : index
      %get3A_147 = tpu.vector_load %arg7[%get3A_145, %get3A_146] {strides = array<i32>} : memref<32x1024xf32, #tpu.memory_space<vmem>>, vector<1x16xf32>,
      %get3A_148 = vector.shape_cast %get3A_147 : vector<1x16xf32> to vector<16xf32>
      %get3A_149 = arith.index_cast %scan3A_47 : i32 to index
      %get3A_150 = arith.constant 112 : index
      %get3A_151 = tpu.vector_load %arg8[%get3A_149, %get3A_150] {strides = array<i32>} : memref<32x1024xf32, #tpu.memory_space<vmem>>, vector<1x16xf32>,
      %get3A_152 = vector.shape_cast %get3A_151 : vector<1x16xf32> to vector<16xf32>
      %add3A_153 = arith.addf %get3A_148, %get3A_152 : vector<16xf32>
      %swap3A_154 = arith.index_cast %scan3A_47 : i32 to index
      %swap3A_155 = arith.constant 112 : index
      %swap3A_156 = tpu.vector_load %arg7[%swap3A_154, %swap3A_155] {strides = array<i32>} : memref<32x1024xf32, #tpu.memory_space<vmem>>, vector<1x16xf32>,
      %swap3A_157 = vector.shape_cast %swap3A_156 : vector<1x16xf32> to vector<16xf32>
      %swap3A_158 = vector.shape_cast %add3A_153 : vector<16xf32> to vector<1x16xf32>
      tpu.vector_store %arg7[%swap3A_154, %swap3A_155], %swap3A_158 {strides = array<i32>} : memref<32x1024xf32, #tpu.memory_space<vmem>>, vector<1x16xf32>,
      %get3A_159 = arith.index_cast %scan3A_47 : i32 to index
      %get3A_160 = arith.constant 128 : index
      %get3A_161 = tpu.vector_load %arg7[%get3A_159, %get3A_160] {strides = array<i32>} : memref<32x1024xf32, #tpu.memory_space<vmem>>, vector<1x16xf32>,
      %get3A_162 = vector.shape_cast %get3A_161 : vector<1x16xf32> to vector<16xf32>
      %get3A_163 = arith.index_cast %scan3A_47 : i32 to index
      %get3A_164 = arith.constant 128 : index
      %get3A_165 = tpu.vector_load %arg8[%get3A_163, %get3A_164] {strides = array<i32>} : memref<32x1024xf32, #tpu.memory_space<vmem>>, vector<1x16xf32>,
      %get3A_166 = vector.shape_cast %get3A_165 : vector<1x16xf32> to vector<16xf32>
      %add3A_167 = arith.addf %get3A_162, %get3A_166 : vector<16xf32>
      %swap3A_168 = arith.index_cast %scan3A_47 : i32 to index
      %swap3A_169 = arith.constant 128 : index
      %swap3A_170 = tpu.vector_load %arg7[%swap3A_168, %swap3A_169] {strides = array<i32>} : memref<32x1024xf32, #tpu.memory_space<vmem>>, vector<1x16xf32>,
      %swap3A_171 = vector.shape_cast %swap3A_170 : vector<1x16xf32> to vector<16xf32>
      %swap3A_172 = vector.shape_cast %add3A_167 : vector<16xf32> to vector<1x16xf32>
      tpu.vector_store %arg7[%swap3A_168, %swap3A_169], %swap3A_172 {strides = array<i32>} : memref<32x1024xf32, #tpu.memory_space<vmem>>, vector<1x16xf32>,
      %get3A_173 = arith.index_cast %scan3A_47 : i32 to index
      %get3A_174 = arith.constant 144 : index
      %get3A_175 = tpu.vector_load %arg7[%get3A_173, %get3A_174] {strides = array<i32>} : memref<32x1024xf32, #tpu.memory_space<vmem>>, vector<1x16xf32>,
      %get3A_176 = vector.shape_cast %get3A_175 : vector<1x16xf32> to vector<16xf32>
      %get3A_177 = arith.index_cast %scan3A_47 : i32 to index
      %get3A_178 = arith.constant 144 : index
      %get3A_179 = tpu.vector_load %arg8[%get3A_177, %get3A_178] {strides = array<i32>} : memref<32x1024xf32, #tpu.memory_space<vmem>>, vector<1x16xf32>,
      %get3A_180 = vector.shape_cast %get3A_179 : vector<1x16xf32> to vector<16xf32>
      %add3A_181 = arith.addf %get3A_176, %get3A_180 : vector<16xf32>
      %swap3A_182 = arith.index_cast %scan3A_47 : i32 to index
      %swap3A_183 = arith.constant 144 : index
      %swap3A_184 = tpu.vector_load %arg7[%swap3A_182, %swap3A_183] {strides = array<i32>} : memref<32x1024xf32, #tpu.memory_space<vmem>>, vector<1x16xf32>,
      %swap3A_185 = vector.shape_cast %swap3A_184 : vector<1x16xf32> to vector<16xf32>
      %swap3A_186 = vector.shape_cast %add3A_181 : vector<16xf32> to vector<1x16xf32>
      tpu.vector_store %arg7[%swap3A_182, %swap3A_183], %swap3A_186 {strides = array<i32>} : memref<32x1024xf32, #tpu.memory_space<vmem>>, vector<1x16xf32>,
      %get3A_187 = arith.index_cast %scan3A_47 : i32 to index
      %get3A_188 = arith.constant 160 : index
      %get3A_189 = tpu.vector_load %arg7[%get3A_187, %get3A_188] {strides = array<i32>} : memref<32x1024xf32, #tpu.memory_space<vmem>>, vector<1x16xf32>,
      %get3A_190 = vector.shape_cast %get3A_189 : vector<1x16xf32> to vector<16xf32>
      %get3A_191 = arith.index_cast %scan3A_47 : i32 to index
      %get3A_192 = arith.constant 160 : index
      %get3A_193 = tpu.vector_load %arg8[%get3A_191, %get3A_192] {strides = array<i32>} : memref<32x1024xf32, #tpu.memory_space<vmem>>, vector<1x16xf32>,
      %get3A_194 = vector.shape_cast %get3A_193 : vector<1x16xf32> to vector<16xf32>
      %add3A_195 = arith.addf %get3A_190, %get3A_194 : vector<16xf32>
      %swap3A_196 = arith.index_cast %scan3A_47 : i32 to index
      %swap3A_197 = arith.constant 160 : index
      %swap3A_198 = tpu.vector_load %arg7[%swap3A_196, %swap3A_197] {strides = array<i32>} : memref<32x1024xf32, #tpu.memory_space<vmem>>, vector<1x16xf32>,
      %swap3A_199 = vector.shape_cast %swap3A_198 : vector<1x16xf32> to vector<16xf32>
      %swap3A_200 = vector.shape_cast %add3A_195 : vector<16xf32> to vector<1x16xf32>
      tpu.vector_store %arg7[%swap3A_196, %swap3A_197], %swap3A_200 {strides = array<i32>} : memref<32x1024xf32, #tpu.memory_space<vmem>>, vector<1x16xf32>,
      %get3A_201 = arith.index_cast %scan3A_47 : i32 to index
      %get3A_202 = arith.constant 176 : index
      %get3A_203 = tpu.vector_load %arg7[%get3A_201, %get3A_202] {strides = array<i32>} : memref<32x1024xf32, #tpu.memory_space<vmem>>, vector<1x16xf32>,
      %get3A_204 = vector.shape_cast %get3A_203 : vector<1x16xf32> to vector<16xf32>
      %get3A_205 = arith.index_cast %scan3A_47 : i32 to index
      %get3A_206 = arith.constant 176 : index
      %get3A_207 = tpu.vector_load %arg8[%get3A_205, %get3A_206] {strides = array<i32>} : memref<32x1024xf32, #tpu.memory_space<vmem>>, vector<1x16xf32>,
      %get3A_208 = vector.shape_cast %get3A_207 : vector<1x16xf32> to vector<16xf32>
      %add3A_209 = arith.addf %get3A_204, %get3A_208 : vector<16xf32>
      %swap3A_210 = arith.index_cast %scan3A_47 : i32 to index
      %swap3A_211 = arith.constant 176 : index
      %swap3A_212 = tpu.vector_load %arg7[%swap3A_210, %swap3A_211] {strides = array<i32>} : memref<32x1024xf32, #tpu.memory_space<vmem>>, vector<1x16xf32>,
      %swap3A_213 = vector.shape_cast %swap3A_212 : vector<1x16xf32> to vector<16xf32>
      %swap3A_214 = vector.shape_cast %add3A_209 : vector<16xf32> to vector<1x16xf32>
      tpu.vector_store %arg7[%swap3A_210, %swap3A_211], %swap3A_214 {strides = array<i32>} : memref<32x1024xf32, #tpu.memory_space<vmem>>, vector<1x16xf32>,
      %get3A_215 = arith.index_cast %scan3A_47 : i32 to index
      %get3A_216 = arith.constant 192 : index
      %get3A_217 = tpu.vector_load %arg7[%get3A_215, %get3A_216] {strides = array<i32>} : memref<32x1024xf32, #tpu.memory_space<vmem>>, vector<1x16xf32>,
      %get3A_218 = vector.shape_cast %get3A_217 : vector<1x16xf32> to vector<16xf32>
      %get3A_219 = arith.index_cast %scan3A_47 : i32 to index
      %get3A_220 = arith.constant 192 : index
      %get3A_221 = tpu.vector_load %arg8[%get3A_219, %get3A_220] {strides = array<i32>} : memref<32x1024xf32, #tpu.memory_space<vmem>>, vector<1x16xf32>,
      %get3A_222 = vector.shape_cast %get3A_221 : vector<1x16xf32> to vector<16xf32>
      %add3A_223 = arith.addf %get3A_218, %get3A_222 : vector<16xf32>
      %swap3A_224 = arith.index_cast %scan3A_47 : i32 to index
      %swap3A_225 = arith.constant 192 : index
      %swap3A_226 = tpu.vector_load %arg7[%swap3A_224, %swap3A_225] {strides = array<i32>} : memref<32x1024xf32, #tpu.memory_space<vmem>>, vector<1x16xf32>,
      %swap3A_227 = vector.shape_cast %swap3A_226 : vector<1x16xf32> to vector<16xf32>
      %swap3A_228 = vector.shape_cast %add3A_223 : vector<16xf32> to vector<1x16xf32>
      tpu.vector_store %arg7[%swap3A_224, %swap3A_225], %swap3A_228 {strides = array<i32>} : memref<32x1024xf32, #tpu.memory_space<vmem>>, vector<1x16xf32>,
      %get3A_229 = arith.index_cast %scan3A_47 : i32 to index
      %get3A_230 = arith.constant 208 : index
      %get3A_231 = tpu.vector_load %arg7[%get3A_229, %get3A_230] {strides = array<i32>} : memref<32x1024xf32, #tpu.memory_space<vmem>>, vector<1x16xf32>,
      %get3A_232 = vector.shape_cast %get3A_231 : vector<1x16xf32> to vector<16xf32>
      %get3A_233 = arith.index_cast %scan3A_47 : i32 to index
      %get3A_234 = arith.constant 208 : index
      %get3A_235 = tpu.vector_load %arg8[%get3A_233, %get3A_234] {strides = array<i32>} : memref<32x1024xf32, #tpu.memory_space<vmem>>, vector<1x16xf32>,
      %get3A_236 = vector.shape_cast %get3A_235 : vector<1x16xf32> to vector<16xf32>
      %add3A_237 = arith.addf %get3A_232, %get3A_236 : vector<16xf32>
      %swap3A_238 = arith.index_cast %scan3A_47 : i32 to index
      %swap3A_239 = arith.constant 208 : index
      %swap3A_240 = tpu.vector_load %arg7[%swap3A_238, %swap3A_239] {strides = array<i32>} : memref<32x1024xf32, #tpu.memory_space<vmem>>, vector<1x16xf32>,
      %swap3A_241 = vector.shape_cast %swap3A_240 : vector<1x16xf32> to vector<16xf32>
      %swap3A_242 = vector.shape_cast %add3A_237 : vector<16xf32> to vector<1x16xf32>
      tpu.vector_store %arg7[%swap3A_238, %swap3A_239], %swap3A_242 {strides = array<i32>} : memref<32x1024xf32, #tpu.memory_space<vmem>>, vector<1x16xf32>,
      %get3A_243 = arith.index_cast %scan3A_47 : i32 to index
      %get3A_244 = arith.constant 224 : index
      %get3A_245 = tpu.vector_load %arg7[%get3A_243, %get3A_244] {strides = array<i32>} : memref<32x1024xf32, #tpu.memory_space<vmem>>, vector<1x16xf32>,
      %get3A_246 = vector.shape_cast %get3A_245 : vector<1x16xf32> to vector<16xf32>
      %get3A_247 = arith.index_cast %scan3A_47 : i32 to index
      %get3A_248 = arith.constant 224 : index
      %get3A_249 = tpu.vector_load %arg8[%get3A_247, %get3A_248] {strides = array<i32>} : memref<32x1024xf32, #tpu.memory_space<vmem>>, vector<1x16xf32>,
      %get3A_250 = vector.shape_cast %get3A_249 : vector<1x16xf32> to vector<16xf32>
      %add3A_251 = arith.addf %get3A_246, %get3A_250 : vector<16xf32>
      %swap3A_252 = arith.index_cast %scan3A_47 : i32 to index
      %swap3A_253 = arith.constant 224 : index
      %swap3A_254 = tpu.vector_load %arg7[%swap3A_252, %swap3A_253] {strides = array<i32>} : memref<32x1024xf32, #tpu.memory_space<vmem>>, vector<1x16xf32>,
      %swap3A_255 = vector.shape_cast %swap3A_254 : vector<1x16xf32> to vector<16xf32>
      %swap3A_256 = vector.shape_cast %add3A_251 : vector<16xf32> to vector<1x16xf32>
      tpu.vector_store %arg7[%swap3A_252, %swap3A_253], %swap3A_256 {strides = array<i32>} : memref<32x1024xf32, #tpu.memory_space<vmem>>, vector<1x16xf32>,
      %get3A_257 = arith.index_cast %scan3A_47 : i32 to index
      %get3A_258 = arith.constant 240 : index
      %get3A_259 = tpu.vector_load %arg7[%get3A_257, %get3A_258] {strides = array<i32>} : memref<32x1024xf32, #tpu.memory_space<vmem>>, vector<1x16xf32>,
      %get3A_260 = vector.shape_cast %get3A_259 : vector<1x16xf32> to vector<16xf32>
      %get3A_261 = arith.index_cast %scan3A_47 : i32 to index
      %get3A_262 = arith.constant 240 : index
      %get3A_263 = tpu.vector_load %arg8[%get3A_261, %get3A_262] {strides = array<i32>} : memref<32x1024xf32, #tpu.memory_space<vmem>>, vector<1x16xf32>,
      %get3A_264 = vector.shape_cast %get3A_263 : vector<1x16xf32> to vector<16xf32>
      %add3A_265 = arith.addf %get3A_260, %get3A_264 : vector<16xf32>
      %swap3A_266 = arith.index_cast %scan3A_47 : i32 to index
      %swap3A_267 = arith.constant 240 : index
      %swap3A_268 = tpu.vector_load %arg7[%swap3A_266, %swap3A_267] {strides = array<i32>} : memref<32x1024xf32, #tpu.memory_space<vmem>>, vector<1x16xf32>,
      %swap3A_269 = vector.shape_cast %swap3A_268 : vector<1x16xf32> to vector<16xf32>
      %swap3A_270 = vector.shape_cast %add3A_265 : vector<16xf32> to vector<1x16xf32>
      tpu.vector_store %arg7[%swap3A_266, %swap3A_267], %swap3A_270 {strides = array<i32>} : memref<32x1024xf32, #tpu.memory_space<vmem>>, vector<1x16xf32>,
      %get3A_271 = arith.index_cast %scan3A_47 : i32 to index
      %get3A_272 = arith.constant 256 : index
      %get3A_273 = tpu.vector_load %arg7[%get3A_271, %get3A_272] {strides = array<i32>} : memref<32x1024xf32, #tpu.memory_space<vmem>>, vector<1x16xf32>,
      %get3A_274 = vector.shape_cast %get3A_273 : vector<1x16xf32> to vector<16xf32>
      %get3A_275 = arith.index_cast %scan3A_47 : i32 to index
      %get3A_276 = arith.constant 256 : index
      %get3A_277 = tpu.vector_load %arg8[%get3A_275, %get3A_276] {strides = array<i32>} : memref<32x1024xf32, #tpu.memory_space<vmem>>, vector<1x16xf32>,
      %get3A_278 = vector.shape_cast %get3A_277 : vector<1x16xf32> to vector<16xf32>
      %add3A_279 = arith.addf %get3A_274, %get3A_278 : vector<16xf32>
      %swap3A_280 = arith.index_cast %scan3A_47 : i32 to index
      %swap3A_281 = arith.constant 256 : index
      %swap3A_282 = tpu.vector_load %arg7[%swap3A_280, %swap3A_281] {strides = array<i32>} : memref<32x1024xf32, #tpu.memory_space<vmem>>, vector<1x16xf32>,
      %swap3A_283 = vector.shape_cast %swap3A_282 : vector<1x16xf32> to vector<16xf32>
      %swap3A_284 = vector.shape_cast %add3A_279 : vector<16xf32> to vector<1x16xf32>
      tpu.vector_store %arg7[%swap3A_280, %swap3A_281], %swap3A_284 {strides = array<i32>} : memref<32x1024xf32, #tpu.memory_space<vmem>>, vector<1x16xf32>,
      %get3A_285 = arith.index_cast %scan3A_47 : i32 to index
      %get3A_286 = arith.constant 272 : index
      %get3A_287 = tpu.vector_load %arg7[%get3A_285, %get3A_286] {strides = array<i32>} : memref<32x1024xf32, #tpu.memory_space<vmem>>, vector<1x16xf32>,
      %get3A_288 = vector.shape_cast %get3A_287 : vector<1x16xf32> to vector<16xf32>
      %get3A_289 = arith.index_cast %scan3A_47 : i32 to index
      %get3A_290 = arith.constant 272 : index
      %get3A_291 = tpu.vector_load %arg8[%get3A_289, %get3A_290] {strides = array<i32>} : memref<32x1024xf32, #tpu.memory_space<vmem>>, vector<1x16xf32>,
      %get3A_292 = vector.shape_cast %get3A_291 : vector<1x16xf32> to vector<16xf32>
      %add3A_293 = arith.addf %get3A_288, %get3A_292 : vector<16xf32>
      %swap3A_294 = arith.index_cast %scan3A_47 : i32 to index
      %swap3A_295 = arith.constant 272 : index
      %swap3A_296 = tpu.vector_load %arg7[%swap3A_294, %swap3A_295] {strides = array<i32>} : memref<32x1024xf32, #tpu.memory_space<vmem>>, vector<1x16xf32>,
      %swap3A_297 = vector.shape_cast %swap3A_296 : vector<1x16xf32> to vector<16xf32>
      %swap3A_298 = vector.shape_cast %add3A_293 : vector<16xf32> to vector<1x16xf32>
      tpu.vector_store %arg7[%swap3A_294, %swap3A_295], %swap3A_298 {strides = array<i32>} : memref<32x1024xf32, #tpu.memory_space<vmem>>, vector<1x16xf32>,
      %get3A_299 = arith.index_cast %scan3A_47 : i32 to index
      %get3A_300 = arith.constant 288 : index
      %get3A_301 = tpu.vector_load %arg7[%get3A_299, %get3A_300] {strides = array<i32>} : memref<32x1024xf32, #tpu.memory_space<vmem>>, vector<1x16xf32>,
      %get3A_302 = vector.shape_cast %get3A_301 : vector<1x16xf32> to vector<16xf32>
      %get3A_303 = arith.index_cast %scan3A_47 : i32 to index
      %get3A_304 = arith.constant 288 : index
      %get3A_305 = tpu.vector_load %arg8[%get3A_303, %get3A_304] {strides = array<i32>} : memref<32x1024xf32, #tpu.memory_space<vmem>>, vector<1x16xf32>,
      %get3A_306 = vector.shape_cast %get3A_305 : vector<1x16xf32> to vector<16xf32>
      %add3A_307 = arith.addf %get3A_302, %get3A_306 : vector<16xf32>
      %swap3A_308 = arith.index_cast %scan3A_47 : i32 to index
      %swap3A_309 = arith.constant 288 : index
      %swap3A_310 = tpu.vector_load %arg7[%swap3A_308, %swap3A_309] {strides = array<i32>} : memref<32x1024xf32, #tpu.memory_space<vmem>>, vector<1x16xf32>,
      %swap3A_311 = vector.shape_cast %swap3A_310 : vector<1x16xf32> to vector<16xf32>
      %swap3A_312 = vector.shape_cast %add3A_307 : vector<16xf32> to vector<1x16xf32>
      tpu.vector_store %arg7[%swap3A_308, %swap3A_309], %swap3A_312 {strides = array<i32>} : memref<32x1024xf32, #tpu.memory_space<vmem>>, vector<1x16xf32>,
      %get3A_313 = arith.index_cast %scan3A_47 : i32 to index
      %get3A_314 = arith.constant 304 : index
      %get3A_315 = tpu.vector_load %arg7[%get3A_313, %get3A_314] {strides = array<i32>} : memref<32x1024xf32, #tpu.memory_space<vmem>>, vector<1x16xf32>,
      %get3A_316 = vector.shape_cast %get3A_315 : vector<1x16xf32> to vector<16xf32>
      %get3A_317 = arith.index_cast %scan3A_47 : i32 to index
      %get3A_318 = arith.constant 304 : index
      %get3A_319 = tpu.vector_load %arg8[%get3A_317, %get3A_318] {strides = array<i32>} : memref<32x1024xf32, #tpu.memory_space<vmem>>, vector<1x16xf32>,
      %get3A_320 = vector.shape_cast %get3A_319 : vector<1x16xf32> to vector<16xf32>
      %add3A_321 = arith.addf %get3A_316, %get3A_320 : vector<16xf32>
      %swap3A_322 = arith.index_cast %scan3A_47 : i32 to index
      %swap3A_323 = arith.constant 304 : index
      %swap3A_324 = tpu.vector_load %arg7[%swap3A_322, %swap3A_323] {strides = array<i32>} : memref<32x1024xf32, #tpu.memory_space<vmem>>, vector<1x16xf32>,
      %swap3A_325 = vector.shape_cast %swap3A_324 : vector<1x16xf32> to vector<16xf32>
      %swap3A_326 = vector.shape_cast %add3A_321 : vector<16xf32> to vector<1x16xf32>
      tpu.vector_store %arg7[%swap3A_322, %swap3A_323], %swap3A_326 {strides = array<i32>} : memref<32x1024xf32, #tpu.memory_space<vmem>>, vector<1x16xf32>,
      %get3A_327 = arith.index_cast %scan3A_47 : i32 to index
      %get3A_328 = arith.constant 320 : index
      %get3A_329 = tpu.vector_load %arg7[%get3A_327, %get3A_328] {strides = array<i32>} : memref<32x1024xf32, #tpu.memory_space<vmem>>, vector<1x16xf32>,
      %get3A_330 = vector.shape_cast %get3A_329 : vector<1x16xf32> to vector<16xf32>
      %get3A_331 = arith.index_cast %scan3A_47 : i32 to index
      %get3A_332 = arith.constant 320 : index
      %get3A_333 = tpu.vector_load %arg8[%get3A_331, %get3A_332] {strides = array<i32>} : memref<32x1024xf32, #tpu.memory_space<vmem>>, vector<1x16xf32>,
      %get3A_334 = vector.shape_cast %get3A_333 : vector<1x16xf32> to vector<16xf32>
      %add3A_335 = arith.addf %get3A_330, %get3A_334 : vector<16xf32>
      %swap3A_336 = arith.index_cast %scan3A_47 : i32 to index
      %swap3A_337 = arith.constant 320 : index
      %swap3A_338 = tpu.vector_load %arg7[%swap3A_336, %swap3A_337] {strides = array<i32>} : memref<32x1024xf32, #tpu.memory_space<vmem>>, vector<1x16xf32>,
      %swap3A_339 = vector.shape_cast %swap3A_338 : vector<1x16xf32> to vector<16xf32>
      %swap3A_340 = vector.shape_cast %add3A_335 : vector<16xf32> to vector<1x16xf32>
      tpu.vector_store %arg7[%swap3A_336, %swap3A_337], %swap3A_340 {strides = array<i32>} : memref<32x1024xf32, #tpu.memory_space<vmem>>, vector<1x16xf32>,
      %get3A_341 = arith.index_cast %scan3A_47 : i32 to index
      %get3A_342 = arith.constant 336 : index
      %get3A_343 = tpu.vector_load %arg7[%get3A_341, %get3A_342] {strides = array<i32>} : memref<32x1024xf32, #tpu.memory_space<vmem>>, vector<1x16xf32>,
      %get3A_344 = vector.shape_cast %get3A_343 : vector<1x16xf32> to vector<16xf32>
      %get3A_345 = arith.index_cast %scan3A_47 : i32 to index
      %get3A_346 = arith.constant 336 : index
      %get3A_347 = tpu.vector_load %arg8[%get3A_345, %get3A_346] {strides = array<i32>} : memref<32x1024xf32, #tpu.memory_space<vmem>>, vector<1x16xf32>,
      %get3A_348 = vector.shape_cast %get3A_347 : vector<1x16xf32> to vector<16xf32>
      %add3A_349 = arith.addf %get3A_344, %get3A_348 : vector<16xf32>
      %swap3A_350 = arith.index_cast %scan3A_47 : i32 to index
      %swap3A_351 = arith.constant 336 : index
      %swap3A_352 = tpu.vector_load %arg7[%swap3A_350, %swap3A_351] {strides = array<i32>} : memref<32x1024xf32, #tpu.memory_space<vmem>>, vector<1x16xf32>,
      %swap3A_353 = vector.shape_cast %swap3A_352 : vector<1x16xf32> to vector<16xf32>
      %swap3A_354 = vector.shape_cast %add3A_349 : vector<16xf32> to vector<1x16xf32>
      tpu.vector_store %arg7[%swap3A_350, %swap3A_351], %swap3A_354 {strides = array<i32>} : memref<32x1024xf32, #tpu.memory_space<vmem>>, vector<1x16xf32>,
      %get3A_355 = arith.index_cast %scan3A_47 : i32 to index
      %get3A_356 = arith.constant 352 : index
      %get3A_357 = tpu.vector_load %arg7[%get3A_355, %get3A_356] {strides = array<i32>} : memref<32x1024xf32, #tpu.memory_space<vmem>>, vector<1x16xf32>,
      %get3A_358 = vector.shape_cast %get3A_357 : vector<1x16xf32> to vector<16xf32>
      %get3A_359 = arith.index_cast %scan3A_47 : i32 to index
      %get3A_360 = arith.constant 352 : index
      %get3A_361 = tpu.vector_load %arg8[%get3A_359, %get3A_360] {strides = array<i32>} : memref<32x1024xf32, #tpu.memory_space<vmem>>, vector<1x16xf32>,
      %get3A_362 = vector.shape_cast %get3A_361 : vector<1x16xf32> to vector<16xf32>
      %add3A_363 = arith.addf %get3A_358, %get3A_362 : vector<16xf32>
      %swap3A_364 = arith.index_cast %scan3A_47 : i32 to index
      %swap3A_365 = arith.constant 352 : index
      %swap3A_366 = tpu.vector_load %arg7[%swap3A_364, %swap3A_365] {strides = array<i32>} : memref<32x1024xf32, #tpu.memory_space<vmem>>, vector<1x16xf32>,
      %swap3A_367 = vector.shape_cast %swap3A_366 : vector<1x16xf32> to vector<16xf32>
      %swap3A_368 = vector.shape_cast %add3A_363 : vector<16xf32> to vector<1x16xf32>
      tpu.vector_store %arg7[%swap3A_364, %swap3A_365], %swap3A_368 {strides = array<i32>} : memref<32x1024xf32, #tpu.memory_space<vmem>>, vector<1x16xf32>,
      %get3A_369 = arith.index_cast %scan3A_47 : i32 to index
      %get3A_370 = arith.constant 368 : index
      %get3A_371 = tpu.vector_load %arg7[%get3A_369, %get3A_370] {strides = array<i32>} : memref<32x1024xf32, #tpu.memory_space<vmem>>, vector<1x16xf32>,
      %get3A_372 = vector.shape_cast %get3A_371 : vector<1x16xf32> to vector<16xf32>
      %get3A_373 = arith.index_cast %scan3A_47 : i32 to index
      %get3A_374 = arith.constant 368 : index
      %get3A_375 = tpu.vector_load %arg8[%get3A_373, %get3A_374] {strides = array<i32>} : memref<32x1024xf32, #tpu.memory_space<vmem>>, vector<1x16xf32>,
      %get3A_376 = vector.shape_cast %get3A_375 : vector<1x16xf32> to vector<16xf32>
      %add3A_377 = arith.addf %get3A_372, %get3A_376 : vector<16xf32>
      %swap3A_378 = arith.index_cast %scan3A_47 : i32 to index
      %swap3A_379 = arith.constant 368 : index
      %swap3A_380 = tpu.vector_load %arg7[%swap3A_378, %swap3A_379] {strides = array<i32>} : memref<32x1024xf32, #tpu.memory_space<vmem>>, vector<1x16xf32>,
      %swap3A_381 = vector.shape_cast %swap3A_380 : vector<1x16xf32> to vector<16xf32>
      %swap3A_382 = vector.shape_cast %add3A_377 : vector<16xf32> to vector<1x16xf32>
      tpu.vector_store %arg7[%swap3A_378, %swap3A_379], %swap3A_382 {strides = array<i32>} : memref<32x1024xf32, #tpu.memory_space<vmem>>, vector<1x16xf32>,
      %get3A_383 = arith.index_cast %scan3A_47 : i32 to index
      %get3A_384 = arith.constant 384 : index
      %get3A_385 = tpu.vector_load %arg7[%get3A_383, %get3A_384] {strides = array<i32>} : memref<32x1024xf32, #tpu.memory_space<vmem>>, vector<1x16xf32>,
      %get3A_386 = vector.shape_cast %get3A_385 : vector<1x16xf32> to vector<16xf32>
      %get3A_387 = arith.index_cast %scan3A_47 : i32 to index
      %get3A_388 = arith.constant 384 : index
      %get3A_389 = tpu.vector_load %arg8[%get3A_387, %get3A_388] {strides = array<i32>} : memref<32x1024xf32, #tpu.memory_space<vmem>>, vector<1x16xf32>,
      %get3A_390 = vector.shape_cast %get3A_389 : vector<1x16xf32> to vector<16xf32>
      %add3A_391 = arith.addf %get3A_386, %get3A_390 : vector<16xf32>
      %swap3A_392 = arith.index_cast %scan3A_47 : i32 to index
      %swap3A_393 = arith.constant 384 : index
      %swap3A_394 = tpu.vector_load %arg7[%swap3A_392, %swap3A_393] {strides = array<i32>} : memref<32x1024xf32, #tpu.memory_space<vmem>>, vector<1x16xf32>,
      %swap3A_395 = vector.shape_cast %swap3A_394 : vector<1x16xf32> to vector<16xf32>
      %swap3A_396 = vector.shape_cast %add3A_391 : vector<16xf32> to vector<1x16xf32>
      tpu.vector_store %arg7[%swap3A_392, %swap3A_393], %swap3A_396 {strides = array<i32>} : memref<32x1024xf32, #tpu.memory_space<vmem>>, vector<1x16xf32>,
      %get3A_397 = arith.index_cast %scan3A_47 : i32 to index
      %get3A_398 = arith.constant 400 : index
      %get3A_399 = tpu.vector_load %arg7[%get3A_397, %get3A_398] {strides = array<i32>} : memref<32x1024xf32, #tpu.memory_space<vmem>>, vector<1x16xf32>,
      %get3A_400 = vector.shape_cast %get3A_399 : vector<1x16xf32> to vector<16xf32>
      %get3A_401 = arith.index_cast %scan3A_47 : i32 to index
      %get3A_402 = arith.constant 400 : index
      %get3A_403 = tpu.vector_load %arg8[%get3A_401, %get3A_402] {strides = array<i32>} : memref<32x1024xf32, #tpu.memory_space<vmem>>, vector<1x16xf32>,
      %get3A_404 = vector.shape_cast %get3A_403 : vector<1x16xf32> to vector<16xf32>
      %add3A_405 = arith.addf %get3A_400, %get3A_404 : vector<16xf32>
      %swap3A_406 = arith.index_cast %scan3A_47 : i32 to index
      %swap3A_407 = arith.constant 400 : index
      %swap3A_408 = tpu.vector_load %arg7[%swap3A_406, %swap3A_407] {strides = array<i32>} : memref<32x1024xf32, #tpu.memory_space<vmem>>, vector<1x16xf32>,
      %swap3A_409 = vector.shape_cast %swap3A_408 : vector<1x16xf32> to vector<16xf32>
      %swap3A_410 = vector.shape_cast %add3A_405 : vector<16xf32> to vector<1x16xf32>
      tpu.vector_store %arg7[%swap3A_406, %swap3A_407], %swap3A_410 {strides = array<i32>} : memref<32x1024xf32, #tpu.memory_space<vmem>>, vector<1x16xf32>,
      %get3A_411 = arith.index_cast %scan3A_47 : i32 to index
      %get3A_412 = arith.constant 416 : index
      %get3A_413 = tpu.vector_load %arg7[%get3A_411, %get3A_412] {strides = array<i32>} : memref<32x1024xf32, #tpu.memory_space<vmem>>, vector<1x16xf32>,
      %get3A_414 = vector.shape_cast %get3A_413 : vector<1x16xf32> to vector<16xf32>
      %get3A_415 = arith.index_cast %scan3A_47 : i32 to index
      %get3A_416 = arith.constant 416 : index
      %get3A_417 = tpu.vector_load %arg8[%get3A_415, %get3A_416] {strides = array<i32>} : memref<32x1024xf32, #tpu.memory_space<vmem>>, vector<1x16xf32>,
      %get3A_418 = vector.shape_cast %get3A_417 : vector<1x16xf32> to vector<16xf32>
      %add3A_419 = arith.addf %get3A_414, %get3A_418 : vector<16xf32>
      %swap3A_420 = arith.index_cast %scan3A_47 : i32 to index
      %swap3A_421 = arith.constant 416 : index
      %swap3A_422 = tpu.vector_load %arg7[%swap3A_420, %swap3A_421] {strides = array<i32>} : memref<32x1024xf32, #tpu.memory_space<vmem>>, vector<1x16xf32>,
      %swap3A_423 = vector.shape_cast %swap3A_422 : vector<1x16xf32> to vector<16xf32>
      %swap3A_424 = vector.shape_cast %add3A_419 : vector<16xf32> to vector<1x16xf32>
      tpu.vector_store %arg7[%swap3A_420, %swap3A_421], %swap3A_424 {strides = array<i32>} : memref<32x1024xf32, #tpu.memory_space<vmem>>, vector<1x16xf32>,
      %get3A_425 = arith.index_cast %scan3A_47 : i32 to index
      %get3A_426 = arith.constant 432 : index
      %get3A_427 = tpu.vector_load %arg7[%get3A_425, %get3A_426] {strides = array<i32>} : memref<32x1024xf32, #tpu.memory_space<vmem>>, vector<1x16xf32>,
      %get3A_428 = vector.shape_cast %get3A_427 : vector<1x16xf32> to vector<16xf32>
      %get3A_429 = arith.index_cast %scan3A_47 : i32 to index
      %get3A_430 = arith.constant 432 : index
      %get3A_431 = tpu.vector_load %arg8[%get3A_429, %get3A_430] {strides = array<i32>} : memref<32x1024xf32, #tpu.memory_space<vmem>>, vector<1x16xf32>,
      %get3A_432 = vector.shape_cast %get3A_431 : vector<1x16xf32> to vector<16xf32>
      %add3A_433 = arith.addf %get3A_428, %get3A_432 : vector<16xf32>
      %swap3A_434 = arith.index_cast %scan3A_47 : i32 to index
      %swap3A_435 = arith.constant 432 : index
      %swap3A_436 = tpu.vector_load %arg7[%swap3A_434, %swap3A_435] {strides = array<i32>} : memref<32x1024xf32, #tpu.memory_space<vmem>>, vector<1x16xf32>,
      %swap3A_437 = vector.shape_cast %swap3A_436 : vector<1x16xf32> to vector<16xf32>
      %swap3A_438 = vector.shape_cast %add3A_433 : vector<16xf32> to vector<1x16xf32>
      tpu.vector_store %arg7[%swap3A_434, %swap3A_435], %swap3A_438 {strides = array<i32>} : memref<32x1024xf32, #tpu.memory_space<vmem>>, vector<1x16xf32>,
      %get3A_439 = arith.index_cast %scan3A_47 : i32 to index
      %get3A_440 = arith.constant 448 : index
      %get3A_441 = tpu.vector_load %arg7[%get3A_439, %get3A_440] {strides = array<i32>} : memref<32x1024xf32, #tpu.memory_space<vmem>>, vector<1x16xf32>,
      %get3A_442 = vector.shape_cast %get3A_441 : vector<1x16xf32> to vector<16xf32>
      %get3A_443 = arith.index_cast %scan3A_47 : i32 to index
      %get3A_444 = arith.constant 448 : index
      %get3A_445 = tpu.vector_load %arg8[%get3A_443, %get3A_444] {strides = array<i32>} : memref<32x1024xf32, #tpu.memory_space<vmem>>, vector<1x16xf32>,
      %get3A_446 = vector.shape_cast %get3A_445 : vector<1x16xf32> to vector<16xf32>
      %add3A_447 = arith.addf %get3A_442, %get3A_446 : vector<16xf32>
      %swap3A_448 = arith.index_cast %scan3A_47 : i32 to index
      %swap3A_449 = arith.constant 448 : index
      %swap3A_450 = tpu.vector_load %arg7[%swap3A_448, %swap3A_449] {strides = array<i32>} : memref<32x1024xf32, #tpu.memory_space<vmem>>, vector<1x16xf32>,
      %swap3A_451 = vector.shape_cast %swap3A_450 : vector<1x16xf32> to vector<16xf32>
      %swap3A_452 = vector.shape_cast %add3A_447 : vector<16xf32> to vector<1x16xf32>
      tpu.vector_store %arg7[%swap3A_448, %swap3A_449], %swap3A_452 {strides = array<i32>} : memref<32x1024xf32, #tpu.memory_space<vmem>>, vector<1x16xf32>,
      %get3A_453 = arith.index_cast %scan3A_47 : i32 to index
      %get3A_454 = arith.constant 464 : index
      %get3A_455 = tpu.vector_load %arg7[%get3A_453, %get3A_454] {strides = array<i32>} : memref<32x1024xf32, #tpu.memory_space<vmem>>, vector<1x16xf32>,
      %get3A_456 = vector.shape_cast %get3A_455 : vector<1x16xf32> to vector<16xf32>
      %get3A_457 = arith.index_cast %scan3A_47 : i32 to index
      %get3A_458 = arith.constant 464 : index
      %get3A_459 = tpu.vector_load %arg8[%get3A_457, %get3A_458] {strides = array<i32>} : memref<32x1024xf32, #tpu.memory_space<vmem>>, vector<1x16xf32>,
      %get3A_460 = vector.shape_cast %get3A_459 : vector<1x16xf32> to vector<16xf32>
      %add3A_461 = arith.addf %get3A_456, %get3A_460 : vector<16xf32>
      %swap3A_462 = arith.index_cast %scan3A_47 : i32 to index
      %swap3A_463 = arith.constant 464 : index
      %swap3A_464 = tpu.vector_load %arg7[%swap3A_462, %swap3A_463] {strides = array<i32>} : memref<32x1024xf32, #tpu.memory_space<vmem>>, vector<1x16xf32>,
      %swap3A_465 = vector.shape_cast %swap3A_464 : vector<1x16xf32> to vector<16xf32>
      %swap3A_466 = vector.shape_cast %add3A_461 : vector<16xf32> to vector<1x16xf32>
      tpu.vector_store %arg7[%swap3A_462, %swap3A_463], %swap3A_466 {strides = array<i32>} : memref<32x1024xf32, #tpu.memory_space<vmem>>, vector<1x16xf32>,
      %get3A_467 = arith.index_cast %scan3A_47 : i32 to index
      %get3A_468 = arith.constant 480 : index
      %get3A_469 = tpu.vector_load %arg7[%get3A_467, %get3A_468] {strides = array<i32>} : memref<32x1024xf32, #tpu.memory_space<vmem>>, vector<1x16xf32>,
      %get3A_470 = vector.shape_cast %get3A_469 : vector<1x16xf32> to vector<16xf32>
      %get3A_471 = arith.index_cast %scan3A_47 : i32 to index
      %get3A_472 = arith.constant 480 : index
      %get3A_473 = tpu.vector_load %arg8[%get3A_471, %get3A_472] {strides = array<i32>} : memref<32x1024xf32, #tpu.memory_space<vmem>>, vector<1x16xf32>,
      %get3A_474 = vector.shape_cast %get3A_473 : vector<1x16xf32> to vector<16xf32>
      %add3A_475 = arith.addf %get3A_470, %get3A_474 : vector<16xf32>
      %swap3A_476 = arith.index_cast %scan3A_47 : i32 to index
      %swap3A_477 = arith.constant 480 : index
      %swap3A_478 = tpu.vector_load %arg7[%swap3A_476, %swap3A_477] {strides = array<i32>} : memref<32x1024xf32, #tpu.memory_space<vmem>>, vector<1x16xf32>,
      %swap3A_479 = vector.shape_cast %swap3A_478 : vector<1x16xf32> to vector<16xf32>
      %swap3A_480 = vector.shape_cast %add3A_475 : vector<16xf32> to vector<1x16xf32>
      tpu.vector_store %arg7[%swap3A_476, %swap3A_477], %swap3A_480 {strides = array<i32>} : memref<32x1024xf32, #tpu.memory_space<vmem>>, vector<1x16xf32>,
      %get3A_481 = arith.index_cast %scan3A_47 : i32 to index
      %get3A_482 = arith.constant 496 : index
      %get3A_483 = tpu.vector_load %arg7[%get3A_481, %get3A_482] {strides = array<i32>} : memref<32x1024xf32, #tpu.memory_space<vmem>>, vector<1x16xf32>,
      %get3A_484 = vector.shape_cast %get3A_483 : vector<1x16xf32> to vector<16xf32>
      %get3A_485 = arith.index_cast %scan3A_47 : i32 to index
      %get3A_486 = arith.constant 496 : index
      %get3A_487 = tpu.vector_load %arg8[%get3A_485, %get3A_486] {strides = array<i32>} : memref<32x1024xf32, #tpu.memory_space<vmem>>, vector<1x16xf32>,
      %get3A_488 = vector.shape_cast %get3A_487 : vector<1x16xf32> to vector<16xf32>
      %add3A_489 = arith.addf %get3A_484, %get3A_488 : vector<16xf32>
      %swap3A_490 = arith.index_cast %scan3A_47 : i32 to index
      %swap3A_491 = arith.constant 496 : index
      %swap3A_492 = tpu.vector_load %arg7[%swap3A_490, %swap3A_491] {strides = array<i32>} : memref<32x1024xf32, #tpu.memory_space<vmem>>, vector<1x16xf32>,
      %swap3A_493 = vector.shape_cast %swap3A_492 : vector<1x16xf32> to vector<16xf32>
      %swap3A_494 = vector.shape_cast %add3A_489 : vector<16xf32> to vector<1x16xf32>
      tpu.vector_store %arg7[%swap3A_490, %swap3A_491], %swap3A_494 {strides = array<i32>} : memref<32x1024xf32, #tpu.memory_space<vmem>>, vector<1x16xf32>,
      %get3A_495 = arith.index_cast %scan3A_47 : i32 to index
      %get3A_496 = arith.constant 512 : index
      %get3A_497 = tpu.vector_load %arg7[%get3A_495, %get3A_496] {strides = array<i32>} : memref<32x1024xf32, #tpu.memory_space<vmem>>, vector<1x16xf32>,
      %get3A_498 = vector.shape_cast %get3A_497 : vector<1x16xf32> to vector<16xf32>
      %get3A_499 = arith.index_cast %scan3A_47 : i32 to index
      %get3A_500 = arith.constant 512 : index
      %get3A_501 = tpu.vector_load %arg8[%get3A_499, %get3A_500] {strides = array<i32>} : memref<32x1024xf32, #tpu.memory_space<vmem>>, vector<1x16xf32>,
      %get3A_502 = vector.shape_cast %get3A_501 : vector<1x16xf32> to vector<16xf32>
      %add3A_503 = arith.addf %get3A_498, %get3A_502 : vector<16xf32>
      %swap3A_504 = arith.index_cast %scan3A_47 : i32 to index
      %swap3A_505 = arith.constant 512 : index
      %swap3A_506 = tpu.vector_load %arg7[%swap3A_504, %swap3A_505] {strides = array<i32>} : memref<32x1024xf32, #tpu.memory_space<vmem>>, vector<1x16xf32>,
      %swap3A_507 = vector.shape_cast %swap3A_506 : vector<1x16xf32> to vector<16xf32>
      %swap3A_508 = vector.shape_cast %add3A_503 : vector<16xf32> to vector<1x16xf32>
      tpu.vector_store %arg7[%swap3A_504, %swap3A_505], %swap3A_508 {strides = array<i32>} : memref<32x1024xf32, #tpu.memory_space<vmem>>, vector<1x16xf32>,
      %get3A_509 = arith.index_cast %scan3A_47 : i32 to index
      %get3A_510 = arith.constant 528 : index
      %get3A_511 = tpu.vector_load %arg7[%get3A_509, %get3A_510] {strides = array<i32>} : memref<32x1024xf32, #tpu.memory_space<vmem>>, vector<1x16xf32>,
      %get3A_512 = vector.shape_cast %get3A_511 : vector<1x16xf32> to vector<16xf32>
      %get3A_513 = arith.index_cast %scan3A_47 : i32 to index
      %get3A_514 = arith.constant 528 : index
      %get3A_515 = tpu.vector_load %arg8[%get3A_513, %get3A_514] {strides = array<i32>} : memref<32x1024xf32, #tpu.memory_space<vmem>>, vector<1x16xf32>,
      %get3A_516 = vector.shape_cast %get3A_515 : vector<1x16xf32> to vector<16xf32>
      %add3A_517 = arith.addf %get3A_512, %get3A_516 : vector<16xf32>
      %swap3A_518 = arith.index_cast %scan3A_47 : i32 to index
      %swap3A_519 = arith.constant 528 : index
      %swap3A_520 = tpu.vector_load %arg7[%swap3A_518, %swap3A_519] {strides = array<i32>} : memref<32x1024xf32, #tpu.memory_space<vmem>>, vector<1x16xf32>,
      %swap3A_521 = vector.shape_cast %swap3A_520 : vector<1x16xf32> to vector<16xf32>
      %swap3A_522 = vector.shape_cast %add3A_517 : vector<16xf32> to vector<1x16xf32>
      tpu.vector_store %arg7[%swap3A_518, %swap3A_519], %swap3A_522 {strides = array<i32>} : memref<32x1024xf32, #tpu.memory_space<vmem>>, vector<1x16xf32>,
      %get3A_523 = arith.index_cast %scan3A_47 : i32 to index
      %get3A_524 = arith.constant 544 : index
      %get3A_525 = tpu.vector_load %arg7[%get3A_523, %get3A_524] {strides = array<i32>} : memref<32x1024xf32, #tpu.memory_space<vmem>>, vector<1x16xf32>,
      %get3A_526 = vector.shape_cast %get3A_525 : vector<1x16xf32> to vector<16xf32>
      %get3A_527 = arith.index_cast %scan3A_47 : i32 to index
      %get3A_528 = arith.constant 544 : index
      %get3A_529 = tpu.vector_load %arg8[%get3A_527, %get3A_528] {strides = array<i32>} : memref<32x1024xf32, #tpu.memory_space<vmem>>, vector<1x16xf32>,
      %get3A_530 = vector.shape_cast %get3A_529 : vector<1x16xf32> to vector<16xf32>
      %add3A_531 = arith.addf %get3A_526, %get3A_530 : vector<16xf32>
      %swap3A_532 = arith.index_cast %scan3A_47 : i32 to index
      %swap3A_533 = arith.constant 544 : index
      %swap3A_534 = tpu.vector_load %arg7[%swap3A_532, %swap3A_533] {strides = array<i32>} : memref<32x1024xf32, #tpu.memory_space<vmem>>, vector<1x16xf32>,
      %swap3A_535 = vector.shape_cast %swap3A_534 : vector<1x16xf32> to vector<16xf32>
      %swap3A_536 = vector.shape_cast %add3A_531 : vector<16xf32> to vector<1x16xf32>
      tpu.vector_store %arg7[%swap3A_532, %swap3A_533], %swap3A_536 {strides = array<i32>} : memref<32x1024xf32, #tpu.memory_space<vmem>>, vector<1x16xf32>,
      %get3A_537 = arith.index_cast %scan3A_47 : i32 to index
      %get3A_538 = arith.constant 560 : index
      %get3A_539 = tpu.vector_load %arg7[%get3A_537, %get3A_538] {strides = array<i32>} : memref<32x1024xf32, #tpu.memory_space<vmem>>, vector<1x16xf32>,
      %get3A_540 = vector.shape_cast %get3A_539 : vector<1x16xf32> to vector<16xf32>
      %get3A_541 = arith.index_cast %scan3A_47 : i32 to index
      %get3A_542 = arith.constant 560 : index
      %get3A_543 = tpu.vector_load %arg8[%get3A_541, %get3A_542] {strides = array<i32>} : memref<32x1024xf32, #tpu.memory_space<vmem>>, vector<1x16xf32>,
      %get3A_544 = vector.shape_cast %get3A_543 : vector<1x16xf32> to vector<16xf32>
      %add3A_545 = arith.addf %get3A_540, %get3A_544 : vector<16xf32>
      %swap3A_546 = arith.index_cast %scan3A_47 : i32 to index
      %swap3A_547 = arith.constant 560 : index
      %swap3A_548 = tpu.vector_load %arg7[%swap3A_546, %swap3A_547] {strides = array<i32>} : memref<32x1024xf32, #tpu.memory_space<vmem>>, vector<1x16xf32>,
      %swap3A_549 = vector.shape_cast %swap3A_548 : vector<1x16xf32> to vector<16xf32>
      %swap3A_550 = vector.shape_cast %add3A_545 : vector<16xf32> to vector<1x16xf32>
      tpu.vector_store %arg7[%swap3A_546, %swap3A_547], %swap3A_550 {strides = array<i32>} : memref<32x1024xf32, #tpu.memory_space<vmem>>, vector<1x16xf32>,
      %get3A_551 = arith.index_cast %scan3A_47 : i32 to index
      %get3A_552 = arith.constant 576 : index
      %get3A_553 = tpu.vector_load %arg7[%get3A_551, %get3A_552] {strides = array<i32>} : memref<32x1024xf32, #tpu.memory_space<vmem>>, vector<1x16xf32>,
      %get3A_554 = vector.shape_cast %get3A_553 : vector<1x16xf32> to vector<16xf32>
      %get3A_555 = arith.index_cast %scan3A_47 : i32 to index
      %get3A_556 = arith.constant 576 : index
      %get3A_557 = tpu.vector_load %arg8[%get3A_555, %get3A_556] {strides = array<i32>} : memref<32x1024xf32, #tpu.memory_space<vmem>>, vector<1x16xf32>,
      %get3A_558 = vector.shape_cast %get3A_557 : vector<1x16xf32> to vector<16xf32>
      %add3A_559 = arith.addf %get3A_554, %get3A_558 : vector<16xf32>
      %swap3A_560 = arith.index_cast %scan3A_47 : i32 to index
      %swap3A_561 = arith.constant 576 : index
      %swap3A_562 = tpu.vector_load %arg7[%swap3A_560, %swap3A_561] {strides = array<i32>} : memref<32x1024xf32, #tpu.memory_space<vmem>>, vector<1x16xf32>,
      %swap3A_563 = vector.shape_cast %swap3A_562 : vector<1x16xf32> to vector<16xf32>
      %swap3A_564 = vector.shape_cast %add3A_559 : vector<16xf32> to vector<1x16xf32>
      tpu.vector_store %arg7[%swap3A_560, %swap3A_561], %swap3A_564 {strides = array<i32>} : memref<32x1024xf32, #tpu.memory_space<vmem>>, vector<1x16xf32>,
      %get3A_565 = arith.index_cast %scan3A_47 : i32 to index
      %get3A_566 = arith.constant 592 : index
      %get3A_567 = tpu.vector_load %arg7[%get3A_565, %get3A_566] {strides = array<i32>} : memref<32x1024xf32, #tpu.memory_space<vmem>>, vector<1x16xf32>,
      %get3A_568 = vector.shape_cast %get3A_567 : vector<1x16xf32> to vector<16xf32>
      %get3A_569 = arith.index_cast %scan3A_47 : i32 to index
      %get3A_570 = arith.constant 592 : index
      %get3A_571 = tpu.vector_load %arg8[%get3A_569, %get3A_570] {strides = array<i32>} : memref<32x1024xf32, #tpu.memory_space<vmem>>, vector<1x16xf32>,
      %get3A_572 = vector.shape_cast %get3A_571 : vector<1x16xf32> to vector<16xf32>
      %add3A_573 = arith.addf %get3A_568, %get3A_572 : vector<16xf32>
      %swap3A_574 = arith.index_cast %scan3A_47 : i32 to index
      %swap3A_575 = arith.constant 592 : index
      %swap3A_576 = tpu.vector_load %arg7[%swap3A_574, %swap3A_575] {strides = array<i32>} : memref<32x1024xf32, #tpu.memory_space<vmem>>, vector<1x16xf32>,
      %swap3A_577 = vector.shape_cast %swap3A_576 : vector<1x16xf32> to vector<16xf32>
      %swap3A_578 = vector.shape_cast %add3A_573 : vector<16xf32> to vector<1x16xf32>
      tpu.vector_store %arg7[%swap3A_574, %swap3A_575], %swap3A_578 {strides = array<i32>} : memref<32x1024xf32, #tpu.memory_space<vmem>>, vector<1x16xf32>,
      %get3A_579 = arith.index_cast %scan3A_47 : i32 to index
      %get3A_580 = arith.constant 608 : index
      %get3A_581 = tpu.vector_load %arg7[%get3A_579, %get3A_580] {strides = array<i32>} : memref<32x1024xf32, #tpu.memory_space<vmem>>, vector<1x16xf32>,
      %get3A_582 = vector.shape_cast %get3A_581 : vector<1x16xf32> to vector<16xf32>
      %get3A_583 = arith.index_cast %scan3A_47 : i32 to index
      %get3A_584 = arith.constant 608 : index
      %get3A_585 = tpu.vector_load %arg8[%get3A_583, %get3A_584] {strides = array<i32>} : memref<32x1024xf32, #tpu.memory_space<vmem>>, vector<1x16xf32>,
      %get3A_586 = vector.shape_cast %get3A_585 : vector<1x16xf32> to vector<16xf32>
      %add3A_587 = arith.addf %get3A_582, %get3A_586 : vector<16xf32>
      %swap3A_588 = arith.index_cast %scan3A_47 : i32 to index
      %swap3A_589 = arith.constant 608 : index
      %swap3A_590 = tpu.vector_load %arg7[%swap3A_588, %swap3A_589] {strides = array<i32>} : memref<32x1024xf32, #tpu.memory_space<vmem>>, vector<1x16xf32>,
      %swap3A_591 = vector.shape_cast %swap3A_590 : vector<1x16xf32> to vector<16xf32>
      %swap3A_592 = vector.shape_cast %add3A_587 : vector<16xf32> to vector<1x16xf32>
      tpu.vector_store %arg7[%swap3A_588, %swap3A_589], %swap3A_592 {strides = array<i32>} : memref<32x1024xf32, #tpu.memory_space<vmem>>, vector<1x16xf32>,
      %get3A_593 = arith.index_cast %scan3A_47 : i32 to index
      %get3A_594 = arith.constant 624 : index
      %get3A_595 = tpu.vector_load %arg7[%get3A_593, %get3A_594] {strides = array<i32>} : memref<32x1024xf32, #tpu.memory_space<vmem>>, vector<1x16xf32>,
      %get3A_596 = vector.shape_cast %get3A_595 : vector<1x16xf32> to vector<16xf32>
      %get3A_597 = arith.index_cast %scan3A_47 : i32 to index
      %get3A_598 = arith.constant 624 : index
      %get3A_599 = tpu.vector_load %arg8[%get3A_597, %get3A_598] {strides = array<i32>} : memref<32x1024xf32, #tpu.memory_space<vmem>>, vector<1x16xf32>,
      %get3A_600 = vector.shape_cast %get3A_599 : vector<1x16xf32> to vector<16xf32>
      %add3A_601 = arith.addf %get3A_596, %get3A_600 : vector<16xf32>
      %swap3A_602 = arith.index_cast %scan3A_47 : i32 to index
      %swap3A_603 = arith.constant 624 : index
      %swap3A_604 = tpu.vector_load %arg7[%swap3A_602, %swap3A_603] {strides = array<i32>} : memref<32x1024xf32, #tpu.memory_space<vmem>>, vector<1x16xf32>,
      %swap3A_605 = vector.shape_cast %swap3A_604 : vector<1x16xf32> to vector<16xf32>
      %swap3A_606 = vector.shape_cast %add3A_601 : vector<16xf32> to vector<1x16xf32>
      tpu.vector_store %arg7[%swap3A_602, %swap3A_603], %swap3A_606 {strides = array<i32>} : memref<32x1024xf32, #tpu.memory_space<vmem>>, vector<1x16xf32>,
      %get3A_607 = arith.index_cast %scan3A_47 : i32 to index
      %get3A_608 = arith.constant 640 : index
      %get3A_609 = tpu.vector_load %arg7[%get3A_607, %get3A_608] {strides = array<i32>} : memref<32x1024xf32, #tpu.memory_space<vmem>>, vector<1x16xf32>,
      %get3A_610 = vector.shape_cast %get3A_609 : vector<1x16xf32> to vector<16xf32>
      %get3A_611 = arith.index_cast %scan3A_47 : i32 to index
      %get3A_612 = arith.constant 640 : index
      %get3A_613 = tpu.vector_load %arg8[%get3A_611, %get3A_612] {strides = array<i32>} : memref<32x1024xf32, #tpu.memory_space<vmem>>, vector<1x16xf32>,
      %get3A_614 = vector.shape_cast %get3A_613 : vector<1x16xf32> to vector<16xf32>
      %add3A_615 = arith.addf %get3A_610, %get3A_614 : vector<16xf32>
      %swap3A_616 = arith.index_cast %scan3A_47 : i32 to index
      %swap3A_617 = arith.constant 640 : index
      %swap3A_618 = tpu.vector_load %arg7[%swap3A_616, %swap3A_617] {strides = array<i32>} : memref<32x1024xf32, #tpu.memory_space<vmem>>, vector<1x16xf32>,
      %swap3A_619 = vector.shape_cast %swap3A_618 : vector<1x16xf32> to vector<16xf32>
      %swap3A_620 = vector.shape_cast %add3A_615 : vector<16xf32> to vector<1x16xf32>
      tpu.vector_store %arg7[%swap3A_616, %swap3A_617], %swap3A_620 {strides = array<i32>} : memref<32x1024xf32, #tpu.memory_space<vmem>>, vector<1x16xf32>,
      %get3A_621 = arith.index_cast %scan3A_47 : i32 to index
      %get3A_622 = arith.constant 656 : index
      %get3A_623 = tpu.vector_load %arg7[%get3A_621, %get3A_622] {strides = array<i32>} : memref<32x1024xf32, #tpu.memory_space<vmem>>, vector<1x16xf32>,
      %get3A_624 = vector.shape_cast %get3A_623 : vector<1x16xf32> to vector<16xf32>
      %get3A_625 = arith.index_cast %scan3A_47 : i32 to index
      %get3A_626 = arith.constant 656 : index
      %get3A_627 = tpu.vector_load %arg8[%get3A_625, %get3A_626] {strides = array<i32>} : memref<32x1024xf32, #tpu.memory_space<vmem>>, vector<1x16xf32>,
      %get3A_628 = vector.shape_cast %get3A_627 : vector<1x16xf32> to vector<16xf32>
      %add3A_629 = arith.addf %get3A_624, %get3A_628 : vector<16xf32>
      %swap3A_630 = arith.index_cast %scan3A_47 : i32 to index
      %swap3A_631 = arith.constant 656 : index
      %swap3A_632 = tpu.vector_load %arg7[%swap3A_630, %swap3A_631] {strides = array<i32>} : memref<32x1024xf32, #tpu.memory_space<vmem>>, vector<1x16xf32>,
      %swap3A_633 = vector.shape_cast %swap3A_632 : vector<1x16xf32> to vector<16xf32>
      %swap3A_634 = vector.shape_cast %add3A_629 : vector<16xf32> to vector<1x16xf32>
      tpu.vector_store %arg7[%swap3A_630, %swap3A_631], %swap3A_634 {strides = array<i32>} : memref<32x1024xf32, #tpu.memory_space<vmem>>, vector<1x16xf32>,
      %get3A_635 = arith.index_cast %scan3A_47 : i32 to index
      %get3A_636 = arith.constant 672 : index
      %get3A_637 = tpu.vector_load %arg7[%get3A_635, %get3A_636] {strides = array<i32>} : memref<32x1024xf32, #tpu.memory_space<vmem>>, vector<1x16xf32>,
      %get3A_638 = vector.shape_cast %get3A_637 : vector<1x16xf32> to vector<16xf32>
      %get3A_639 = arith.index_cast %scan3A_47 : i32 to index
      %get3A_640 = arith.constant 672 : index
      %get3A_641 = tpu.vector_load %arg8[%get3A_639, %get3A_640] {strides = array<i32>} : memref<32x1024xf32, #tpu.memory_space<vmem>>, vector<1x16xf32>,
      %get3A_642 = vector.shape_cast %get3A_641 : vector<1x16xf32> to vector<16xf32>
      %add3A_643 = arith.addf %get3A_638, %get3A_642 : vector<16xf32>
      %swap3A_644 = arith.index_cast %scan3A_47 : i32 to index
      %swap3A_645 = arith.constant 672 : index
      %swap3A_646 = tpu.vector_load %arg7[%swap3A_644, %swap3A_645] {strides = array<i32>} : memref<32x1024xf32, #tpu.memory_space<vmem>>, vector<1x16xf32>,
      %swap3A_647 = vector.shape_cast %swap3A_646 : vector<1x16xf32> to vector<16xf32>
      %swap3A_648 = vector.shape_cast %add3A_643 : vector<16xf32> to vector<1x16xf32>
      tpu.vector_store %arg7[%swap3A_644, %swap3A_645], %swap3A_648 {strides = array<i32>} : memref<32x1024xf32, #tpu.memory_space<vmem>>, vector<1x16xf32>,
      %get3A_649 = arith.index_cast %scan3A_47 : i32 to index
      %get3A_650 = arith.constant 688 : index
      %get3A_651 = tpu.vector_load %arg7[%get3A_649, %get3A_650] {strides = array<i32>} : memref<32x1024xf32, #tpu.memory_space<vmem>>, vector<1x16xf32>,
      %get3A_652 = vector.shape_cast %get3A_651 : vector<1x16xf32> to vector<16xf32>
      %get3A_653 = arith.index_cast %scan3A_47 : i32 to index
      %get3A_654 = arith.constant 688 : index
      %get3A_655 = tpu.vector_load %arg8[%get3A_653, %get3A_654] {strides = array<i32>} : memref<32x1024xf32, #tpu.memory_space<vmem>>, vector<1x16xf32>,
      %get3A_656 = vector.shape_cast %get3A_655 : vector<1x16xf32> to vector<16xf32>
      %add3A_657 = arith.addf %get3A_652, %get3A_656 : vector<16xf32>
      %swap3A_658 = arith.index_cast %scan3A_47 : i32 to index
      %swap3A_659 = arith.constant 688 : index
      %swap3A_660 = tpu.vector_load %arg7[%swap3A_658, %swap3A_659] {strides = array<i32>} : memref<32x1024xf32, #tpu.memory_space<vmem>>, vector<1x16xf32>,
      %swap3A_661 = vector.shape_cast %swap3A_660 : vector<1x16xf32> to vector<16xf32>
      %swap3A_662 = vector.shape_cast %add3A_657 : vector<16xf32> to vector<1x16xf32>
      tpu.vector_store %arg7[%swap3A_658, %swap3A_659], %swap3A_662 {strides = array<i32>} : memref<32x1024xf32, #tpu.memory_space<vmem>>, vector<1x16xf32>,
      %get3A_663 = arith.index_cast %scan3A_47 : i32 to index
      %get3A_664 = arith.constant 704 : index
      %get3A_665 = tpu.vector_load %arg7[%get3A_663, %get3A_664] {strides = array<i32>} : memref<32x1024xf32, #tpu.memory_space<vmem>>, vector<1x16xf32>,
      %get3A_666 = vector.shape_cast %get3A_665 : vector<1x16xf32> to vector<16xf32>
      %get3A_667 = arith.index_cast %scan3A_47 : i32 to index
      %get3A_668 = arith.constant 704 : index
      %get3A_669 = tpu.vector_load %arg8[%get3A_667, %get3A_668] {strides = array<i32>} : memref<32x1024xf32, #tpu.memory_space<vmem>>, vector<1x16xf32>,
      %get3A_670 = vector.shape_cast %get3A_669 : vector<1x16xf32> to vector<16xf32>
      %add3A_671 = arith.addf %get3A_666, %get3A_670 : vector<16xf32>
      %swap3A_672 = arith.index_cast %scan3A_47 : i32 to index
      %swap3A_673 = arith.constant 704 : index
      %swap3A_674 = tpu.vector_load %arg7[%swap3A_672, %swap3A_673] {strides = array<i32>} : memref<32x1024xf32, #tpu.memory_space<vmem>>, vector<1x16xf32>,
      %swap3A_675 = vector.shape_cast %swap3A_674 : vector<1x16xf32> to vector<16xf32>
      %swap3A_676 = vector.shape_cast %add3A_671 : vector<16xf32> to vector<1x16xf32>
      tpu.vector_store %arg7[%swap3A_672, %swap3A_673], %swap3A_676 {strides = array<i32>} : memref<32x1024xf32, #tpu.memory_space<vmem>>, vector<1x16xf32>,
      %get3A_677 = arith.index_cast %scan3A_47 : i32 to index
      %get3A_678 = arith.constant 720 : index
      %get3A_679 = tpu.vector_load %arg7[%get3A_677, %get3A_678] {strides = array<i32>} : memref<32x1024xf32, #tpu.memory_space<vmem>>, vector<1x16xf32>,
      %get3A_680 = vector.shape_cast %get3A_679 : vector<1x16xf32> to vector<16xf32>
      %get3A_681 = arith.index_cast %scan3A_47 : i32 to index
      %get3A_682 = arith.constant 720 : index
      %get3A_683 = tpu.vector_load %arg8[%get3A_681, %get3A_682] {strides = array<i32>} : memref<32x1024xf32, #tpu.memory_space<vmem>>, vector<1x16xf32>,
      %get3A_684 = vector.shape_cast %get3A_683 : vector<1x16xf32> to vector<16xf32>
      %add3A_685 = arith.addf %get3A_680, %get3A_684 : vector<16xf32>
      %swap3A_686 = arith.index_cast %scan3A_47 : i32 to index
      %swap3A_687 = arith.constant 720 : index
      %swap3A_688 = tpu.vector_load %arg7[%swap3A_686, %swap3A_687] {strides = array<i32>} : memref<32x1024xf32, #tpu.memory_space<vmem>>, vector<1x16xf32>,
      %swap3A_689 = vector.shape_cast %swap3A_688 : vector<1x16xf32> to vector<16xf32>
      %swap3A_690 = vector.shape_cast %add3A_685 : vector<16xf32> to vector<1x16xf32>
      tpu.vector_store %arg7[%swap3A_686, %swap3A_687], %swap3A_690 {strides = array<i32>} : memref<32x1024xf32, #tpu.memory_space<vmem>>, vector<1x16xf32>,
      %get3A_691 = arith.index_cast %scan3A_47 : i32 to index
      %get3A_692 = arith.constant 736 : index
      %get3A_693 = tpu.vector_load %arg7[%get3A_691, %get3A_692] {strides = array<i32>} : memref<32x1024xf32, #tpu.memory_space<vmem>>, vector<1x16xf32>,
      %get3A_694 = vector.shape_cast %get3A_693 : vector<1x16xf32> to vector<16xf32>
      %get3A_695 = arith.index_cast %scan3A_47 : i32 to index
      %get3A_696 = arith.constant 736 : index
      %get3A_697 = tpu.vector_load %arg8[%get3A_695, %get3A_696] {strides = array<i32>} : memref<32x1024xf32, #tpu.memory_space<vmem>>, vector<1x16xf32>,
      %get3A_698 = vector.shape_cast %get3A_697 : vector<1x16xf32> to vector<16xf32>
      %add3A_699 = arith.addf %get3A_694, %get3A_698 : vector<16xf32>
      %swap3A_700 = arith.index_cast %scan3A_47 : i32 to index
      %swap3A_701 = arith.constant 736 : index
      %swap3A_702 = tpu.vector_load %arg7[%swap3A_700, %swap3A_701] {strides = array<i32>} : memref<32x1024xf32, #tpu.memory_space<vmem>>, vector<1x16xf32>,
      %swap3A_703 = vector.shape_cast %swap3A_702 : vector<1x16xf32> to vector<16xf32>
      %swap3A_704 = vector.shape_cast %add3A_699 : vector<16xf32> to vector<1x16xf32>
      tpu.vector_store %arg7[%swap3A_700, %swap3A_701], %swap3A_704 {strides = array<i32>} : memref<32x1024xf32, #tpu.memory_space<vmem>>, vector<1x16xf32>,
      %get3A_705 = arith.index_cast %scan3A_47 : i32 to index
      %get3A_706 = arith.constant 752 : index
      %get3A_707 = tpu.vector_load %arg7[%get3A_705, %get3A_706] {strides = array<i32>} : memref<32x1024xf32, #tpu.memory_space<vmem>>, vector<1x16xf32>,
      %get3A_708 = vector.shape_cast %get3A_707 : vector<1x16xf32> to vector<16xf32>
      %get3A_709 = arith.index_cast %scan3A_47 : i32 to index
      %get3A_710 = arith.constant 752 : index
      %get3A_711 = tpu.vector_load %arg8[%get3A_709, %get3A_710] {strides = array<i32>} : memref<32x1024xf32, #tpu.memory_space<vmem>>, vector<1x16xf32>,
      %get3A_712 = vector.shape_cast %get3A_711 : vector<1x16xf32> to vector<16xf32>
      %add3A_713 = arith.addf %get3A_708, %get3A_712 : vector<16xf32>
      %swap3A_714 = arith.index_cast %scan3A_47 : i32 to index
      %swap3A_715 = arith.constant 752 : index
      %swap3A_716 = tpu.vector_load %arg7[%swap3A_714, %swap3A_715] {strides = array<i32>} : memref<32x1024xf32, #tpu.memory_space<vmem>>, vector<1x16xf32>,
      %swap3A_717 = vector.shape_cast %swap3A_716 : vector<1x16xf32> to vector<16xf32>
      %swap3A_718 = vector.shape_cast %add3A_713 : vector<16xf32> to vector<1x16xf32>
      tpu.vector_store %arg7[%swap3A_714, %swap3A_715], %swap3A_718 {strides = array<i32>} : memref<32x1024xf32, #tpu.memory_space<vmem>>, vector<1x16xf32>,
      %get3A_719 = arith.index_cast %scan3A_47 : i32 to index
      %get3A_720 = arith.constant 768 : index
      %get3A_721 = tpu.vector_load %arg7[%get3A_719, %get3A_720] {strides = array<i32>} : memref<32x1024xf32, #tpu.memory_space<vmem>>, vector<1x16xf32>,
      %get3A_722 = vector.shape_cast %get3A_721 : vector<1x16xf32> to vector<16xf32>
      %get3A_723 = arith.index_cast %scan3A_47 : i32 to index
      %get3A_724 = arith.constant 768 : index
      %get3A_725 = tpu.vector_load %arg8[%get3A_723, %get3A_724] {strides = array<i32>} : memref<32x1024xf32, #tpu.memory_space<vmem>>, vector<1x16xf32>,
      %get3A_726 = vector.shape_cast %get3A_725 : vector<1x16xf32> to vector<16xf32>
      %add3A_727 = arith.addf %get3A_722, %get3A_726 : vector<16xf32>
      %swap3A_728 = arith.index_cast %scan3A_47 : i32 to index
      %swap3A_729 = arith.constant 768 : index
      %swap3A_730 = tpu.vector_load %arg7[%swap3A_728, %swap3A_729] {strides = array<i32>} : memref<32x1024xf32, #tpu.memory_space<vmem>>, vector<1x16xf32>,
      %swap3A_731 = vector.shape_cast %swap3A_730 : vector<1x16xf32> to vector<16xf32>
      %swap3A_732 = vector.shape_cast %add3A_727 : vector<16xf32> to vector<1x16xf32>
      tpu.vector_store %arg7[%swap3A_728, %swap3A_729], %swap3A_732 {strides = array<i32>} : memref<32x1024xf32, #tpu.memory_space<vmem>>, vector<1x16xf32>,
      %get3A_733 = arith.index_cast %scan3A_47 : i32 to index
      %get3A_734 = arith.constant 784 : index
      %get3A_735 = tpu.vector_load %arg7[%get3A_733, %get3A_734] {strides = array<i32>} : memref<32x1024xf32, #tpu.memory_space<vmem>>, vector<1x16xf32>,
      %get3A_736 = vector.shape_cast %get3A_735 : vector<1x16xf32> to vector<16xf32>
      %get3A_737 = arith.index_cast %scan3A_47 : i32 to index
      %get3A_738 = arith.constant 784 : index
      %get3A_739 = tpu.vector_load %arg8[%get3A_737, %get3A_738] {strides = array<i32>} : memref<32x1024xf32, #tpu.memory_space<vmem>>, vector<1x16xf32>,
      %get3A_740 = vector.shape_cast %get3A_739 : vector<1x16xf32> to vector<16xf32>
      %add3A_741 = arith.addf %get3A_736, %get3A_740 : vector<16xf32>
      %swap3A_742 = arith.index_cast %scan3A_47 : i32 to index
      %swap3A_743 = arith.constant 784 : index
      %swap3A_744 = tpu.vector_load %arg7[%swap3A_742, %swap3A_743] {strides = array<i32>} : memref<32x1024xf32, #tpu.memory_space<vmem>>, vector<1x16xf32>,
      %swap3A_745 = vector.shape_cast %swap3A_744 : vector<1x16xf32> to vector<16xf32>
      %swap3A_746 = vector.shape_cast %add3A_741 : vector<16xf32> to vector<1x16xf32>
      tpu.vector_store %arg7[%swap3A_742, %swap3A_743], %swap3A_746 {strides = array<i32>} : memref<32x1024xf32, #tpu.memory_space<vmem>>, vector<1x16xf32>,
      %get3A_747 = arith.index_cast %scan3A_47 : i32 to index
      %get3A_748 = arith.constant 800 : index
      %get3A_749 = tpu.vector_load %arg7[%get3A_747, %get3A_748] {strides = array<i32>} : memref<32x1024xf32, #tpu.memory_space<vmem>>, vector<1x16xf32>,
      %get3A_750 = vector.shape_cast %get3A_749 : vector<1x16xf32> to vector<16xf32>
      %get3A_751 = arith.index_cast %scan3A_47 : i32 to index
      %get3A_752 = arith.constant 800 : index
      %get3A_753 = tpu.vector_load %arg8[%get3A_751, %get3A_752] {strides = array<i32>} : memref<32x1024xf32, #tpu.memory_space<vmem>>, vector<1x16xf32>,
      %get3A_754 = vector.shape_cast %get3A_753 : vector<1x16xf32> to vector<16xf32>
      %add3A_755 = arith.addf %get3A_750, %get3A_754 : vector<16xf32>
      %swap3A_756 = arith.index_cast %scan3A_47 : i32 to index
      %swap3A_757 = arith.constant 800 : index
      %swap3A_758 = tpu.vector_load %arg7[%swap3A_756, %swap3A_757] {strides = array<i32>} : memref<32x1024xf32, #tpu.memory_space<vmem>>, vector<1x16xf32>,
      %swap3A_759 = vector.shape_cast %swap3A_758 : vector<1x16xf32> to vector<16xf32>
      %swap3A_760 = vector.shape_cast %add3A_755 : vector<16xf32> to vector<1x16xf32>
      tpu.vector_store %arg7[%swap3A_756, %swap3A_757], %swap3A_760 {strides = array<i32>} : memref<32x1024xf32, #tpu.memory_space<vmem>>, vector<1x16xf32>,
      %get3A_761 = arith.index_cast %scan3A_47 : i32 to index
      %get3A_762 = arith.constant 816 : index
      %get3A_763 = tpu.vector_load %arg7[%get3A_761, %get3A_762] {strides = array<i32>} : memref<32x1024xf32, #tpu.memory_space<vmem>>, vector<1x16xf32>,
      %get3A_764 = vector.shape_cast %get3A_763 : vector<1x16xf32> to vector<16xf32>
      %get3A_765 = arith.index_cast %scan3A_47 : i32 to index
      %get3A_766 = arith.constant 816 : index
      %get3A_767 = tpu.vector_load %arg8[%get3A_765, %get3A_766] {strides = array<i32>} : memref<32x1024xf32, #tpu.memory_space<vmem>>, vector<1x16xf32>,
      %get3A_768 = vector.shape_cast %get3A_767 : vector<1x16xf32> to vector<16xf32>
      %add3A_769 = arith.addf %get3A_764, %get3A_768 : vector<16xf32>
      %swap3A_770 = arith.index_cast %scan3A_47 : i32 to index
      %swap3A_771 = arith.constant 816 : index
      %swap3A_772 = tpu.vector_load %arg7[%swap3A_770, %swap3A_771] {strides = array<i32>} : memref<32x1024xf32, #tpu.memory_space<vmem>>, vector<1x16xf32>,
      %swap3A_773 = vector.shape_cast %swap3A_772 : vector<1x16xf32> to vector<16xf32>
      %swap3A_774 = vector.shape_cast %add3A_769 : vector<16xf32> to vector<1x16xf32>
      tpu.vector_store %arg7[%swap3A_770, %swap3A_771], %swap3A_774 {strides = array<i32>} : memref<32x1024xf32, #tpu.memory_space<vmem>>, vector<1x16xf32>,
      %get3A_775 = arith.index_cast %scan3A_47 : i32 to index
      %get3A_776 = arith.constant 832 : index
      %get3A_777 = tpu.vector_load %arg7[%get3A_775, %get3A_776] {strides = array<i32>} : memref<32x1024xf32, #tpu.memory_space<vmem>>, vector<1x16xf32>,
      %get3A_778 = vector.shape_cast %get3A_777 : vector<1x16xf32> to vector<16xf32>
      %get3A_779 = arith.index_cast %scan3A_47 : i32 to index
      %get3A_780 = arith.constant 832 : index
      %get3A_781 = tpu.vector_load %arg8[%get3A_779, %get3A_780] {strides = array<i32>} : memref<32x1024xf32, #tpu.memory_space<vmem>>, vector<1x16xf32>,
      %get3A_782 = vector.shape_cast %get3A_781 : vector<1x16xf32> to vector<16xf32>
      %add3A_783 = arith.addf %get3A_778, %get3A_782 : vector<16xf32>
      %swap3A_784 = arith.index_cast %scan3A_47 : i32 to index
      %swap3A_785 = arith.constant 832 : index
      %swap3A_786 = tpu.vector_load %arg7[%swap3A_784, %swap3A_785] {strides = array<i32>} : memref<32x1024xf32, #tpu.memory_space<vmem>>, vector<1x16xf32>,
      %swap3A_787 = vector.shape_cast %swap3A_786 : vector<1x16xf32> to vector<16xf32>
      %swap3A_788 = vector.shape_cast %add3A_783 : vector<16xf32> to vector<1x16xf32>
      tpu.vector_store %arg7[%swap3A_784, %swap3A_785], %swap3A_788 {strides = array<i32>} : memref<32x1024xf32, #tpu.memory_space<vmem>>, vector<1x16xf32>,
      %get3A_789 = arith.index_cast %scan3A_47 : i32 to index
      %get3A_790 = arith.constant 848 : index
      %get3A_791 = tpu.vector_load %arg7[%get3A_789, %get3A_790] {strides = array<i32>} : memref<32x1024xf32, #tpu.memory_space<vmem>>, vector<1x16xf32>,
      %get3A_792 = vector.shape_cast %get3A_791 : vector<1x16xf32> to vector<16xf32>
      %get3A_793 = arith.index_cast %scan3A_47 : i32 to index
      %get3A_794 = arith.constant 848 : index
      %get3A_795 = tpu.vector_load %arg8[%get3A_793, %get3A_794] {strides = array<i32>} : memref<32x1024xf32, #tpu.memory_space<vmem>>, vector<1x16xf32>,
      %get3A_796 = vector.shape_cast %get3A_795 : vector<1x16xf32> to vector<16xf32>
      %add3A_797 = arith.addf %get3A_792, %get3A_796 : vector<16xf32>
      %swap3A_798 = arith.index_cast %scan3A_47 : i32 to index
      %swap3A_799 = arith.constant 848 : index
      %swap3A_800 = tpu.vector_load %arg7[%swap3A_798, %swap3A_799] {strides = array<i32>} : memref<32x1024xf32, #tpu.memory_space<vmem>>, vector<1x16xf32>,
      %swap3A_801 = vector.shape_cast %swap3A_800 : vector<1x16xf32> to vector<16xf32>
      %swap3A_802 = vector.shape_cast %add3A_797 : vector<16xf32> to vector<1x16xf32>
      tpu.vector_store %arg7[%swap3A_798, %swap3A_799], %swap3A_802 {strides = array<i32>} : memref<32x1024xf32, #tpu.memory_space<vmem>>, vector<1x16xf32>,
      %get3A_803 = arith.index_cast %scan3A_47 : i32 to index
      %get3A_804 = arith.constant 864 : index
      %get3A_805 = tpu.vector_load %arg7[%get3A_803, %get3A_804] {strides = array<i32>} : memref<32x1024xf32, #tpu.memory_space<vmem>>, vector<1x16xf32>,
      %get3A_806 = vector.shape_cast %get3A_805 : vector<1x16xf32> to vector<16xf32>
      %get3A_807 = arith.index_cast %scan3A_47 : i32 to index
      %get3A_808 = arith.constant 864 : index
      %get3A_809 = tpu.vector_load %arg8[%get3A_807, %get3A_808] {strides = array<i32>} : memref<32x1024xf32, #tpu.memory_space<vmem>>, vector<1x16xf32>,
      %get3A_810 = vector.shape_cast %get3A_809 : vector<1x16xf32> to vector<16xf32>
      %add3A_811 = arith.addf %get3A_806, %get3A_810 : vector<16xf32>
      %swap3A_812 = arith.index_cast %scan3A_47 : i32 to index
      %swap3A_813 = arith.constant 864 : index
      %swap3A_814 = tpu.vector_load %arg7[%swap3A_812, %swap3A_813] {strides = array<i32>} : memref<32x1024xf32, #tpu.memory_space<vmem>>, vector<1x16xf32>,
      %swap3A_815 = vector.shape_cast %swap3A_814 : vector<1x16xf32> to vector<16xf32>
      %swap3A_816 = vector.shape_cast %add3A_811 : vector<16xf32> to vector<1x16xf32>
      tpu.vector_store %arg7[%swap3A_812, %swap3A_813], %swap3A_816 {strides = array<i32>} : memref<32x1024xf32, #tpu.memory_space<vmem>>, vector<1x16xf32>,
      %get3A_817 = arith.index_cast %scan3A_47 : i32 to index
      %get3A_818 = arith.constant 880 : index
      %get3A_819 = tpu.vector_load %arg7[%get3A_817, %get3A_818] {strides = array<i32>} : memref<32x1024xf32, #tpu.memory_space<vmem>>, vector<1x16xf32>,
      %get3A_820 = vector.shape_cast %get3A_819 : vector<1x16xf32> to vector<16xf32>
      %get3A_821 = arith.index_cast %scan3A_47 : i32 to index
      %get3A_822 = arith.constant 880 : index
      %get3A_823 = tpu.vector_load %arg8[%get3A_821, %get3A_822] {strides = array<i32>} : memref<32x1024xf32, #tpu.memory_space<vmem>>, vector<1x16xf32>,
      %get3A_824 = vector.shape_cast %get3A_823 : vector<1x16xf32> to vector<16xf32>
      %add3A_825 = arith.addf %get3A_820, %get3A_824 : vector<16xf32>
      %swap3A_826 = arith.index_cast %scan3A_47 : i32 to index
      %swap3A_827 = arith.constant 880 : index
      %swap3A_828 = tpu.vector_load %arg7[%swap3A_826, %swap3A_827] {strides = array<i32>} : memref<32x1024xf32, #tpu.memory_space<vmem>>, vector<1x16xf32>,
      %swap3A_829 = vector.shape_cast %swap3A_828 : vector<1x16xf32> to vector<16xf32>
      %swap3A_830 = vector.shape_cast %add3A_825 : vector<16xf32> to vector<1x16xf32>
      tpu.vector_store %arg7[%swap3A_826, %swap3A_827], %swap3A_830 {strides = array<i32>} : memref<32x1024xf32, #tpu.memory_space<vmem>>, vector<1x16xf32>,
      %get3A_831 = arith.index_cast %scan3A_47 : i32 to index
      %get3A_832 = arith.constant 896 : index
      %get3A_833 = tpu.vector_load %arg7[%get3A_831, %get3A_832] {strides = array<i32>} : memref<32x1024xf32, #tpu.memory_space<vmem>>, vector<1x16xf32>,
      %get3A_834 = vector.shape_cast %get3A_833 : vector<1x16xf32> to vector<16xf32>
      %get3A_835 = arith.index_cast %scan3A_47 : i32 to index
      %get3A_836 = arith.constant 896 : index
      %get3A_837 = tpu.vector_load %arg8[%get3A_835, %get3A_836] {strides = array<i32>} : memref<32x1024xf32, #tpu.memory_space<vmem>>, vector<1x16xf32>,
      %get3A_838 = vector.shape_cast %get3A_837 : vector<1x16xf32> to vector<16xf32>
      %add3A_839 = arith.addf %get3A_834, %get3A_838 : vector<16xf32>
      %swap3A_840 = arith.index_cast %scan3A_47 : i32 to index
      %swap3A_841 = arith.constant 896 : index
      %swap3A_842 = tpu.vector_load %arg7[%swap3A_840, %swap3A_841] {strides = array<i32>} : memref<32x1024xf32, #tpu.memory_space<vmem>>, vector<1x16xf32>,
      %swap3A_843 = vector.shape_cast %swap3A_842 : vector<1x16xf32> to vector<16xf32>
      %swap3A_844 = vector.shape_cast %add3A_839 : vector<16xf32> to vector<1x16xf32>
      tpu.vector_store %arg7[%swap3A_840, %swap3A_841], %swap3A_844 {strides = array<i32>} : memref<32x1024xf32, #tpu.memory_space<vmem>>, vector<1x16xf32>,
      %get3A_845 = arith.index_cast %scan3A_47 : i32 to index
      %get3A_846 = arith.constant 912 : index
      %get3A_847 = tpu.vector_load %arg7[%get3A_845, %get3A_846] {strides = array<i32>} : memref<32x1024xf32, #tpu.memory_space<vmem>>, vector<1x16xf32>,
      %get3A_848 = vector.shape_cast %get3A_847 : vector<1x16xf32> to vector<16xf32>
      %get3A_849 = arith.index_cast %scan3A_47 : i32 to index
      %get3A_850 = arith.constant 912 : index
      %get3A_851 = tpu.vector_load %arg8[%get3A_849, %get3A_850] {strides = array<i32>} : memref<32x1024xf32, #tpu.memory_space<vmem>>, vector<1x16xf32>,
      %get3A_852 = vector.shape_cast %get3A_851 : vector<1x16xf32> to vector<16xf32>
      %add3A_853 = arith.addf %get3A_848, %get3A_852 : vector<16xf32>
      %swap3A_854 = arith.index_cast %scan3A_47 : i32 to index
      %swap3A_855 = arith.constant 912 : index
      %swap3A_856 = tpu.vector_load %arg7[%swap3A_854, %swap3A_855] {strides = array<i32>} : memref<32x1024xf32, #tpu.memory_space<vmem>>, vector<1x16xf32>,
      %swap3A_857 = vector.shape_cast %swap3A_856 : vector<1x16xf32> to vector<16xf32>
      %swap3A_858 = vector.shape_cast %add3A_853 : vector<16xf32> to vector<1x16xf32>
      tpu.vector_store %arg7[%swap3A_854, %swap3A_855], %swap3A_858 {strides = array<i32>} : memref<32x1024xf32, #tpu.memory_space<vmem>>, vector<1x16xf32>,
      %get3A_859 = arith.index_cast %scan3A_47 : i32 to index
      %get3A_860 = arith.constant 928 : index
      %get3A_861 = tpu.vector_load %arg7[%get3A_859, %get3A_860] {strides = array<i32>} : memref<32x1024xf32, #tpu.memory_space<vmem>>, vector<1x16xf32>,
      %get3A_862 = vector.shape_cast %get3A_861 : vector<1x16xf32> to vector<16xf32>
      %get3A_863 = arith.index_cast %scan3A_47 : i32 to index
      %get3A_864 = arith.constant 928 : index
      %get3A_865 = tpu.vector_load %arg8[%get3A_863, %get3A_864] {strides = array<i32>} : memref<32x1024xf32, #tpu.memory_space<vmem>>, vector<1x16xf32>,
      %get3A_866 = vector.shape_cast %get3A_865 : vector<1x16xf32> to vector<16xf32>
      %add3A_867 = arith.addf %get3A_862, %get3A_866 : vector<16xf32>
      %swap3A_868 = arith.index_cast %scan3A_47 : i32 to index
      %swap3A_869 = arith.constant 928 : index
      %swap3A_870 = tpu.vector_load %arg7[%swap3A_868, %swap3A_869] {strides = array<i32>} : memref<32x1024xf32, #tpu.memory_space<vmem>>, vector<1x16xf32>,
      %swap3A_871 = vector.shape_cast %swap3A_870 : vector<1x16xf32> to vector<16xf32>
      %swap3A_872 = vector.shape_cast %add3A_867 : vector<16xf32> to vector<1x16xf32>
      tpu.vector_store %arg7[%swap3A_868, %swap3A_869], %swap3A_872 {strides = array<i32>} : memref<32x1024xf32, #tpu.memory_space<vmem>>, vector<1x16xf32>,
      %get3A_873 = arith.index_cast %scan3A_47 : i32 to index
      %get3A_874 = arith.constant 944 : index
      %get3A_875 = tpu.vector_load %arg7[%get3A_873, %get3A_874] {strides = array<i32>} : memref<32x1024xf32, #tpu.memory_space<vmem>>, vector<1x16xf32>,
      %get3A_876 = vector.shape_cast %get3A_875 : vector<1x16xf32> to vector<16xf32>
      %get3A_877 = arith.index_cast %scan3A_47 : i32 to index
      %get3A_878 = arith.constant 944 : index
      %get3A_879 = tpu.vector_load %arg8[%get3A_877, %get3A_878] {strides = array<i32>} : memref<32x1024xf32, #tpu.memory_space<vmem>>, vector<1x16xf32>,
      %get3A_880 = vector.shape_cast %get3A_879 : vector<1x16xf32> to vector<16xf32>
      %add3A_881 = arith.addf %get3A_876, %get3A_880 : vector<16xf32>
      %swap3A_882 = arith.index_cast %scan3A_47 : i32 to index
      %swap3A_883 = arith.constant 944 : index
      %swap3A_884 = tpu.vector_load %arg7[%swap3A_882, %swap3A_883] {strides = array<i32>} : memref<32x1024xf32, #tpu.memory_space<vmem>>, vector<1x16xf32>,
      %swap3A_885 = vector.shape_cast %swap3A_884 : vector<1x16xf32> to vector<16xf32>
      %swap3A_886 = vector.shape_cast %add3A_881 : vector<16xf32> to vector<1x16xf32>
      tpu.vector_store %arg7[%swap3A_882, %swap3A_883], %swap3A_886 {strides = array<i32>} : memref<32x1024xf32, #tpu.memory_space<vmem>>, vector<1x16xf32>,
      %get3A_887 = arith.index_cast %scan3A_47 : i32 to index
      %get3A_888 = arith.constant 960 : index
      %get3A_889 = tpu.vector_load %arg7[%get3A_887, %get3A_888] {strides = array<i32>} : memref<32x1024xf32, #tpu.memory_space<vmem>>, vector<1x16xf32>,
      %get3A_890 = vector.shape_cast %get3A_889 : vector<1x16xf32> to vector<16xf32>
      %get3A_891 = arith.index_cast %scan3A_47 : i32 to index
      %get3A_892 = arith.constant 960 : index
      %get3A_893 = tpu.vector_load %arg8[%get3A_891, %get3A_892] {strides = array<i32>} : memref<32x1024xf32, #tpu.memory_space<vmem>>, vector<1x16xf32>,
      %get3A_894 = vector.shape_cast %get3A_893 : vector<1x16xf32> to vector<16xf32>
      %add3A_895 = arith.addf %get3A_890, %get3A_894 : vector<16xf32>
      %swap3A_896 = arith.index_cast %scan3A_47 : i32 to index
      %swap3A_897 = arith.constant 960 : index
      %swap3A_898 = tpu.vector_load %arg7[%swap3A_896, %swap3A_897] {strides = array<i32>} : memref<32x1024xf32, #tpu.memory_space<vmem>>, vector<1x16xf32>,
      %swap3A_899 = vector.shape_cast %swap3A_898 : vector<1x16xf32> to vector<16xf32>
      %swap3A_900 = vector.shape_cast %add3A_895 : vector<16xf32> to vector<1x16xf32>
      tpu.vector_store %arg7[%swap3A_896, %swap3A_897], %swap3A_900 {strides = array<i32>} : memref<32x1024xf32, #tpu.memory_space<vmem>>, vector<1x16xf32>,
      %get3A_901 = arith.index_cast %scan3A_47 : i32 to index
      %get3A_902 = arith.constant 976 : index
      %get3A_903 = tpu.vector_load %arg7[%get3A_901, %get3A_902] {strides = array<i32>} : memref<32x1024xf32, #tpu.memory_space<vmem>>, vector<1x16xf32>,
      %get3A_904 = vector.shape_cast %get3A_903 : vector<1x16xf32> to vector<16xf32>
      %get3A_905 = arith.index_cast %scan3A_47 : i32 to index
      %get3A_906 = arith.constant 976 : index
      %get3A_907 = tpu.vector_load %arg8[%get3A_905, %get3A_906] {strides = array<i32>} : memref<32x1024xf32, #tpu.memory_space<vmem>>, vector<1x16xf32>,
      %get3A_908 = vector.shape_cast %get3A_907 : vector<1x16xf32> to vector<16xf32>
      %add3A_909 = arith.addf %get3A_904, %get3A_908 : vector<16xf32>
      %swap3A_910 = arith.index_cast %scan3A_47 : i32 to index
      %swap3A_911 = arith.constant 976 : index
      %swap3A_912 = tpu.vector_load %arg7[%swap3A_910, %swap3A_911] {strides = array<i32>} : memref<32x1024xf32, #tpu.memory_space<vmem>>, vector<1x16xf32>,
      %swap3A_913 = vector.shape_cast %swap3A_912 : vector<1x16xf32> to vector<16xf32>
      %swap3A_914 = vector.shape_cast %add3A_909 : vector<16xf32> to vector<1x16xf32>
      tpu.vector_store %arg7[%swap3A_910, %swap3A_911], %swap3A_914 {strides = array<i32>} : memref<32x1024xf32, #tpu.memory_space<vmem>>, vector<1x16xf32>,
      %get3A_915 = arith.index_cast %scan3A_47 : i32 to index
      %get3A_916 = arith.constant 992 : index
      %get3A_917 = tpu.vector_load %arg7[%get3A_915, %get3A_916] {strides = array<i32>} : memref<32x1024xf32, #tpu.memory_space<vmem>>, vector<1x16xf32>,
      %get3A_918 = vector.shape_cast %get3A_917 : vector<1x16xf32> to vector<16xf32>
      %get3A_919 = arith.index_cast %scan3A_47 : i32 to index
      %get3A_920 = arith.constant 992 : index
      %get3A_921 = tpu.vector_load %arg8[%get3A_919, %get3A_920] {strides = array<i32>} : memref<32x1024xf32, #tpu.memory_space<vmem>>, vector<1x16xf32>,
      %get3A_922 = vector.shape_cast %get3A_921 : vector<1x16xf32> to vector<16xf32>
      %add3A_923 = arith.addf %get3A_918, %get3A_922 : vector<16xf32>
      %swap3A_924 = arith.index_cast %scan3A_47 : i32 to index
      %swap3A_925 = arith.constant 992 : index
      %swap3A_926 = tpu.vector_load %arg7[%swap3A_924, %swap3A_925] {strides = array<i32>} : memref<32x1024xf32, #tpu.memory_space<vmem>>, vector<1x16xf32>,
      %swap3A_927 = vector.shape_cast %swap3A_926 : vector<1x16xf32> to vector<16xf32>
      %swap3A_928 = vector.shape_cast %add3A_923 : vector<16xf32> to vector<1x16xf32>
      tpu.vector_store %arg7[%swap3A_924, %swap3A_925], %swap3A_928 {strides = array<i32>} : memref<32x1024xf32, #tpu.memory_space<vmem>>, vector<1x16xf32>,
      %get3A_929 = arith.index_cast %scan3A_47 : i32 to index
      %get3A_930 = arith.constant 1008 : index
      %get3A_931 = tpu.vector_load %arg7[%get3A_929, %get3A_930] {strides = array<i32>} : memref<32x1024xf32, #tpu.memory_space<vmem>>, vector<1x16xf32>,
      %get3A_932 = vector.shape_cast %get3A_931 : vector<1x16xf32> to vector<16xf32>
      %get3A_933 = arith.index_cast %scan3A_47 : i32 to index
      %get3A_934 = arith.constant 1008 : index
      %get3A_935 = tpu.vector_load %arg8[%get3A_933, %get3A_934] {strides = array<i32>} : memref<32x1024xf32, #tpu.memory_space<vmem>>, vector<1x16xf32>,
      %get3A_936 = vector.shape_cast %get3A_935 : vector<1x16xf32> to vector<16xf32>
      %add3A_937 = arith.addf %get3A_932, %get3A_936 : vector<16xf32>
      %swap3A_938 = arith.index_cast %scan3A_47 : i32 to index
      %swap3A_939 = arith.constant 1008 : index
      %swap3A_940 = tpu.vector_load %arg7[%swap3A_938, %swap3A_939] {strides = array<i32>} : memref<32x1024xf32, #tpu.memory_space<vmem>>, vector<1x16xf32>,
      %swap3A_941 = vector.shape_cast %swap3A_940 : vector<1x16xf32> to vector<16xf32>
      %swap3A_942 = vector.shape_cast %add3A_937 : vector<16xf32> to vector<1x16xf32>
      tpu.vector_store %arg7[%swap3A_938, %swap3A_939], %swap3A_942 {strides = array<i32>} : memref<32x1024xf32, #tpu.memory_space<vmem>>, vector<1x16xf32>,
      %scan3A_943 = arith.constant 0 : i32
      scf.yield %scan3A_943 : i32
    }
    %scan3A_21 = arith.constant 32 : i32
    "tpu.region"() ({
      %run_scoped3A_47 = tpu.sem_alloc : memref<!tpu.dma_semaphore, #tpu.memory_space<semaphore_mem>>
      %dma_start3A_48 = arith.constant 0 : i32
      %dma_start3A_49 = tpu.memref_slice %arg4[%add3A_4, %dma_start3A_48] : memref<2048x1024xf32, #tpu.memory_space<hbm>> -> memref<32x1024xf32, #tpu.memory_space<hbm>>
      %dma_start3A_50 = arith.constant 0 : i32
      %dma_start3A_51 = tpu.memref_slice %arg4[%add3A_4, %dma_start3A_50] : memref<2048x1024xf32, #tpu.memory_space<hbm>> -> memref<32x1024xf32, #tpu.memory_space<hbm>>
      tpu.enqueue_dma source(%arg7 : memref<32x1024xf32, #tpu.memory_space<vmem>>) target(%dma_start3A_51 : memref<32x1024xf32, #tpu.memory_space<hbm>>) target_semaphore(%run_scoped3A_47 : memref<!tpu.dma_semaphore, #tpu.memory_space<semaphore_mem>>)
      %dma_wait3A_52 = arith.constant 0 : i32
      %dma_wait3A_53 = tpu.memref_slice %arg4[%add3A_4, %dma_wait3A_52] : memref<2048x1024xf32, #tpu.memory_space<hbm>> -> memref<32x1024xf32, #tpu.memory_space<hbm>>
      %dma_wait3A_54 = arith.constant 0 : i32
      %dma_wait3A_55 = tpu.memref_slice %arg4[%add3A_4, %dma_wait3A_54] : memref<2048x1024xf32, #tpu.memory_space<hbm>> -> memref<32x1024xf32, #tpu.memory_space<hbm>>
      tpu.wait_dma2 semaphore(%run_scoped3A_47 : memref<!tpu.dma_semaphore, #tpu.memory_space<semaphore_mem>>) src(%arg7 : memref<32x1024xf32, #tpu.memory_space<vmem>>) dst(%dma_wait3A_55 : memref<32x1024xf32, #tpu.memory_space<hbm>>)
      tpu.yield
    }) : () -> ()
    %mul3A_22 = arith.constant 64 : i32
    %mul3A_23 = arith.muli %add3A, %mul3A_22 : i32
    %add3A_24 = arith.constant 32 : i32
    %add3A_25 = arith.addi %mul3A_23, %add3A_24 : i32
    %run_scoped3A_26 = arith.constant 0 : i32
    "tpu.region"() ({
      %run_scoped3A_47 = tpu.sem_alloc : memref<!tpu.dma_semaphore, #tpu.memory_space<semaphore_mem>>
      %dma_start3A_48 = tpu.memref_slice %arg3[%run_scoped3A_26, %add3A_25] : memref<2x2048xi32, #tpu.memory_space<hbm>> -> memref<1x32xi32, #tpu.memory_space<hbm>>
      %dma_start3A_49 = tpu.memref_squeeze %dma_start3A_48 : memref<1x32xi32, #tpu.memory_space<hbm>> -> memref<32xi32, #tpu.memory_space<hbm>>
      %dma_start3A_50 = tpu.memref_slice %arg3[%run_scoped3A_26, %add3A_25] : memref<2x2048xi32, #tpu.memory_space<hbm>> -> memref<1x32xi32, #tpu.memory_space<hbm>>
      %dma_start3A_51 = tpu.memref_squeeze %dma_start3A_50 : memref<1x32xi32, #tpu.memory_space<hbm>> -> memref<32xi32, #tpu.memory_space<hbm>>
      tpu.enqueue_dma source(%dma_start3A_51 : memref<32xi32, #tpu.memory_space<hbm>>) target(%arg5 : memref<32xi32, #tpu.memory_space<vmem>>) target_semaphore(%run_scoped3A_47 : memref<!tpu.dma_semaphore, #tpu.memory_space<semaphore_mem>>)
      %dma_wait3A_52 = tpu.memref_slice %arg3[%run_scoped3A_26, %add3A_25] : memref<2x2048xi32, #tpu.memory_space<hbm>> -> memref<1x32xi32, #tpu.memory_space<hbm>>
      %dma_wait3A_53 = tpu.memref_squeeze %dma_wait3A_52 : memref<1x32xi32, #tpu.memory_space<hbm>> -> memref<32xi32, #tpu.memory_space<hbm>>
      %dma_wait3A_54 = tpu.memref_slice %arg3[%run_scoped3A_26, %add3A_25] : memref<2x2048xi32, #tpu.memory_space<hbm>> -> memref<1x32xi32, #tpu.memory_space<hbm>>
      %dma_wait3A_55 = tpu.memref_squeeze %dma_wait3A_54 : memref<1x32xi32, #tpu.memory_space<hbm>> -> memref<32xi32, #tpu.memory_space<hbm>>
      tpu.wait_dma2 semaphore(%run_scoped3A_47 : memref<!tpu.dma_semaphore, #tpu.memory_space<semaphore_mem>>) src(%dma_wait3A_55 : memref<32xi32, #tpu.memory_space<hbm>>) dst(%arg5 : memref<32xi32, #tpu.memory_space<vmem>>)
      tpu.yield
    }) : () -> ()
    %run_scoped3A_27 = arith.constant 1 : i32
    "tpu.region"() ({
      %run_scoped3A_47 = tpu.sem_alloc : memref<!tpu.dma_semaphore, #tpu.memory_space<semaphore_mem>>
      %dma_start3A_48 = tpu.memref_slice %arg3[%run_scoped3A_27, %add3A_25] : memref<2x2048xi32, #tpu.memory_space<hbm>> -> memref<1x32xi32, #tpu.memory_space<hbm>>
      %dma_start3A_49 = tpu.memref_squeeze %dma_start3A_48 : memref<1x32xi32, #tpu.memory_space<hbm>> -> memref<32xi32, #tpu.memory_space<hbm>>
      %dma_start3A_50 = tpu.memref_slice %arg3[%run_scoped3A_27, %add3A_25] : memref<2x2048xi32, #tpu.memory_space<hbm>> -> memref<1x32xi32, #tpu.memory_space<hbm>>
      %dma_start3A_51 = tpu.memref_squeeze %dma_start3A_50 : memref<1x32xi32, #tpu.memory_space<hbm>> -> memref<32xi32, #tpu.memory_space<hbm>>
      tpu.enqueue_dma source(%dma_start3A_51 : memref<32xi32, #tpu.memory_space<hbm>>) target(%arg6 : memref<32xi32, #tpu.memory_space<vmem>>) target_semaphore(%run_scoped3A_47 : memref<!tpu.dma_semaphore, #tpu.memory_space<semaphore_mem>>)
      %dma_wait3A_52 = tpu.memref_slice %arg3[%run_scoped3A_27, %add3A_25] : memref<2x2048xi32, #tpu.memory_space<hbm>> -> memref<1x32xi32, #tpu.memory_space<hbm>>
      %dma_wait3A_53 = tpu.memref_squeeze %dma_wait3A_52 : memref<1x32xi32, #tpu.memory_space<hbm>> -> memref<32xi32, #tpu.memory_space<hbm>>
      %dma_wait3A_54 = tpu.memref_slice %arg3[%run_scoped3A_27, %add3A_25] : memref<2x2048xi32, #tpu.memory_space<hbm>> -> memref<1x32xi32, #tpu.memory_space<hbm>>
      %dma_wait3A_55 = tpu.memref_squeeze %dma_wait3A_54 : memref<1x32xi32, #tpu.memory_space<hbm>> -> memref<32xi32, #tpu.memory_space<hbm>>
      tpu.wait_dma2 semaphore(%run_scoped3A_47 : memref<!tpu.dma_semaphore, #tpu.memory_space<semaphore_mem>>) src(%dma_wait3A_55 : memref<32xi32, #tpu.memory_space<hbm>>) dst(%arg6 : memref<32xi32, #tpu.memory_space<vmem>>)
      tpu.yield
    }) : () -> ()
    %dma_start3A_28 = arith.constant 0 : i32
    %dma_start3A_29 = arith.constant 0 : i32
    %dma_start3A_30 = tpu.memref_slice %arg2[%dma_start3A_28, %dma_start3A_29] : memref<6400x1024xf32, #tpu.memory_space<hbm>> -> memref<6400x1024xf32, #tpu.memory_space<hbm>>
    tpu.enqueue_indirect_dma source(%dma_start3A_30 : memref<6400x1024xf32, #tpu.memory_space<hbm>>) target(%arg7 : memref<32x1024xf32, #tpu.memory_space<vmem>>) offsets(%arg5 : memref<32xi32, #tpu.memory_space<vmem>>) semaphore(%arg9 : memref<!tpu.dma_semaphore, #tpu.memory_space<semaphore_mem>>)
    %dma_start3A_31 = arith.constant 0 : i32
    %dma_start3A_32 = arith.constant 0 : i32
    %dma_start3A_33 = tpu.memref_slice %arg2[%dma_start3A_31, %dma_start3A_32] : memref<6400x1024xf32, #tpu.memory_space<hbm>> -> memref<6400x1024xf32, #tpu.memory_space<hbm>>
    tpu.enqueue_indirect_dma source(%dma_start3A_33 : memref<6400x1024xf32, #tpu.memory_space<hbm>>) target(%arg8 : memref<32x1024xf32, #tpu.memory_space<vmem>>) offsets(%arg6 : memref<32xi32, #tpu.memory_space<vmem>>) semaphore(%arg9 : memref<!tpu.dma_semaphore, #tpu.memory_space<semaphore_mem>>)
    %dma_wait3A_34 = arith.constant 0 : i32
    %dma_wait3A_35 = arith.constant 0 : i32
    %dma_wait3A_36 = tpu.memref_slice %arg2[%dma_wait3A_34, %dma_wait3A_35] : memref<6400x1024xf32, #tpu.memory_space<hbm>> -> memref<6400x1024xf32, #tpu.memory_space<hbm>>
    tpu.wait_indirect_dma semaphore(%arg9 : memref<!tpu.dma_semaphore, #tpu.memory_space<semaphore_mem>>) src(%dma_wait3A_36 : memref<6400x1024xf32, #tpu.memory_space<hbm>>) dst(%arg7 : memref<32x1024xf32, #tpu.memory_space<vmem>>)
    %dma_wait3A_37 = arith.constant 0 : i32
    %dma_wait3A_38 = arith.constant 0 : i32
    %dma_wait3A_39 = tpu.memref_slice %arg2[%dma_wait3A_37, %dma_wait3A_38] : memref<6400x1024xf32, #tpu.memory_space<hbm>> -> memref<6400x1024xf32, #tpu.memory_space<hbm>>
    tpu.wait_indirect_dma semaphore(%arg9 : memref<!tpu.dma_semaphore, #tpu.memory_space<semaphore_mem>>) src(%dma_wait3A_39 : memref<6400x1024xf32, #tpu.memory_space<hbm>>) dst(%arg8 : memref<32x1024xf32, #tpu.memory_space<vmem>>)
    %scan3A_40 = arith.constant 0 : i32
    %scan3A_41 = arith.constant 0 : i32
    %scan3A_42 = arith.constant 32 : i32
    %scan3A_43 = arith.addi %scan3A_41, %scan3A_42 : i32
    %scan3A_44 = arith.constant 1 : i32
    %scan3A_45 = scf.for %scan3A_47 = %scan3A_41 to %scan3A_43 step %scan3A_44 iter_args(%scan3A_48 = %scan3A_40) -> (i32)  : i32 {
      %get3A = arith.index_cast %scan3A_47 : i32 to index
      %get3A_49 = arith.constant 0 : index
      %get3A_50 = tpu.vector_load %arg7[%get3A, %get3A_49] {strides = array<i32>} : memref<32x1024xf32, #tpu.memory_space<vmem>>, vector<1x16xf32>,
      %get3A_51 = vector.shape_cast %get3A_50 : vector<1x16xf32> to vector<16xf32>
      %get3A_52 = arith.index_cast %scan3A_47 : i32 to index
      %get3A_53 = arith.constant 0 : index
      %get3A_54 = tpu.vector_load %arg8[%get3A_52, %get3A_53] {strides = array<i32>} : memref<32x1024xf32, #tpu.memory_space<vmem>>, vector<1x16xf32>,
      %get3A_55 = vector.shape_cast %get3A_54 : vector<1x16xf32> to vector<16xf32>
      %add3A_56 = arith.addf %get3A_51, %get3A_55 : vector<16xf32>
      %swap3A = arith.index_cast %scan3A_47 : i32 to index
      %swap3A_57 = arith.constant 0 : index
      %swap3A_58 = tpu.vector_load %arg7[%swap3A, %swap3A_57] {strides = array<i32>} : memref<32x1024xf32, #tpu.memory_space<vmem>>, vector<1x16xf32>,
      %swap3A_59 = vector.shape_cast %swap3A_58 : vector<1x16xf32> to vector<16xf32>
      %swap3A_60 = vector.shape_cast %add3A_56 : vector<16xf32> to vector<1x16xf32>
      tpu.vector_store %arg7[%swap3A, %swap3A_57], %swap3A_60 {strides = array<i32>} : memref<32x1024xf32, #tpu.memory_space<vmem>>, vector<1x16xf32>,
      %get3A_61 = arith.index_cast %scan3A_47 : i32 to index
      %get3A_62 = arith.constant 16 : index
      %get3A_63 = tpu.vector_load %arg7[%get3A_61, %get3A_62] {strides = array<i32>} : memref<32x1024xf32, #tpu.memory_space<vmem>>, vector<1x16xf32>,
      %get3A_64 = vector.shape_cast %get3A_63 : vector<1x16xf32> to vector<16xf32>
      %get3A_65 = arith.index_cast %scan3A_47 : i32 to index
      %get3A_66 = arith.constant 16 : index
      %get3A_67 = tpu.vector_load %arg8[%get3A_65, %get3A_66] {strides = array<i32>} : memref<32x1024xf32, #tpu.memory_space<vmem>>, vector<1x16xf32>,
      %get3A_68 = vector.shape_cast %get3A_67 : vector<1x16xf32> to vector<16xf32>
      %add3A_69 = arith.addf %get3A_64, %get3A_68 : vector<16xf32>
      %swap3A_70 = arith.index_cast %scan3A_47 : i32 to index
      %swap3A_71 = arith.constant 16 : index
      %swap3A_72 = tpu.vector_load %arg7[%swap3A_70, %swap3A_71] {strides = array<i32>} : memref<32x1024xf32, #tpu.memory_space<vmem>>, vector<1x16xf32>,
      %swap3A_73 = vector.shape_cast %swap3A_72 : vector<1x16xf32> to vector<16xf32>
      %swap3A_74 = vector.shape_cast %add3A_69 : vector<16xf32> to vector<1x16xf32>
      tpu.vector_store %arg7[%swap3A_70, %swap3A_71], %swap3A_74 {strides = array<i32>} : memref<32x1024xf32, #tpu.memory_space<vmem>>, vector<1x16xf32>,
      %get3A_75 = arith.index_cast %scan3A_47 : i32 to index
      %get3A_76 = arith.constant 32 : index
      %get3A_77 = tpu.vector_load %arg7[%get3A_75, %get3A_76] {strides = array<i32>} : memref<32x1024xf32, #tpu.memory_space<vmem>>, vector<1x16xf32>,
      %get3A_78 = vector.shape_cast %get3A_77 : vector<1x16xf32> to vector<16xf32>
      %get3A_79 = arith.index_cast %scan3A_47 : i32 to index
      %get3A_80 = arith.constant 32 : index
      %get3A_81 = tpu.vector_load %arg8[%get3A_79, %get3A_80] {strides = array<i32>} : memref<32x1024xf32, #tpu.memory_space<vmem>>, vector<1x16xf32>,
      %get3A_82 = vector.shape_cast %get3A_81 : vector<1x16xf32> to vector<16xf32>
      %add3A_83 = arith.addf %get3A_78, %get3A_82 : vector<16xf32>
      %swap3A_84 = arith.index_cast %scan3A_47 : i32 to index
      %swap3A_85 = arith.constant 32 : index
      %swap3A_86 = tpu.vector_load %arg7[%swap3A_84, %swap3A_85] {strides = array<i32>} : memref<32x1024xf32, #tpu.memory_space<vmem>>, vector<1x16xf32>,
      %swap3A_87 = vector.shape_cast %swap3A_86 : vector<1x16xf32> to vector<16xf32>
      %swap3A_88 = vector.shape_cast %add3A_83 : vector<16xf32> to vector<1x16xf32>
      tpu.vector_store %arg7[%swap3A_84, %swap3A_85], %swap3A_88 {strides = array<i32>} : memref<32x1024xf32, #tpu.memory_space<vmem>>, vector<1x16xf32>,
      %get3A_89 = arith.index_cast %scan3A_47 : i32 to index
      %get3A_90 = arith.constant 48 : index
      %get3A_91 = tpu.vector_load %arg7[%get3A_89, %get3A_90] {strides = array<i32>} : memref<32x1024xf32, #tpu.memory_space<vmem>>, vector<1x16xf32>,
      %get3A_92 = vector.shape_cast %get3A_91 : vector<1x16xf32> to vector<16xf32>
      %get3A_93 = arith.index_cast %scan3A_47 : i32 to index
      %get3A_94 = arith.constant 48 : index
      %get3A_95 = tpu.vector_load %arg8[%get3A_93, %get3A_94] {strides = array<i32>} : memref<32x1024xf32, #tpu.memory_space<vmem>>, vector<1x16xf32>,
      %get3A_96 = vector.shape_cast %get3A_95 : vector<1x16xf32> to vector<16xf32>
      %add3A_97 = arith.addf %get3A_92, %get3A_96 : vector<16xf32>
      %swap3A_98 = arith.index_cast %scan3A_47 : i32 to index
      %swap3A_99 = arith.constant 48 : index
      %swap3A_100 = tpu.vector_load %arg7[%swap3A_98, %swap3A_99] {strides = array<i32>} : memref<32x1024xf32, #tpu.memory_space<vmem>>, vector<1x16xf32>,
      %swap3A_101 = vector.shape_cast %swap3A_100 : vector<1x16xf32> to vector<16xf32>
      %swap3A_102 = vector.shape_cast %add3A_97 : vector<16xf32> to vector<1x16xf32>
      tpu.vector_store %arg7[%swap3A_98, %swap3A_99], %swap3A_102 {strides = array<i32>} : memref<32x1024xf32, #tpu.memory_space<vmem>>, vector<1x16xf32>,
      %get3A_103 = arith.index_cast %scan3A_47 : i32 to index
      %get3A_104 = arith.constant 64 : index
      %get3A_105 = tpu.vector_load %arg7[%get3A_103, %get3A_104] {strides = array<i32>} : memref<32x1024xf32, #tpu.memory_space<vmem>>, vector<1x16xf32>,
      %get3A_106 = vector.shape_cast %get3A_105 : vector<1x16xf32> to vector<16xf32>
      %get3A_107 = arith.index_cast %scan3A_47 : i32 to index
      %get3A_108 = arith.constant 64 : index
      %get3A_109 = tpu.vector_load %arg8[%get3A_107, %get3A_108] {strides = array<i32>} : memref<32x1024xf32, #tpu.memory_space<vmem>>, vector<1x16xf32>,
      %get3A_110 = vector.shape_cast %get3A_109 : vector<1x16xf32> to vector<16xf32>
      %add3A_111 = arith.addf %get3A_106, %get3A_110 : vector<16xf32>
      %swap3A_112 = arith.index_cast %scan3A_47 : i32 to index
      %swap3A_113 = arith.constant 64 : index
      %swap3A_114 = tpu.vector_load %arg7[%swap3A_112, %swap3A_113] {strides = array<i32>} : memref<32x1024xf32, #tpu.memory_space<vmem>>, vector<1x16xf32>,
      %swap3A_115 = vector.shape_cast %swap3A_114 : vector<1x16xf32> to vector<16xf32>
      %swap3A_116 = vector.shape_cast %add3A_111 : vector<16xf32> to vector<1x16xf32>
      tpu.vector_store %arg7[%swap3A_112, %swap3A_113], %swap3A_116 {strides = array<i32>} : memref<32x1024xf32, #tpu.memory_space<vmem>>, vector<1x16xf32>,
      %get3A_117 = arith.index_cast %scan3A_47 : i32 to index
      %get3A_118 = arith.constant 80 : index
      %get3A_119 = tpu.vector_load %arg7[%get3A_117, %get3A_118] {strides = array<i32>} : memref<32x1024xf32, #tpu.memory_space<vmem>>, vector<1x16xf32>,
      %get3A_120 = vector.shape_cast %get3A_119 : vector<1x16xf32> to vector<16xf32>
      %get3A_121 = arith.index_cast %scan3A_47 : i32 to index
      %get3A_122 = arith.constant 80 : index
      %get3A_123 = tpu.vector_load %arg8[%get3A_121, %get3A_122] {strides = array<i32>} : memref<32x1024xf32, #tpu.memory_space<vmem>>, vector<1x16xf32>,
      %get3A_124 = vector.shape_cast %get3A_123 : vector<1x16xf32> to vector<16xf32>
      %add3A_125 = arith.addf %get3A_120, %get3A_124 : vector<16xf32>
      %swap3A_126 = arith.index_cast %scan3A_47 : i32 to index
      %swap3A_127 = arith.constant 80 : index
      %swap3A_128 = tpu.vector_load %arg7[%swap3A_126, %swap3A_127] {strides = array<i32>} : memref<32x1024xf32, #tpu.memory_space<vmem>>, vector<1x16xf32>,
      %swap3A_129 = vector.shape_cast %swap3A_128 : vector<1x16xf32> to vector<16xf32>
      %swap3A_130 = vector.shape_cast %add3A_125 : vector<16xf32> to vector<1x16xf32>
      tpu.vector_store %arg7[%swap3A_126, %swap3A_127], %swap3A_130 {strides = array<i32>} : memref<32x1024xf32, #tpu.memory_space<vmem>>, vector<1x16xf32>,
      %get3A_131 = arith.index_cast %scan3A_47 : i32 to index
      %get3A_132 = arith.constant 96 : index
      %get3A_133 = tpu.vector_load %arg7[%get3A_131, %get3A_132] {strides = array<i32>} : memref<32x1024xf32, #tpu.memory_space<vmem>>, vector<1x16xf32>,
      %get3A_134 = vector.shape_cast %get3A_133 : vector<1x16xf32> to vector<16xf32>
      %get3A_135 = arith.index_cast %scan3A_47 : i32 to index
      %get3A_136 = arith.constant 96 : index
      %get3A_137 = tpu.vector_load %arg8[%get3A_135, %get3A_136] {strides = array<i32>} : memref<32x1024xf32, #tpu.memory_space<vmem>>, vector<1x16xf32>,
      %get3A_138 = vector.shape_cast %get3A_137 : vector<1x16xf32> to vector<16xf32>
      %add3A_139 = arith.addf %get3A_134, %get3A_138 : vector<16xf32>
      %swap3A_140 = arith.index_cast %scan3A_47 : i32 to index
      %swap3A_141 = arith.constant 96 : index
      %swap3A_142 = tpu.vector_load %arg7[%swap3A_140, %swap3A_141] {strides = array<i32>} : memref<32x1024xf32, #tpu.memory_space<vmem>>, vector<1x16xf32>,
      %swap3A_143 = vector.shape_cast %swap3A_142 : vector<1x16xf32> to vector<16xf32>
      %swap3A_144 = vector.shape_cast %add3A_139 : vector<16xf32> to vector<1x16xf32>
      tpu.vector_store %arg7[%swap3A_140, %swap3A_141], %swap3A_144 {strides = array<i32>} : memref<32x1024xf32, #tpu.memory_space<vmem>>, vector<1x16xf32>,
      %get3A_145 = arith.index_cast %scan3A_47 : i32 to index
      %get3A_146 = arith.constant 112 : index
      %get3A_147 = tpu.vector_load %arg7[%get3A_145, %get3A_146] {strides = array<i32>} : memref<32x1024xf32, #tpu.memory_space<vmem>>, vector<1x16xf32>,
      %get3A_148 = vector.shape_cast %get3A_147 : vector<1x16xf32> to vector<16xf32>
      %get3A_149 = arith.index_cast %scan3A_47 : i32 to index
      %get3A_150 = arith.constant 112 : index
      %get3A_151 = tpu.vector_load %arg8[%get3A_149, %get3A_150] {strides = array<i32>} : memref<32x1024xf32, #tpu.memory_space<vmem>>, vector<1x16xf32>,
      %get3A_152 = vector.shape_cast %get3A_151 : vector<1x16xf32> to vector<16xf32>
      %add3A_153 = arith.addf %get3A_148, %get3A_152 : vector<16xf32>
      %swap3A_154 = arith.index_cast %scan3A_47 : i32 to index
      %swap3A_155 = arith.constant 112 : index
      %swap3A_156 = tpu.vector_load %arg7[%swap3A_154, %swap3A_155] {strides = array<i32>} : memref<32x1024xf32, #tpu.memory_space<vmem>>, vector<1x16xf32>,
      %swap3A_157 = vector.shape_cast %swap3A_156 : vector<1x16xf32> to vector<16xf32>
      %swap3A_158 = vector.shape_cast %add3A_153 : vector<16xf32> to vector<1x16xf32>
      tpu.vector_store %arg7[%swap3A_154, %swap3A_155], %swap3A_158 {strides = array<i32>} : memref<32x1024xf32, #tpu.memory_space<vmem>>, vector<1x16xf32>,
      %get3A_159 = arith.index_cast %scan3A_47 : i32 to index
      %get3A_160 = arith.constant 128 : index
      %get3A_161 = tpu.vector_load %arg7[%get3A_159, %get3A_160] {strides = array<i32>} : memref<32x1024xf32, #tpu.memory_space<vmem>>, vector<1x16xf32>,
      %get3A_162 = vector.shape_cast %get3A_161 : vector<1x16xf32> to vector<16xf32>
      %get3A_163 = arith.index_cast %scan3A_47 : i32 to index
      %get3A_164 = arith.constant 128 : index
      %get3A_165 = tpu.vector_load %arg8[%get3A_163, %get3A_164] {strides = array<i32>} : memref<32x1024xf32, #tpu.memory_space<vmem>>, vector<1x16xf32>,
      %get3A_166 = vector.shape_cast %get3A_165 : vector<1x16xf32> to vector<16xf32>
      %add3A_167 = arith.addf %get3A_162, %get3A_166 : vector<16xf32>
      %swap3A_168 = arith.index_cast %scan3A_47 : i32 to index
      %swap3A_169 = arith.constant 128 : index
      %swap3A_170 = tpu.vector_load %arg7[%swap3A_168, %swap3A_169] {strides = array<i32>} : memref<32x1024xf32, #tpu.memory_space<vmem>>, vector<1x16xf32>,
      %swap3A_171 = vector.shape_cast %swap3A_170 : vector<1x16xf32> to vector<16xf32>
      %swap3A_172 = vector.shape_cast %add3A_167 : vector<16xf32> to vector<1x16xf32>
      tpu.vector_store %arg7[%swap3A_168, %swap3A_169], %swap3A_172 {strides = array<i32>} : memref<32x1024xf32, #tpu.memory_space<vmem>>, vector<1x16xf32>,
      %get3A_173 = arith.index_cast %scan3A_47 : i32 to index
      %get3A_174 = arith.constant 144 : index
      %get3A_175 = tpu.vector_load %arg7[%get3A_173, %get3A_174] {strides = array<i32>} : memref<32x1024xf32, #tpu.memory_space<vmem>>, vector<1x16xf32>,
      %get3A_176 = vector.shape_cast %get3A_175 : vector<1x16xf32> to vector<16xf32>
      %get3A_177 = arith.index_cast %scan3A_47 : i32 to index
      %get3A_178 = arith.constant 144 : index
      %get3A_179 = tpu.vector_load %arg8[%get3A_177, %get3A_178] {strides = array<i32>} : memref<32x1024xf32, #tpu.memory_space<vmem>>, vector<1x16xf32>,
      %get3A_180 = vector.shape_cast %get3A_179 : vector<1x16xf32> to vector<16xf32>
      %add3A_181 = arith.addf %get3A_176, %get3A_180 : vector<16xf32>
      %swap3A_182 = arith.index_cast %scan3A_47 : i32 to index
      %swap3A_183 = arith.constant 144 : index
      %swap3A_184 = tpu.vector_load %arg7[%swap3A_182, %swap3A_183] {strides = array<i32>} : memref<32x1024xf32, #tpu.memory_space<vmem>>, vector<1x16xf32>,
      %swap3A_185 = vector.shape_cast %swap3A_184 : vector<1x16xf32> to vector<16xf32>
      %swap3A_186 = vector.shape_cast %add3A_181 : vector<16xf32> to vector<1x16xf32>
      tpu.vector_store %arg7[%swap3A_182, %swap3A_183], %swap3A_186 {strides = array<i32>} : memref<32x1024xf32, #tpu.memory_space<vmem>>, vector<1x16xf32>,
      %get3A_187 = arith.index_cast %scan3A_47 : i32 to index
      %get3A_188 = arith.constant 160 : index
      %get3A_189 = tpu.vector_load %arg7[%get3A_187, %get3A_188] {strides = array<i32>} : memref<32x1024xf32, #tpu.memory_space<vmem>>, vector<1x16xf32>,
      %get3A_190 = vector.shape_cast %get3A_189 : vector<1x16xf32> to vector<16xf32>
      %get3A_191 = arith.index_cast %scan3A_47 : i32 to index
      %get3A_192 = arith.constant 160 : index
      %get3A_193 = tpu.vector_load %arg8[%get3A_191, %get3A_192] {strides = array<i32>} : memref<32x1024xf32, #tpu.memory_space<vmem>>, vector<1x16xf32>,
      %get3A_194 = vector.shape_cast %get3A_193 : vector<1x16xf32> to vector<16xf32>
      %add3A_195 = arith.addf %get3A_190, %get3A_194 : vector<16xf32>
      %swap3A_196 = arith.index_cast %scan3A_47 : i32 to index
      %swap3A_197 = arith.constant 160 : index
      %swap3A_198 = tpu.vector_load %arg7[%swap3A_196, %swap3A_197] {strides = array<i32>} : memref<32x1024xf32, #tpu.memory_space<vmem>>, vector<1x16xf32>,
      %swap3A_199 = vector.shape_cast %swap3A_198 : vector<1x16xf32> to vector<16xf32>
      %swap3A_200 = vector.shape_cast %add3A_195 : vector<16xf32> to vector<1x16xf32>
      tpu.vector_store %arg7[%swap3A_196, %swap3A_197], %swap3A_200 {strides = array<i32>} : memref<32x1024xf32, #tpu.memory_space<vmem>>, vector<1x16xf32>,
      %get3A_201 = arith.index_cast %scan3A_47 : i32 to index
      %get3A_202 = arith.constant 176 : index
      %get3A_203 = tpu.vector_load %arg7[%get3A_201, %get3A_202] {strides = array<i32>} : memref<32x1024xf32, #tpu.memory_space<vmem>>, vector<1x16xf32>,
      %get3A_204 = vector.shape_cast %get3A_203 : vector<1x16xf32> to vector<16xf32>
      %get3A_205 = arith.index_cast %scan3A_47 : i32 to index
      %get3A_206 = arith.constant 176 : index
      %get3A_207 = tpu.vector_load %arg8[%get3A_205, %get3A_206] {strides = array<i32>} : memref<32x1024xf32, #tpu.memory_space<vmem>>, vector<1x16xf32>,
      %get3A_208 = vector.shape_cast %get3A_207 : vector<1x16xf32> to vector<16xf32>
      %add3A_209 = arith.addf %get3A_204, %get3A_208 : vector<16xf32>
      %swap3A_210 = arith.index_cast %scan3A_47 : i32 to index
      %swap3A_211 = arith.constant 176 : index
      %swap3A_212 = tpu.vector_load %arg7[%swap3A_210, %swap3A_211] {strides = array<i32>} : memref<32x1024xf32, #tpu.memory_space<vmem>>, vector<1x16xf32>,
      %swap3A_213 = vector.shape_cast %swap3A_212 : vector<1x16xf32> to vector<16xf32>
      %swap3A_214 = vector.shape_cast %add3A_209 : vector<16xf32> to vector<1x16xf32>
      tpu.vector_store %arg7[%swap3A_210, %swap3A_211], %swap3A_214 {strides = array<i32>} : memref<32x1024xf32, #tpu.memory_space<vmem>>, vector<1x16xf32>,
      %get3A_215 = arith.index_cast %scan3A_47 : i32 to index
      %get3A_216 = arith.constant 192 : index
      %get3A_217 = tpu.vector_load %arg7[%get3A_215, %get3A_216] {strides = array<i32>} : memref<32x1024xf32, #tpu.memory_space<vmem>>, vector<1x16xf32>,
      %get3A_218 = vector.shape_cast %get3A_217 : vector<1x16xf32> to vector<16xf32>
      %get3A_219 = arith.index_cast %scan3A_47 : i32 to index
      %get3A_220 = arith.constant 192 : index
      %get3A_221 = tpu.vector_load %arg8[%get3A_219, %get3A_220] {strides = array<i32>} : memref<32x1024xf32, #tpu.memory_space<vmem>>, vector<1x16xf32>,
      %get3A_222 = vector.shape_cast %get3A_221 : vector<1x16xf32> to vector<16xf32>
      %add3A_223 = arith.addf %get3A_218, %get3A_222 : vector<16xf32>
      %swap3A_224 = arith.index_cast %scan3A_47 : i32 to index
      %swap3A_225 = arith.constant 192 : index
      %swap3A_226 = tpu.vector_load %arg7[%swap3A_224, %swap3A_225] {strides = array<i32>} : memref<32x1024xf32, #tpu.memory_space<vmem>>, vector<1x16xf32>,
      %swap3A_227 = vector.shape_cast %swap3A_226 : vector<1x16xf32> to vector<16xf32>
      %swap3A_228 = vector.shape_cast %add3A_223 : vector<16xf32> to vector<1x16xf32>
      tpu.vector_store %arg7[%swap3A_224, %swap3A_225], %swap3A_228 {strides = array<i32>} : memref<32x1024xf32, #tpu.memory_space<vmem>>, vector<1x16xf32>,
      %get3A_229 = arith.index_cast %scan3A_47 : i32 to index
      %get3A_230 = arith.constant 208 : index
      %get3A_231 = tpu.vector_load %arg7[%get3A_229, %get3A_230] {strides = array<i32>} : memref<32x1024xf32, #tpu.memory_space<vmem>>, vector<1x16xf32>,
      %get3A_232 = vector.shape_cast %get3A_231 : vector<1x16xf32> to vector<16xf32>
      %get3A_233 = arith.index_cast %scan3A_47 : i32 to index
      %get3A_234 = arith.constant 208 : index
      %get3A_235 = tpu.vector_load %arg8[%get3A_233, %get3A_234] {strides = array<i32>} : memref<32x1024xf32, #tpu.memory_space<vmem>>, vector<1x16xf32>,
      %get3A_236 = vector.shape_cast %get3A_235 : vector<1x16xf32> to vector<16xf32>
      %add3A_237 = arith.addf %get3A_232, %get3A_236 : vector<16xf32>
      %swap3A_238 = arith.index_cast %scan3A_47 : i32 to index
      %swap3A_239 = arith.constant 208 : index
      %swap3A_240 = tpu.vector_load %arg7[%swap3A_238, %swap3A_239] {strides = array<i32>} : memref<32x1024xf32, #tpu.memory_space<vmem>>, vector<1x16xf32>,
      %swap3A_241 = vector.shape_cast %swap3A_240 : vector<1x16xf32> to vector<16xf32>
      %swap3A_242 = vector.shape_cast %add3A_237 : vector<16xf32> to vector<1x16xf32>
      tpu.vector_store %arg7[%swap3A_238, %swap3A_239], %swap3A_242 {strides = array<i32>} : memref<32x1024xf32, #tpu.memory_space<vmem>>, vector<1x16xf32>,
      %get3A_243 = arith.index_cast %scan3A_47 : i32 to index
      %get3A_244 = arith.constant 224 : index
      %get3A_245 = tpu.vector_load %arg7[%get3A_243, %get3A_244] {strides = array<i32>} : memref<32x1024xf32, #tpu.memory_space<vmem>>, vector<1x16xf32>,
      %get3A_246 = vector.shape_cast %get3A_245 : vector<1x16xf32> to vector<16xf32>
      %get3A_247 = arith.index_cast %scan3A_47 : i32 to index
      %get3A_248 = arith.constant 224 : index
      %get3A_249 = tpu.vector_load %arg8[%get3A_247, %get3A_248] {strides = array<i32>} : memref<32x1024xf32, #tpu.memory_space<vmem>>, vector<1x16xf32>,
      %get3A_250 = vector.shape_cast %get3A_249 : vector<1x16xf32> to vector<16xf32>
      %add3A_251 = arith.addf %get3A_246, %get3A_250 : vector<16xf32>
      %swap3A_252 = arith.index_cast %scan3A_47 : i32 to index
      %swap3A_253 = arith.constant 224 : index
      %swap3A_254 = tpu.vector_load %arg7[%swap3A_252, %swap3A_253] {strides = array<i32>} : memref<32x1024xf32, #tpu.memory_space<vmem>>, vector<1x16xf32>,
      %swap3A_255 = vector.shape_cast %swap3A_254 : vector<1x16xf32> to vector<16xf32>
      %swap3A_256 = vector.shape_cast %add3A_251 : vector<16xf32> to vector<1x16xf32>
      tpu.vector_store %arg7[%swap3A_252, %swap3A_253], %swap3A_256 {strides = array<i32>} : memref<32x1024xf32, #tpu.memory_space<vmem>>, vector<1x16xf32>,
      %get3A_257 = arith.index_cast %scan3A_47 : i32 to index
      %get3A_258 = arith.constant 240 : index
      %get3A_259 = tpu.vector_load %arg7[%get3A_257, %get3A_258] {strides = array<i32>} : memref<32x1024xf32, #tpu.memory_space<vmem>>, vector<1x16xf32>,
      %get3A_260 = vector.shape_cast %get3A_259 : vector<1x16xf32> to vector<16xf32>
      %get3A_261 = arith.index_cast %scan3A_47 : i32 to index
      %get3A_262 = arith.constant 240 : index
      %get3A_263 = tpu.vector_load %arg8[%get3A_261, %get3A_262] {strides = array<i32>} : memref<32x1024xf32, #tpu.memory_space<vmem>>, vector<1x16xf32>,
      %get3A_264 = vector.shape_cast %get3A_263 : vector<1x16xf32> to vector<16xf32>
      %add3A_265 = arith.addf %get3A_260, %get3A_264 : vector<16xf32>
      %swap3A_266 = arith.index_cast %scan3A_47 : i32 to index
      %swap3A_267 = arith.constant 240 : index
      %swap3A_268 = tpu.vector_load %arg7[%swap3A_266, %swap3A_267] {strides = array<i32>} : memref<32x1024xf32, #tpu.memory_space<vmem>>, vector<1x16xf32>,
      %swap3A_269 = vector.shape_cast %swap3A_268 : vector<1x16xf32> to vector<16xf32>
      %swap3A_270 = vector.shape_cast %add3A_265 : vector<16xf32> to vector<1x16xf32>
      tpu.vector_store %arg7[%swap3A_266, %swap3A_267], %swap3A_270 {strides = array<i32>} : memref<32x1024xf32, #tpu.memory_space<vmem>>, vector<1x16xf32>,
      %get3A_271 = arith.index_cast %scan3A_47 : i32 to index
      %get3A_272 = arith.constant 256 : index
      %get3A_273 = tpu.vector_load %arg7[%get3A_271, %get3A_272] {strides = array<i32>} : memref<32x1024xf32, #tpu.memory_space<vmem>>, vector<1x16xf32>,
      %get3A_274 = vector.shape_cast %get3A_273 : vector<1x16xf32> to vector<16xf32>
      %get3A_275 = arith.index_cast %scan3A_47 : i32 to index
      %get3A_276 = arith.constant 256 : index
      %get3A_277 = tpu.vector_load %arg8[%get3A_275, %get3A_276] {strides = array<i32>} : memref<32x1024xf32, #tpu.memory_space<vmem>>, vector<1x16xf32>,
      %get3A_278 = vector.shape_cast %get3A_277 : vector<1x16xf32> to vector<16xf32>
      %add3A_279 = arith.addf %get3A_274, %get3A_278 : vector<16xf32>
      %swap3A_280 = arith.index_cast %scan3A_47 : i32 to index
      %swap3A_281 = arith.constant 256 : index
      %swap3A_282 = tpu.vector_load %arg7[%swap3A_280, %swap3A_281] {strides = array<i32>} : memref<32x1024xf32, #tpu.memory_space<vmem>>, vector<1x16xf32>,
      %swap3A_283 = vector.shape_cast %swap3A_282 : vector<1x16xf32> to vector<16xf32>
      %swap3A_284 = vector.shape_cast %add3A_279 : vector<16xf32> to vector<1x16xf32>
      tpu.vector_store %arg7[%swap3A_280, %swap3A_281], %swap3A_284 {strides = array<i32>} : memref<32x1024xf32, #tpu.memory_space<vmem>>, vector<1x16xf32>,
      %get3A_285 = arith.index_cast %scan3A_47 : i32 to index
      %get3A_286 = arith.constant 272 : index
      %get3A_287 = tpu.vector_load %arg7[%get3A_285, %get3A_286] {strides = array<i32>} : memref<32x1024xf32, #tpu.memory_space<vmem>>, vector<1x16xf32>,
      %get3A_288 = vector.shape_cast %get3A_287 : vector<1x16xf32> to vector<16xf32>
      %get3A_289 = arith.index_cast %scan3A_47 : i32 to index
      %get3A_290 = arith.constant 272 : index
      %get3A_291 = tpu.vector_load %arg8[%get3A_289, %get3A_290] {strides = array<i32>} : memref<32x1024xf32, #tpu.memory_space<vmem>>, vector<1x16xf32>,
      %get3A_292 = vector.shape_cast %get3A_291 : vector<1x16xf32> to vector<16xf32>
      %add3A_293 = arith.addf %get3A_288, %get3A_292 : vector<16xf32>
      %swap3A_294 = arith.index_cast %scan3A_47 : i32 to index
      %swap3A_295 = arith.constant 272 : index
      %swap3A_296 = tpu.vector_load %arg7[%swap3A_294, %swap3A_295] {strides = array<i32>} : memref<32x1024xf32, #tpu.memory_space<vmem>>, vector<1x16xf32>,
      %swap3A_297 = vector.shape_cast %swap3A_296 : vector<1x16xf32> to vector<16xf32>
      %swap3A_298 = vector.shape_cast %add3A_293 : vector<16xf32> to vector<1x16xf32>
      tpu.vector_store %arg7[%swap3A_294, %swap3A_295], %swap3A_298 {strides = array<i32>} : memref<32x1024xf32, #tpu.memory_space<vmem>>, vector<1x16xf32>,
      %get3A_299 = arith.index_cast %scan3A_47 : i32 to index
      %get3A_300 = arith.constant 288 : index
      %get3A_301 = tpu.vector_load %arg7[%get3A_299, %get3A_300] {strides = array<i32>} : memref<32x1024xf32, #tpu.memory_space<vmem>>, vector<1x16xf32>,
      %get3A_302 = vector.shape_cast %get3A_301 : vector<1x16xf32> to vector<16xf32>
      %get3A_303 = arith.index_cast %scan3A_47 : i32 to index
      %get3A_304 = arith.constant 288 : index
      %get3A_305 = tpu.vector_load %arg8[%get3A_303, %get3A_304] {strides = array<i32>} : memref<32x1024xf32, #tpu.memory_space<vmem>>, vector<1x16xf32>,
      %get3A_306 = vector.shape_cast %get3A_305 : vector<1x16xf32> to vector<16xf32>
      %add3A_307 = arith.addf %get3A_302, %get3A_306 : vector<16xf32>
      %swap3A_308 = arith.index_cast %scan3A_47 : i32 to index
      %swap3A_309 = arith.constant 288 : index
      %swap3A_310 = tpu.vector_load %arg7[%swap3A_308, %swap3A_309] {strides = array<i32>} : memref<32x1024xf32, #tpu.memory_space<vmem>>, vector<1x16xf32>,
      %swap3A_311 = vector.shape_cast %swap3A_310 : vector<1x16xf32> to vector<16xf32>
      %swap3A_312 = vector.shape_cast %add3A_307 : vector<16xf32> to vector<1x16xf32>
      tpu.vector_store %arg7[%swap3A_308, %swap3A_309], %swap3A_312 {strides = array<i32>} : memref<32x1024xf32, #tpu.memory_space<vmem>>, vector<1x16xf32>,
      %get3A_313 = arith.index_cast %scan3A_47 : i32 to index
      %get3A_314 = arith.constant 304 : index
      %get3A_315 = tpu.vector_load %arg7[%get3A_313, %get3A_314] {strides = array<i32>} : memref<32x1024xf32, #tpu.memory_space<vmem>>, vector<1x16xf32>,
      %get3A_316 = vector.shape_cast %get3A_315 : vector<1x16xf32> to vector<16xf32>
      %get3A_317 = arith.index_cast %scan3A_47 : i32 to index
      %get3A_318 = arith.constant 304 : index
      %get3A_319 = tpu.vector_load %arg8[%get3A_317, %get3A_318] {strides = array<i32>} : memref<32x1024xf32, #tpu.memory_space<vmem>>, vector<1x16xf32>,
      %get3A_320 = vector.shape_cast %get3A_319 : vector<1x16xf32> to vector<16xf32>
      %add3A_321 = arith.addf %get3A_316, %get3A_320 : vector<16xf32>
      %swap3A_322 = arith.index_cast %scan3A_47 : i32 to index
      %swap3A_323 = arith.constant 304 : index
      %swap3A_324 = tpu.vector_load %arg7[%swap3A_322, %swap3A_323] {strides = array<i32>} : memref<32x1024xf32, #tpu.memory_space<vmem>>, vector<1x16xf32>,
      %swap3A_325 = vector.shape_cast %swap3A_324 : vector<1x16xf32> to vector<16xf32>
      %swap3A_326 = vector.shape_cast %add3A_321 : vector<16xf32> to vector<1x16xf32>
      tpu.vector_store %arg7[%swap3A_322, %swap3A_323], %swap3A_326 {strides = array<i32>} : memref<32x1024xf32, #tpu.memory_space<vmem>>, vector<1x16xf32>,
      %get3A_327 = arith.index_cast %scan3A_47 : i32 to index
      %get3A_328 = arith.constant 320 : index
      %get3A_329 = tpu.vector_load %arg7[%get3A_327, %get3A_328] {strides = array<i32>} : memref<32x1024xf32, #tpu.memory_space<vmem>>, vector<1x16xf32>,
      %get3A_330 = vector.shape_cast %get3A_329 : vector<1x16xf32> to vector<16xf32>
      %get3A_331 = arith.index_cast %scan3A_47 : i32 to index
      %get3A_332 = arith.constant 320 : index
      %get3A_333 = tpu.vector_load %arg8[%get3A_331, %get3A_332] {strides = array<i32>} : memref<32x1024xf32, #tpu.memory_space<vmem>>, vector<1x16xf32>,
      %get3A_334 = vector.shape_cast %get3A_333 : vector<1x16xf32> to vector<16xf32>
      %add3A_335 = arith.addf %get3A_330, %get3A_334 : vector<16xf32>
      %swap3A_336 = arith.index_cast %scan3A_47 : i32 to index
      %swap3A_337 = arith.constant 320 : index
      %swap3A_338 = tpu.vector_load %arg7[%swap3A_336, %swap3A_337] {strides = array<i32>} : memref<32x1024xf32, #tpu.memory_space<vmem>>, vector<1x16xf32>,
      %swap3A_339 = vector.shape_cast %swap3A_338 : vector<1x16xf32> to vector<16xf32>
      %swap3A_340 = vector.shape_cast %add3A_335 : vector<16xf32> to vector<1x16xf32>
      tpu.vector_store %arg7[%swap3A_336, %swap3A_337], %swap3A_340 {strides = array<i32>} : memref<32x1024xf32, #tpu.memory_space<vmem>>, vector<1x16xf32>,
      %get3A_341 = arith.index_cast %scan3A_47 : i32 to index
      %get3A_342 = arith.constant 336 : index
      %get3A_343 = tpu.vector_load %arg7[%get3A_341, %get3A_342] {strides = array<i32>} : memref<32x1024xf32, #tpu.memory_space<vmem>>, vector<1x16xf32>,
      %get3A_344 = vector.shape_cast %get3A_343 : vector<1x16xf32> to vector<16xf32>
      %get3A_345 = arith.index_cast %scan3A_47 : i32 to index
      %get3A_346 = arith.constant 336 : index
      %get3A_347 = tpu.vector_load %arg8[%get3A_345, %get3A_346] {strides = array<i32>} : memref<32x1024xf32, #tpu.memory_space<vmem>>, vector<1x16xf32>,
      %get3A_348 = vector.shape_cast %get3A_347 : vector<1x16xf32> to vector<16xf32>
      %add3A_349 = arith.addf %get3A_344, %get3A_348 : vector<16xf32>
      %swap3A_350 = arith.index_cast %scan3A_47 : i32 to index
      %swap3A_351 = arith.constant 336 : index
      %swap3A_352 = tpu.vector_load %arg7[%swap3A_350, %swap3A_351] {strides = array<i32>} : memref<32x1024xf32, #tpu.memory_space<vmem>>, vector<1x16xf32>,
      %swap3A_353 = vector.shape_cast %swap3A_352 : vector<1x16xf32> to vector<16xf32>
      %swap3A_354 = vector.shape_cast %add3A_349 : vector<16xf32> to vector<1x16xf32>
      tpu.vector_store %arg7[%swap3A_350, %swap3A_351], %swap3A_354 {strides = array<i32>} : memref<32x1024xf32, #tpu.memory_space<vmem>>, vector<1x16xf32>,
      %get3A_355 = arith.index_cast %scan3A_47 : i32 to index
      %get3A_356 = arith.constant 352 : index
      %get3A_357 = tpu.vector_load %arg7[%get3A_355, %get3A_356] {strides = array<i32>} : memref<32x1024xf32, #tpu.memory_space<vmem>>, vector<1x16xf32>,
      %get3A_358 = vector.shape_cast %get3A_357 : vector<1x16xf32> to vector<16xf32>
      %get3A_359 = arith.index_cast %scan3A_47 : i32 to index
      %get3A_360 = arith.constant 352 : index
      %get3A_361 = tpu.vector_load %arg8[%get3A_359, %get3A_360] {strides = array<i32>} : memref<32x1024xf32, #tpu.memory_space<vmem>>, vector<1x16xf32>,
      %get3A_362 = vector.shape_cast %get3A_361 : vector<1x16xf32> to vector<16xf32>
      %add3A_363 = arith.addf %get3A_358, %get3A_362 : vector<16xf32>
      %swap3A_364 = arith.index_cast %scan3A_47 : i32 to index
      %swap3A_365 = arith.constant 352 : index
      %swap3A_366 = tpu.vector_load %arg7[%swap3A_364, %swap3A_365] {strides = array<i32>} : memref<32x1024xf32, #tpu.memory_space<vmem>>, vector<1x16xf32>,
      %swap3A_367 = vector.shape_cast %swap3A_366 : vector<1x16xf32> to vector<16xf32>
      %swap3A_368 = vector.shape_cast %add3A_363 : vector<16xf32> to vector<1x16xf32>
      tpu.vector_store %arg7[%swap3A_364, %swap3A_365], %swap3A_368 {strides = array<i32>} : memref<32x1024xf32, #tpu.memory_space<vmem>>, vector<1x16xf32>,
      %get3A_369 = arith.index_cast %scan3A_47 : i32 to index
      %get3A_370 = arith.constant 368 : index
      %get3A_371 = tpu.vector_load %arg7[%get3A_369, %get3A_370] {strides = array<i32>} : memref<32x1024xf32, #tpu.memory_space<vmem>>, vector<1x16xf32>,
      %get3A_372 = vector.shape_cast %get3A_371 : vector<1x16xf32> to vector<16xf32>
      %get3A_373 = arith.index_cast %scan3A_47 : i32 to index
      %get3A_374 = arith.constant 368 : index
      %get3A_375 = tpu.vector_load %arg8[%get3A_373, %get3A_374] {strides = array<i32>} : memref<32x1024xf32, #tpu.memory_space<vmem>>, vector<1x16xf32>,
      %get3A_376 = vector.shape_cast %get3A_375 : vector<1x16xf32> to vector<16xf32>
      %add3A_377 = arith.addf %get3A_372, %get3A_376 : vector<16xf32>
      %swap3A_378 = arith.index_cast %scan3A_47 : i32 to index
      %swap3A_379 = arith.constant 368 : index
      %swap3A_380 = tpu.vector_load %arg7[%swap3A_378, %swap3A_379] {strides = array<i32>} : memref<32x1024xf32, #tpu.memory_space<vmem>>, vector<1x16xf32>,
      %swap3A_381 = vector.shape_cast %swap3A_380 : vector<1x16xf32> to vector<16xf32>
      %swap3A_382 = vector.shape_cast %add3A_377 : vector<16xf32> to vector<1x16xf32>
      tpu.vector_store %arg7[%swap3A_378, %swap3A_379], %swap3A_382 {strides = array<i32>} : memref<32x1024xf32, #tpu.memory_space<vmem>>, vector<1x16xf32>,
      %get3A_383 = arith.index_cast %scan3A_47 : i32 to index
      %get3A_384 = arith.constant 384 : index
      %get3A_385 = tpu.vector_load %arg7[%get3A_383, %get3A_384] {strides = array<i32>} : memref<32x1024xf32, #tpu.memory_space<vmem>>, vector<1x16xf32>,
      %get3A_386 = vector.shape_cast %get3A_385 : vector<1x16xf32> to vector<16xf32>
      %get3A_387 = arith.index_cast %scan3A_47 : i32 to index
      %get3A_388 = arith.constant 384 : index
      %get3A_389 = tpu.vector_load %arg8[%get3A_387, %get3A_388] {strides = array<i32>} : memref<32x1024xf32, #tpu.memory_space<vmem>>, vector<1x16xf32>,
      %get3A_390 = vector.shape_cast %get3A_389 : vector<1x16xf32> to vector<16xf32>
      %add3A_391 = arith.addf %get3A_386, %get3A_390 : vector<16xf32>
      %swap3A_392 = arith.index_cast %scan3A_47 : i32 to index
      %swap3A_393 = arith.constant 384 : index
      %swap3A_394 = tpu.vector_load %arg7[%swap3A_392, %swap3A_393] {strides = array<i32>} : memref<32x1024xf32, #tpu.memory_space<vmem>>, vector<1x16xf32>,
      %swap3A_395 = vector.shape_cast %swap3A_394 : vector<1x16xf32> to vector<16xf32>
      %swap3A_396 = vector.shape_cast %add3A_391 : vector<16xf32> to vector<1x16xf32>
      tpu.vector_store %arg7[%swap3A_392, %swap3A_393], %swap3A_396 {strides = array<i32>} : memref<32x1024xf32, #tpu.memory_space<vmem>>, vector<1x16xf32>,
      %get3A_397 = arith.index_cast %scan3A_47 : i32 to index
      %get3A_398 = arith.constant 400 : index
      %get3A_399 = tpu.vector_load %arg7[%get3A_397, %get3A_398] {strides = array<i32>} : memref<32x1024xf32, #tpu.memory_space<vmem>>, vector<1x16xf32>,
      %get3A_400 = vector.shape_cast %get3A_399 : vector<1x16xf32> to vector<16xf32>
      %get3A_401 = arith.index_cast %scan3A_47 : i32 to index
      %get3A_402 = arith.constant 400 : index
      %get3A_403 = tpu.vector_load %arg8[%get3A_401, %get3A_402] {strides = array<i32>} : memref<32x1024xf32, #tpu.memory_space<vmem>>, vector<1x16xf32>,
      %get3A_404 = vector.shape_cast %get3A_403 : vector<1x16xf32> to vector<16xf32>
      %add3A_405 = arith.addf %get3A_400, %get3A_404 : vector<16xf32>
      %swap3A_406 = arith.index_cast %scan3A_47 : i32 to index
      %swap3A_407 = arith.constant 400 : index
      %swap3A_408 = tpu.vector_load %arg7[%swap3A_406, %swap3A_407] {strides = array<i32>} : memref<32x1024xf32, #tpu.memory_space<vmem>>, vector<1x16xf32>,
      %swap3A_409 = vector.shape_cast %swap3A_408 : vector<1x16xf32> to vector<16xf32>
      %swap3A_410 = vector.shape_cast %add3A_405 : vector<16xf32> to vector<1x16xf32>
      tpu.vector_store %arg7[%swap3A_406, %swap3A_407], %swap3A_410 {strides = array<i32>} : memref<32x1024xf32, #tpu.memory_space<vmem>>, vector<1x16xf32>,
      %get3A_411 = arith.index_cast %scan3A_47 : i32 to index
      %get3A_412 = arith.constant 416 : index
      %get3A_413 = tpu.vector_load %arg7[%get3A_411, %get3A_412] {strides = array<i32>} : memref<32x1024xf32, #tpu.memory_space<vmem>>, vector<1x16xf32>,
      %get3A_414 = vector.shape_cast %get3A_413 : vector<1x16xf32> to vector<16xf32>
      %get3A_415 = arith.index_cast %scan3A_47 : i32 to index
      %get3A_416 = arith.constant 416 : index
      %get3A_417 = tpu.vector_load %arg8[%get3A_415, %get3A_416] {strides = array<i32>} : memref<32x1024xf32, #tpu.memory_space<vmem>>, vector<1x16xf32>,
      %get3A_418 = vector.shape_cast %get3A_417 : vector<1x16xf32> to vector<16xf32>
      %add3A_419 = arith.addf %get3A_414, %get3A_418 : vector<16xf32>
      %swap3A_420 = arith.index_cast %scan3A_47 : i32 to index
      %swap3A_421 = arith.constant 416 : index
      %swap3A_422 = tpu.vector_load %arg7[%swap3A_420, %swap3A_421] {strides = array<i32>} : memref<32x1024xf32, #tpu.memory_space<vmem>>, vector<1x16xf32>,
      %swap3A_423 = vector.shape_cast %swap3A_422 : vector<1x16xf32> to vector<16xf32>
      %swap3A_424 = vector.shape_cast %add3A_419 : vector<16xf32> to vector<1x16xf32>
      tpu.vector_store %arg7[%swap3A_420, %swap3A_421], %swap3A_424 {strides = array<i32>} : memref<32x1024xf32, #tpu.memory_space<vmem>>, vector<1x16xf32>,
      %get3A_425 = arith.index_cast %scan3A_47 : i32 to index
      %get3A_426 = arith.constant 432 : index
      %get3A_427 = tpu.vector_load %arg7[%get3A_425, %get3A_426] {strides = array<i32>} : memref<32x1024xf32, #tpu.memory_space<vmem>>, vector<1x16xf32>,
      %get3A_428 = vector.shape_cast %get3A_427 : vector<1x16xf32> to vector<16xf32>
      %get3A_429 = arith.index_cast %scan3A_47 : i32 to index
      %get3A_430 = arith.constant 432 : index
      %get3A_431 = tpu.vector_load %arg8[%get3A_429, %get3A_430] {strides = array<i32>} : memref<32x1024xf32, #tpu.memory_space<vmem>>, vector<1x16xf32>,
      %get3A_432 = vector.shape_cast %get3A_431 : vector<1x16xf32> to vector<16xf32>
      %add3A_433 = arith.addf %get3A_428, %get3A_432 : vector<16xf32>
      %swap3A_434 = arith.index_cast %scan3A_47 : i32 to index
      %swap3A_435 = arith.constant 432 : index
      %swap3A_436 = tpu.vector_load %arg7[%swap3A_434, %swap3A_435] {strides = array<i32>} : memref<32x1024xf32, #tpu.memory_space<vmem>>, vector<1x16xf32>,
      %swap3A_437 = vector.shape_cast %swap3A_436 : vector<1x16xf32> to vector<16xf32>
      %swap3A_438 = vector.shape_cast %add3A_433 : vector<16xf32> to vector<1x16xf32>
      tpu.vector_store %arg7[%swap3A_434, %swap3A_435], %swap3A_438 {strides = array<i32>} : memref<32x1024xf32, #tpu.memory_space<vmem>>, vector<1x16xf32>,
      %get3A_439 = arith.index_cast %scan3A_47 : i32 to index
      %get3A_440 = arith.constant 448 : index
      %get3A_441 = tpu.vector_load %arg7[%get3A_439, %get3A_440] {strides = array<i32>} : memref<32x1024xf32, #tpu.memory_space<vmem>>, vector<1x16xf32>,
      %get3A_442 = vector.shape_cast %get3A_441 : vector<1x16xf32> to vector<16xf32>
      %get3A_443 = arith.index_cast %scan3A_47 : i32 to index
      %get3A_444 = arith.constant 448 : index
      %get3A_445 = tpu.vector_load %arg8[%get3A_443, %get3A_444] {strides = array<i32>} : memref<32x1024xf32, #tpu.memory_space<vmem>>, vector<1x16xf32>,
      %get3A_446 = vector.shape_cast %get3A_445 : vector<1x16xf32> to vector<16xf32>
      %add3A_447 = arith.addf %get3A_442, %get3A_446 : vector<16xf32>
      %swap3A_448 = arith.index_cast %scan3A_47 : i32 to index
      %swap3A_449 = arith.constant 448 : index
      %swap3A_450 = tpu.vector_load %arg7[%swap3A_448, %swap3A_449] {strides = array<i32>} : memref<32x1024xf32, #tpu.memory_space<vmem>>, vector<1x16xf32>,
      %swap3A_451 = vector.shape_cast %swap3A_450 : vector<1x16xf32> to vector<16xf32>
      %swap3A_452 = vector.shape_cast %add3A_447 : vector<16xf32> to vector<1x16xf32>
      tpu.vector_store %arg7[%swap3A_448, %swap3A_449], %swap3A_452 {strides = array<i32>} : memref<32x1024xf32, #tpu.memory_space<vmem>>, vector<1x16xf32>,
      %get3A_453 = arith.index_cast %scan3A_47 : i32 to index
      %get3A_454 = arith.constant 464 : index
      %get3A_455 = tpu.vector_load %arg7[%get3A_453, %get3A_454] {strides = array<i32>} : memref<32x1024xf32, #tpu.memory_space<vmem>>, vector<1x16xf32>,
      %get3A_456 = vector.shape_cast %get3A_455 : vector<1x16xf32> to vector<16xf32>
      %get3A_457 = arith.index_cast %scan3A_47 : i32 to index
      %get3A_458 = arith.constant 464 : index
      %get3A_459 = tpu.vector_load %arg8[%get3A_457, %get3A_458] {strides = array<i32>} : memref<32x1024xf32, #tpu.memory_space<vmem>>, vector<1x16xf32>,
      %get3A_460 = vector.shape_cast %get3A_459 : vector<1x16xf32> to vector<16xf32>
      %add3A_461 = arith.addf %get3A_456, %get3A_460 : vector<16xf32>
      %swap3A_462 = arith.index_cast %scan3A_47 : i32 to index
      %swap3A_463 = arith.constant 464 : index
      %swap3A_464 = tpu.vector_load %arg7[%swap3A_462, %swap3A_463] {strides = array<i32>} : memref<32x1024xf32, #tpu.memory_space<vmem>>, vector<1x16xf32>,
      %swap3A_465 = vector.shape_cast %swap3A_464 : vector<1x16xf32> to vector<16xf32>
      %swap3A_466 = vector.shape_cast %add3A_461 : vector<16xf32> to vector<1x16xf32>
      tpu.vector_store %arg7[%swap3A_462, %swap3A_463], %swap3A_466 {strides = array<i32>} : memref<32x1024xf32, #tpu.memory_space<vmem>>, vector<1x16xf32>,
      %get3A_467 = arith.index_cast %scan3A_47 : i32 to index
      %get3A_468 = arith.constant 480 : index
      %get3A_469 = tpu.vector_load %arg7[%get3A_467, %get3A_468] {strides = array<i32>} : memref<32x1024xf32, #tpu.memory_space<vmem>>, vector<1x16xf32>,
      %get3A_470 = vector.shape_cast %get3A_469 : vector<1x16xf32> to vector<16xf32>
      %get3A_471 = arith.index_cast %scan3A_47 : i32 to index
      %get3A_472 = arith.constant 480 : index
      %get3A_473 = tpu.vector_load %arg8[%get3A_471, %get3A_472] {strides = array<i32>} : memref<32x1024xf32, #tpu.memory_space<vmem>>, vector<1x16xf32>,
      %get3A_474 = vector.shape_cast %get3A_473 : vector<1x16xf32> to vector<16xf32>
      %add3A_475 = arith.addf %get3A_470, %get3A_474 : vector<16xf32>
      %swap3A_476 = arith.index_cast %scan3A_47 : i32 to index
      %swap3A_477 = arith.constant 480 : index
      %swap3A_478 = tpu.vector_load %arg7[%swap3A_476, %swap3A_477] {strides = array<i32>} : memref<32x1024xf32, #tpu.memory_space<vmem>>, vector<1x16xf32>,
      %swap3A_479 = vector.shape_cast %swap3A_478 : vector<1x16xf32> to vector<16xf32>
      %swap3A_480 = vector.shape_cast %add3A_475 : vector<16xf32> to vector<1x16xf32>
      tpu.vector_store %arg7[%swap3A_476, %swap3A_477], %swap3A_480 {strides = array<i32>} : memref<32x1024xf32, #tpu.memory_space<vmem>>, vector<1x16xf32>,
      %get3A_481 = arith.index_cast %scan3A_47 : i32 to index
      %get3A_482 = arith.constant 496 : index
      %get3A_483 = tpu.vector_load %arg7[%get3A_481, %get3A_482] {strides = array<i32>} : memref<32x1024xf32, #tpu.memory_space<vmem>>, vector<1x16xf32>,
      %get3A_484 = vector.shape_cast %get3A_483 : vector<1x16xf32> to vector<16xf32>
      %get3A_485 = arith.index_cast %scan3A_47 : i32 to index
      %get3A_486 = arith.constant 496 : index
      %get3A_487 = tpu.vector_load %arg8[%get3A_485, %get3A_486] {strides = array<i32>} : memref<32x1024xf32, #tpu.memory_space<vmem>>, vector<1x16xf32>,
      %get3A_488 = vector.shape_cast %get3A_487 : vector<1x16xf32> to vector<16xf32>
      %add3A_489 = arith.addf %get3A_484, %get3A_488 : vector<16xf32>
      %swap3A_490 = arith.index_cast %scan3A_47 : i32 to index
      %swap3A_491 = arith.constant 496 : index
      %swap3A_492 = tpu.vector_load %arg7[%swap3A_490, %swap3A_491] {strides = array<i32>} : memref<32x1024xf32, #tpu.memory_space<vmem>>, vector<1x16xf32>,
      %swap3A_493 = vector.shape_cast %swap3A_492 : vector<1x16xf32> to vector<16xf32>
      %swap3A_494 = vector.shape_cast %add3A_489 : vector<16xf32> to vector<1x16xf32>
      tpu.vector_store %arg7[%swap3A_490, %swap3A_491], %swap3A_494 {strides = array<i32>} : memref<32x1024xf32, #tpu.memory_space<vmem>>, vector<1x16xf32>,
      %get3A_495 = arith.index_cast %scan3A_47 : i32 to index
      %get3A_496 = arith.constant 512 : index
      %get3A_497 = tpu.vector_load %arg7[%get3A_495, %get3A_496] {strides = array<i32>} : memref<32x1024xf32, #tpu.memory_space<vmem>>, vector<1x16xf32>,
      %get3A_498 = vector.shape_cast %get3A_497 : vector<1x16xf32> to vector<16xf32>
      %get3A_499 = arith.index_cast %scan3A_47 : i32 to index
      %get3A_500 = arith.constant 512 : index
      %get3A_501 = tpu.vector_load %arg8[%get3A_499, %get3A_500] {strides = array<i32>} : memref<32x1024xf32, #tpu.memory_space<vmem>>, vector<1x16xf32>,
      %get3A_502 = vector.shape_cast %get3A_501 : vector<1x16xf32> to vector<16xf32>
      %add3A_503 = arith.addf %get3A_498, %get3A_502 : vector<16xf32>
      %swap3A_504 = arith.index_cast %scan3A_47 : i32 to index
      %swap3A_505 = arith.constant 512 : index
      %swap3A_506 = tpu.vector_load %arg7[%swap3A_504, %swap3A_505] {strides = array<i32>} : memref<32x1024xf32, #tpu.memory_space<vmem>>, vector<1x16xf32>,
      %swap3A_507 = vector.shape_cast %swap3A_506 : vector<1x16xf32> to vector<16xf32>
      %swap3A_508 = vector.shape_cast %add3A_503 : vector<16xf32> to vector<1x16xf32>
      tpu.vector_store %arg7[%swap3A_504, %swap3A_505], %swap3A_508 {strides = array<i32>} : memref<32x1024xf32, #tpu.memory_space<vmem>>, vector<1x16xf32>,
      %get3A_509 = arith.index_cast %scan3A_47 : i32 to index
      %get3A_510 = arith.constant 528 : index
      %get3A_511 = tpu.vector_load %arg7[%get3A_509, %get3A_510] {strides = array<i32>} : memref<32x1024xf32, #tpu.memory_space<vmem>>, vector<1x16xf32>,
      %get3A_512 = vector.shape_cast %get3A_511 : vector<1x16xf32> to vector<16xf32>
      %get3A_513 = arith.index_cast %scan3A_47 : i32 to index
      %get3A_514 = arith.constant 528 : index
      %get3A_515 = tpu.vector_load %arg8[%get3A_513, %get3A_514] {strides = array<i32>} : memref<32x1024xf32, #tpu.memory_space<vmem>>, vector<1x16xf32>,
      %get3A_516 = vector.shape_cast %get3A_515 : vector<1x16xf32> to vector<16xf32>
      %add3A_517 = arith.addf %get3A_512, %get3A_516 : vector<16xf32>
      %swap3A_518 = arith.index_cast %scan3A_47 : i32 to index
      %swap3A_519 = arith.constant 528 : index
      %swap3A_520 = tpu.vector_load %arg7[%swap3A_518, %swap3A_519] {strides = array<i32>} : memref<32x1024xf32, #tpu.memory_space<vmem>>, vector<1x16xf32>,
      %swap3A_521 = vector.shape_cast %swap3A_520 : vector<1x16xf32> to vector<16xf32>
      %swap3A_522 = vector.shape_cast %add3A_517 : vector<16xf32> to vector<1x16xf32>
      tpu.vector_store %arg7[%swap3A_518, %swap3A_519], %swap3A_522 {strides = array<i32>} : memref<32x1024xf32, #tpu.memory_space<vmem>>, vector<1x16xf32>,
      %get3A_523 = arith.index_cast %scan3A_47 : i32 to index
      %get3A_524 = arith.constant 544 : index
      %get3A_525 = tpu.vector_load %arg7[%get3A_523, %get3A_524] {strides = array<i32>} : memref<32x1024xf32, #tpu.memory_space<vmem>>, vector<1x16xf32>,
      %get3A_526 = vector.shape_cast %get3A_525 : vector<1x16xf32> to vector<16xf32>
      %get3A_527 = arith.index_cast %scan3A_47 : i32 to index
      %get3A_528 = arith.constant 544 : index
      %get3A_529 = tpu.vector_load %arg8[%get3A_527, %get3A_528] {strides = array<i32>} : memref<32x1024xf32, #tpu.memory_space<vmem>>, vector<1x16xf32>,
      %get3A_530 = vector.shape_cast %get3A_529 : vector<1x16xf32> to vector<16xf32>
      %add3A_531 = arith.addf %get3A_526, %get3A_530 : vector<16xf32>
      %swap3A_532 = arith.index_cast %scan3A_47 : i32 to index
      %swap3A_533 = arith.constant 544 : index
      %swap3A_534 = tpu.vector_load %arg7[%swap3A_532, %swap3A_533] {strides = array<i32>} : memref<32x1024xf32, #tpu.memory_space<vmem>>, vector<1x16xf32>,
      %swap3A_535 = vector.shape_cast %swap3A_534 : vector<1x16xf32> to vector<16xf32>
      %swap3A_536 = vector.shape_cast %add3A_531 : vector<16xf32> to vector<1x16xf32>
      tpu.vector_store %arg7[%swap3A_532, %swap3A_533], %swap3A_536 {strides = array<i32>} : memref<32x1024xf32, #tpu.memory_space<vmem>>, vector<1x16xf32>,
      %get3A_537 = arith.index_cast %scan3A_47 : i32 to index
      %get3A_538 = arith.constant 560 : index
      %get3A_539 = tpu.vector_load %arg7[%get3A_537, %get3A_538] {strides = array<i32>} : memref<32x1024xf32, #tpu.memory_space<vmem>>, vector<1x16xf32>,
      %get3A_540 = vector.shape_cast %get3A_539 : vector<1x16xf32> to vector<16xf32>
      %get3A_541 = arith.index_cast %scan3A_47 : i32 to index
      %get3A_542 = arith.constant 560 : index
      %get3A_543 = tpu.vector_load %arg8[%get3A_541, %get3A_542] {strides = array<i32>} : memref<32x1024xf32, #tpu.memory_space<vmem>>, vector<1x16xf32>,
      %get3A_544 = vector.shape_cast %get3A_543 : vector<1x16xf32> to vector<16xf32>
      %add3A_545 = arith.addf %get3A_540, %get3A_544 : vector<16xf32>
      %swap3A_546 = arith.index_cast %scan3A_47 : i32 to index
      %swap3A_547 = arith.constant 560 : index
      %swap3A_548 = tpu.vector_load %arg7[%swap3A_546, %swap3A_547] {strides = array<i32>} : memref<32x1024xf32, #tpu.memory_space<vmem>>, vector<1x16xf32>,
      %swap3A_549 = vector.shape_cast %swap3A_548 : vector<1x16xf32> to vector<16xf32>
      %swap3A_550 = vector.shape_cast %add3A_545 : vector<16xf32> to vector<1x16xf32>
      tpu.vector_store %arg7[%swap3A_546, %swap3A_547], %swap3A_550 {strides = array<i32>} : memref<32x1024xf32, #tpu.memory_space<vmem>>, vector<1x16xf32>,
      %get3A_551 = arith.index_cast %scan3A_47 : i32 to index
      %get3A_552 = arith.constant 576 : index
      %get3A_553 = tpu.vector_load %arg7[%get3A_551, %get3A_552] {strides = array<i32>} : memref<32x1024xf32, #tpu.memory_space<vmem>>, vector<1x16xf32>,
      %get3A_554 = vector.shape_cast %get3A_553 : vector<1x16xf32> to vector<16xf32>
      %get3A_555 = arith.index_cast %scan3A_47 : i32 to index
      %get3A_556 = arith.constant 576 : index
      %get3A_557 = tpu.vector_load %arg8[%get3A_555, %get3A_556] {strides = array<i32>} : memref<32x1024xf32, #tpu.memory_space<vmem>>, vector<1x16xf32>,
      %get3A_558 = vector.shape_cast %get3A_557 : vector<1x16xf32> to vector<16xf32>
      %add3A_559 = arith.addf %get3A_554, %get3A_558 : vector<16xf32>
      %swap3A_560 = arith.index_cast %scan3A_47 : i32 to index
      %swap3A_561 = arith.constant 576 : index
      %swap3A_562 = tpu.vector_load %arg7[%swap3A_560, %swap3A_561] {strides = array<i32>} : memref<32x1024xf32, #tpu.memory_space<vmem>>, vector<1x16xf32>,
      %swap3A_563 = vector.shape_cast %swap3A_562 : vector<1x16xf32> to vector<16xf32>
      %swap3A_564 = vector.shape_cast %add3A_559 : vector<16xf32> to vector<1x16xf32>
      tpu.vector_store %arg7[%swap3A_560, %swap3A_561], %swap3A_564 {strides = array<i32>} : memref<32x1024xf32, #tpu.memory_space<vmem>>, vector<1x16xf32>,
      %get3A_565 = arith.index_cast %scan3A_47 : i32 to index
      %get3A_566 = arith.constant 592 : index
      %get3A_567 = tpu.vector_load %arg7[%get3A_565, %get3A_566] {strides = array<i32>} : memref<32x1024xf32, #tpu.memory_space<vmem>>, vector<1x16xf32>,
      %get3A_568 = vector.shape_cast %get3A_567 : vector<1x16xf32> to vector<16xf32>
      %get3A_569 = arith.index_cast %scan3A_47 : i32 to index
      %get3A_570 = arith.constant 592 : index
      %get3A_571 = tpu.vector_load %arg8[%get3A_569, %get3A_570] {strides = array<i32>} : memref<32x1024xf32, #tpu.memory_space<vmem>>, vector<1x16xf32>,
      %get3A_572 = vector.shape_cast %get3A_571 : vector<1x16xf32> to vector<16xf32>
      %add3A_573 = arith.addf %get3A_568, %get3A_572 : vector<16xf32>
      %swap3A_574 = arith.index_cast %scan3A_47 : i32 to index
      %swap3A_575 = arith.constant 592 : index
      %swap3A_576 = tpu.vector_load %arg7[%swap3A_574, %swap3A_575] {strides = array<i32>} : memref<32x1024xf32, #tpu.memory_space<vmem>>, vector<1x16xf32>,
      %swap3A_577 = vector.shape_cast %swap3A_576 : vector<1x16xf32> to vector<16xf32>
      %swap3A_578 = vector.shape_cast %add3A_573 : vector<16xf32> to vector<1x16xf32>
      tpu.vector_store %arg7[%swap3A_574, %swap3A_575], %swap3A_578 {strides = array<i32>} : memref<32x1024xf32, #tpu.memory_space<vmem>>, vector<1x16xf32>,
      %get3A_579 = arith.index_cast %scan3A_47 : i32 to index
      %get3A_580 = arith.constant 608 : index
      %get3A_581 = tpu.vector_load %arg7[%get3A_579, %get3A_580] {strides = array<i32>} : memref<32x1024xf32, #tpu.memory_space<vmem>>, vector<1x16xf32>,
      %get3A_582 = vector.shape_cast %get3A_581 : vector<1x16xf32> to vector<16xf32>
      %get3A_583 = arith.index_cast %scan3A_47 : i32 to index
      %get3A_584 = arith.constant 608 : index
      %get3A_585 = tpu.vector_load %arg8[%get3A_583, %get3A_584] {strides = array<i32>} : memref<32x1024xf32, #tpu.memory_space<vmem>>, vector<1x16xf32>,
      %get3A_586 = vector.shape_cast %get3A_585 : vector<1x16xf32> to vector<16xf32>
      %add3A_587 = arith.addf %get3A_582, %get3A_586 : vector<16xf32>
      %swap3A_588 = arith.index_cast %scan3A_47 : i32 to index
      %swap3A_589 = arith.constant 608 : index
      %swap3A_590 = tpu.vector_load %arg7[%swap3A_588, %swap3A_589] {strides = array<i32>} : memref<32x1024xf32, #tpu.memory_space<vmem>>, vector<1x16xf32>,
      %swap3A_591 = vector.shape_cast %swap3A_590 : vector<1x16xf32> to vector<16xf32>
      %swap3A_592 = vector.shape_cast %add3A_587 : vector<16xf32> to vector<1x16xf32>
      tpu.vector_store %arg7[%swap3A_588, %swap3A_589], %swap3A_592 {strides = array<i32>} : memref<32x1024xf32, #tpu.memory_space<vmem>>, vector<1x16xf32>,
      %get3A_593 = arith.index_cast %scan3A_47 : i32 to index
      %get3A_594 = arith.constant 624 : index
      %get3A_595 = tpu.vector_load %arg7[%get3A_593, %get3A_594] {strides = array<i32>} : memref<32x1024xf32, #tpu.memory_space<vmem>>, vector<1x16xf32>,
      %get3A_596 = vector.shape_cast %get3A_595 : vector<1x16xf32> to vector<16xf32>
      %get3A_597 = arith.index_cast %scan3A_47 : i32 to index
      %get3A_598 = arith.constant 624 : index
      %get3A_599 = tpu.vector_load %arg8[%get3A_597, %get3A_598] {strides = array<i32>} : memref<32x1024xf32, #tpu.memory_space<vmem>>, vector<1x16xf32>,
      %get3A_600 = vector.shape_cast %get3A_599 : vector<1x16xf32> to vector<16xf32>
      %add3A_601 = arith.addf %get3A_596, %get3A_600 : vector<16xf32>
      %swap3A_602 = arith.index_cast %scan3A_47 : i32 to index
      %swap3A_603 = arith.constant 624 : index
      %swap3A_604 = tpu.vector_load %arg7[%swap3A_602, %swap3A_603] {strides = array<i32>} : memref<32x1024xf32, #tpu.memory_space<vmem>>, vector<1x16xf32>,
      %swap3A_605 = vector.shape_cast %swap3A_604 : vector<1x16xf32> to vector<16xf32>
      %swap3A_606 = vector.shape_cast %add3A_601 : vector<16xf32> to vector<1x16xf32>
      tpu.vector_store %arg7[%swap3A_602, %swap3A_603], %swap3A_606 {strides = array<i32>} : memref<32x1024xf32, #tpu.memory_space<vmem>>, vector<1x16xf32>,
      %get3A_607 = arith.index_cast %scan3A_47 : i32 to index
      %get3A_608 = arith.constant 640 : index
      %get3A_609 = tpu.vector_load %arg7[%get3A_607, %get3A_608] {strides = array<i32>} : memref<32x1024xf32, #tpu.memory_space<vmem>>, vector<1x16xf32>,
      %get3A_610 = vector.shape_cast %get3A_609 : vector<1x16xf32> to vector<16xf32>
      %get3A_611 = arith.index_cast %scan3A_47 : i32 to index
      %get3A_612 = arith.constant 640 : index
      %get3A_613 = tpu.vector_load %arg8[%get3A_611, %get3A_612] {strides = array<i32>} : memref<32x1024xf32, #tpu.memory_space<vmem>>, vector<1x16xf32>,
      %get3A_614 = vector.shape_cast %get3A_613 : vector<1x16xf32> to vector<16xf32>
      %add3A_615 = arith.addf %get3A_610, %get3A_614 : vector<16xf32>
      %swap3A_616 = arith.index_cast %scan3A_47 : i32 to index
      %swap3A_617 = arith.constant 640 : index
      %swap3A_618 = tpu.vector_load %arg7[%swap3A_616, %swap3A_617] {strides = array<i32>} : memref<32x1024xf32, #tpu.memory_space<vmem>>, vector<1x16xf32>,
      %swap3A_619 = vector.shape_cast %swap3A_618 : vector<1x16xf32> to vector<16xf32>
      %swap3A_620 = vector.shape_cast %add3A_615 : vector<16xf32> to vector<1x16xf32>
      tpu.vector_store %arg7[%swap3A_616, %swap3A_617], %swap3A_620 {strides = array<i32>} : memref<32x1024xf32, #tpu.memory_space<vmem>>, vector<1x16xf32>,
      %get3A_621 = arith.index_cast %scan3A_47 : i32 to index
      %get3A_622 = arith.constant 656 : index
      %get3A_623 = tpu.vector_load %arg7[%get3A_621, %get3A_622] {strides = array<i32>} : memref<32x1024xf32, #tpu.memory_space<vmem>>, vector<1x16xf32>,
      %get3A_624 = vector.shape_cast %get3A_623 : vector<1x16xf32> to vector<16xf32>
      %get3A_625 = arith.index_cast %scan3A_47 : i32 to index
      %get3A_626 = arith.constant 656 : index
      %get3A_627 = tpu.vector_load %arg8[%get3A_625, %get3A_626] {strides = array<i32>} : memref<32x1024xf32, #tpu.memory_space<vmem>>, vector<1x16xf32>,
      %get3A_628 = vector.shape_cast %get3A_627 : vector<1x16xf32> to vector<16xf32>
      %add3A_629 = arith.addf %get3A_624, %get3A_628 : vector<16xf32>
      %swap3A_630 = arith.index_cast %scan3A_47 : i32 to index
      %swap3A_631 = arith.constant 656 : index
      %swap3A_632 = tpu.vector_load %arg7[%swap3A_630, %swap3A_631] {strides = array<i32>} : memref<32x1024xf32, #tpu.memory_space<vmem>>, vector<1x16xf32>,
      %swap3A_633 = vector.shape_cast %swap3A_632 : vector<1x16xf32> to vector<16xf32>
      %swap3A_634 = vector.shape_cast %add3A_629 : vector<16xf32> to vector<1x16xf32>
      tpu.vector_store %arg7[%swap3A_630, %swap3A_631], %swap3A_634 {strides = array<i32>} : memref<32x1024xf32, #tpu.memory_space<vmem>>, vector<1x16xf32>,
      %get3A_635 = arith.index_cast %scan3A_47 : i32 to index
      %get3A_636 = arith.constant 672 : index
      %get3A_637 = tpu.vector_load %arg7[%get3A_635, %get3A_636] {strides = array<i32>} : memref<32x1024xf32, #tpu.memory_space<vmem>>, vector<1x16xf32>,
      %get3A_638 = vector.shape_cast %get3A_637 : vector<1x16xf32> to vector<16xf32>
      %get3A_639 = arith.index_cast %scan3A_47 : i32 to index
      %get3A_640 = arith.constant 672 : index
      %get3A_641 = tpu.vector_load %arg8[%get3A_639, %get3A_640] {strides = array<i32>} : memref<32x1024xf32, #tpu.memory_space<vmem>>, vector<1x16xf32>,
      %get3A_642 = vector.shape_cast %get3A_641 : vector<1x16xf32> to vector<16xf32>
      %add3A_643 = arith.addf %get3A_638, %get3A_642 : vector<16xf32>
      %swap3A_644 = arith.index_cast %scan3A_47 : i32 to index
      %swap3A_645 = arith.constant 672 : index
      %swap3A_646 = tpu.vector_load %arg7[%swap3A_644, %swap3A_645] {strides = array<i32>} : memref<32x1024xf32, #tpu.memory_space<vmem>>, vector<1x16xf32>,
      %swap3A_647 = vector.shape_cast %swap3A_646 : vector<1x16xf32> to vector<16xf32>
      %swap3A_648 = vector.shape_cast %add3A_643 : vector<16xf32> to vector<1x16xf32>
      tpu.vector_store %arg7[%swap3A_644, %swap3A_645], %swap3A_648 {strides = array<i32>} : memref<32x1024xf32, #tpu.memory_space<vmem>>, vector<1x16xf32>,
      %get3A_649 = arith.index_cast %scan3A_47 : i32 to index
      %get3A_650 = arith.constant 688 : index
      %get3A_651 = tpu.vector_load %arg7[%get3A_649, %get3A_650] {strides = array<i32>} : memref<32x1024xf32, #tpu.memory_space<vmem>>, vector<1x16xf32>,
      %get3A_652 = vector.shape_cast %get3A_651 : vector<1x16xf32> to vector<16xf32>
      %get3A_653 = arith.index_cast %scan3A_47 : i32 to index
      %get3A_654 = arith.constant 688 : index
      %get3A_655 = tpu.vector_load %arg8[%get3A_653, %get3A_654] {strides = array<i32>} : memref<32x1024xf32, #tpu.memory_space<vmem>>, vector<1x16xf32>,
      %get3A_656 = vector.shape_cast %get3A_655 : vector<1x16xf32> to vector<16xf32>
      %add3A_657 = arith.addf %get3A_652, %get3A_656 : vector<16xf32>
      %swap3A_658 = arith.index_cast %scan3A_47 : i32 to index
      %swap3A_659 = arith.constant 688 : index
      %swap3A_660 = tpu.vector_load %arg7[%swap3A_658, %swap3A_659] {strides = array<i32>} : memref<32x1024xf32, #tpu.memory_space<vmem>>, vector<1x16xf32>,
      %swap3A_661 = vector.shape_cast %swap3A_660 : vector<1x16xf32> to vector<16xf32>
      %swap3A_662 = vector.shape_cast %add3A_657 : vector<16xf32> to vector<1x16xf32>
      tpu.vector_store %arg7[%swap3A_658, %swap3A_659], %swap3A_662 {strides = array<i32>} : memref<32x1024xf32, #tpu.memory_space<vmem>>, vector<1x16xf32>,
      %get3A_663 = arith.index_cast %scan3A_47 : i32 to index
      %get3A_664 = arith.constant 704 : index
      %get3A_665 = tpu.vector_load %arg7[%get3A_663, %get3A_664] {strides = array<i32>} : memref<32x1024xf32, #tpu.memory_space<vmem>>, vector<1x16xf32>,
      %get3A_666 = vector.shape_cast %get3A_665 : vector<1x16xf32> to vector<16xf32>
      %get3A_667 = arith.index_cast %scan3A_47 : i32 to index
      %get3A_668 = arith.constant 704 : index
      %get3A_669 = tpu.vector_load %arg8[%get3A_667, %get3A_668] {strides = array<i32>} : memref<32x1024xf32, #tpu.memory_space<vmem>>, vector<1x16xf32>,
      %get3A_670 = vector.shape_cast %get3A_669 : vector<1x16xf32> to vector<16xf32>
      %add3A_671 = arith.addf %get3A_666, %get3A_670 : vector<16xf32>
      %swap3A_672 = arith.index_cast %scan3A_47 : i32 to index
      %swap3A_673 = arith.constant 704 : index
      %swap3A_674 = tpu.vector_load %arg7[%swap3A_672, %swap3A_673] {strides = array<i32>} : memref<32x1024xf32, #tpu.memory_space<vmem>>, vector<1x16xf32>,
      %swap3A_675 = vector.shape_cast %swap3A_674 : vector<1x16xf32> to vector<16xf32>
      %swap3A_676 = vector.shape_cast %add3A_671 : vector<16xf32> to vector<1x16xf32>
      tpu.vector_store %arg7[%swap3A_672, %swap3A_673], %swap3A_676 {strides = array<i32>} : memref<32x1024xf32, #tpu.memory_space<vmem>>, vector<1x16xf32>,
      %get3A_677 = arith.index_cast %scan3A_47 : i32 to index
      %get3A_678 = arith.constant 720 : index
      %get3A_679 = tpu.vector_load %arg7[%get3A_677, %get3A_678] {strides = array<i32>} : memref<32x1024xf32, #tpu.memory_space<vmem>>, vector<1x16xf32>,
      %get3A_680 = vector.shape_cast %get3A_679 : vector<1x16xf32> to vector<16xf32>
      %get3A_681 = arith.index_cast %scan3A_47 : i32 to index
      %get3A_682 = arith.constant 720 : index
      %get3A_683 = tpu.vector_load %arg8[%get3A_681, %get3A_682] {strides = array<i32>} : memref<32x1024xf32, #tpu.memory_space<vmem>>, vector<1x16xf32>,
      %get3A_684 = vector.shape_cast %get3A_683 : vector<1x16xf32> to vector<16xf32>
      %add3A_685 = arith.addf %get3A_680, %get3A_684 : vector<16xf32>
      %swap3A_686 = arith.index_cast %scan3A_47 : i32 to index
      %swap3A_687 = arith.constant 720 : index
      %swap3A_688 = tpu.vector_load %arg7[%swap3A_686, %swap3A_687] {strides = array<i32>} : memref<32x1024xf32, #tpu.memory_space<vmem>>, vector<1x16xf32>,
      %swap3A_689 = vector.shape_cast %swap3A_688 : vector<1x16xf32> to vector<16xf32>
      %swap3A_690 = vector.shape_cast %add3A_685 : vector<16xf32> to vector<1x16xf32>
      tpu.vector_store %arg7[%swap3A_686, %swap3A_687], %swap3A_690 {strides = array<i32>} : memref<32x1024xf32, #tpu.memory_space<vmem>>, vector<1x16xf32>,
      %get3A_691 = arith.index_cast %scan3A_47 : i32 to index
      %get3A_692 = arith.constant 736 : index
      %get3A_693 = tpu.vector_load %arg7[%get3A_691, %get3A_692] {strides = array<i32>} : memref<32x1024xf32, #tpu.memory_space<vmem>>, vector<1x16xf32>,
      %get3A_694 = vector.shape_cast %get3A_693 : vector<1x16xf32> to vector<16xf32>
      %get3A_695 = arith.index_cast %scan3A_47 : i32 to index
      %get3A_696 = arith.constant 736 : index
      %get3A_697 = tpu.vector_load %arg8[%get3A_695, %get3A_696] {strides = array<i32>} : memref<32x1024xf32, #tpu.memory_space<vmem>>, vector<1x16xf32>,
      %get3A_698 = vector.shape_cast %get3A_697 : vector<1x16xf32> to vector<16xf32>
      %add3A_699 = arith.addf %get3A_694, %get3A_698 : vector<16xf32>
      %swap3A_700 = arith.index_cast %scan3A_47 : i32 to index
      %swap3A_701 = arith.constant 736 : index
      %swap3A_702 = tpu.vector_load %arg7[%swap3A_700, %swap3A_701] {strides = array<i32>} : memref<32x1024xf32, #tpu.memory_space<vmem>>, vector<1x16xf32>,
      %swap3A_703 = vector.shape_cast %swap3A_702 : vector<1x16xf32> to vector<16xf32>
      %swap3A_704 = vector.shape_cast %add3A_699 : vector<16xf32> to vector<1x16xf32>
      tpu.vector_store %arg7[%swap3A_700, %swap3A_701], %swap3A_704 {strides = array<i32>} : memref<32x1024xf32, #tpu.memory_space<vmem>>, vector<1x16xf32>,
      %get3A_705 = arith.index_cast %scan3A_47 : i32 to index
      %get3A_706 = arith.constant 752 : index
      %get3A_707 = tpu.vector_load %arg7[%get3A_705, %get3A_706] {strides = array<i32>} : memref<32x1024xf32, #tpu.memory_space<vmem>>, vector<1x16xf32>,
      %get3A_708 = vector.shape_cast %get3A_707 : vector<1x16xf32> to vector<16xf32>
      %get3A_709 = arith.index_cast %scan3A_47 : i32 to index
      %get3A_710 = arith.constant 752 : index
      %get3A_711 = tpu.vector_load %arg8[%get3A_709, %get3A_710] {strides = array<i32>} : memref<32x1024xf32, #tpu.memory_space<vmem>>, vector<1x16xf32>,
      %get3A_712 = vector.shape_cast %get3A_711 : vector<1x16xf32> to vector<16xf32>
      %add3A_713 = arith.addf %get3A_708, %get3A_712 : vector<16xf32>
      %swap3A_714 = arith.index_cast %scan3A_47 : i32 to index
      %swap3A_715 = arith.constant 752 : index
      %swap3A_716 = tpu.vector_load %arg7[%swap3A_714, %swap3A_715] {strides = array<i32>} : memref<32x1024xf32, #tpu.memory_space<vmem>>, vector<1x16xf32>,
      %swap3A_717 = vector.shape_cast %swap3A_716 : vector<1x16xf32> to vector<16xf32>
      %swap3A_718 = vector.shape_cast %add3A_713 : vector<16xf32> to vector<1x16xf32>
      tpu.vector_store %arg7[%swap3A_714, %swap3A_715], %swap3A_718 {strides = array<i32>} : memref<32x1024xf32, #tpu.memory_space<vmem>>, vector<1x16xf32>,
      %get3A_719 = arith.index_cast %scan3A_47 : i32 to index
      %get3A_720 = arith.constant 768 : index
      %get3A_721 = tpu.vector_load %arg7[%get3A_719, %get3A_720] {strides = array<i32>} : memref<32x1024xf32, #tpu.memory_space<vmem>>, vector<1x16xf32>,
      %get3A_722 = vector.shape_cast %get3A_721 : vector<1x16xf32> to vector<16xf32>
      %get3A_723 = arith.index_cast %scan3A_47 : i32 to index
      %get3A_724 = arith.constant 768 : index
      %get3A_725 = tpu.vector_load %arg8[%get3A_723, %get3A_724] {strides = array<i32>} : memref<32x1024xf32, #tpu.memory_space<vmem>>, vector<1x16xf32>,
      %get3A_726 = vector.shape_cast %get3A_725 : vector<1x16xf32> to vector<16xf32>
      %add3A_727 = arith.addf %get3A_722, %get3A_726 : vector<16xf32>
      %swap3A_728 = arith.index_cast %scan3A_47 : i32 to index
      %swap3A_729 = arith.constant 768 : index
      %swap3A_730 = tpu.vector_load %arg7[%swap3A_728, %swap3A_729] {strides = array<i32>} : memref<32x1024xf32, #tpu.memory_space<vmem>>, vector<1x16xf32>,
      %swap3A_731 = vector.shape_cast %swap3A_730 : vector<1x16xf32> to vector<16xf32>
      %swap3A_732 = vector.shape_cast %add3A_727 : vector<16xf32> to vector<1x16xf32>
      tpu.vector_store %arg7[%swap3A_728, %swap3A_729], %swap3A_732 {strides = array<i32>} : memref<32x1024xf32, #tpu.memory_space<vmem>>, vector<1x16xf32>,
      %get3A_733 = arith.index_cast %scan3A_47 : i32 to index
      %get3A_734 = arith.constant 784 : index
      %get3A_735 = tpu.vector_load %arg7[%get3A_733, %get3A_734] {strides = array<i32>} : memref<32x1024xf32, #tpu.memory_space<vmem>>, vector<1x16xf32>,
      %get3A_736 = vector.shape_cast %get3A_735 : vector<1x16xf32> to vector<16xf32>
      %get3A_737 = arith.index_cast %scan3A_47 : i32 to index
      %get3A_738 = arith.constant 784 : index
      %get3A_739 = tpu.vector_load %arg8[%get3A_737, %get3A_738] {strides = array<i32>} : memref<32x1024xf32, #tpu.memory_space<vmem>>, vector<1x16xf32>,
      %get3A_740 = vector.shape_cast %get3A_739 : vector<1x16xf32> to vector<16xf32>
      %add3A_741 = arith.addf %get3A_736, %get3A_740 : vector<16xf32>
      %swap3A_742 = arith.index_cast %scan3A_47 : i32 to index
      %swap3A_743 = arith.constant 784 : index
      %swap3A_744 = tpu.vector_load %arg7[%swap3A_742, %swap3A_743] {strides = array<i32>} : memref<32x1024xf32, #tpu.memory_space<vmem>>, vector<1x16xf32>,
      %swap3A_745 = vector.shape_cast %swap3A_744 : vector<1x16xf32> to vector<16xf32>
      %swap3A_746 = vector.shape_cast %add3A_741 : vector<16xf32> to vector<1x16xf32>
      tpu.vector_store %arg7[%swap3A_742, %swap3A_743], %swap3A_746 {strides = array<i32>} : memref<32x1024xf32, #tpu.memory_space<vmem>>, vector<1x16xf32>,
      %get3A_747 = arith.index_cast %scan3A_47 : i32 to index
      %get3A_748 = arith.constant 800 : index
      %get3A_749 = tpu.vector_load %arg7[%get3A_747, %get3A_748] {strides = array<i32>} : memref<32x1024xf32, #tpu.memory_space<vmem>>, vector<1x16xf32>,
      %get3A_750 = vector.shape_cast %get3A_749 : vector<1x16xf32> to vector<16xf32>
      %get3A_751 = arith.index_cast %scan3A_47 : i32 to index
      %get3A_752 = arith.constant 800 : index
      %get3A_753 = tpu.vector_load %arg8[%get3A_751, %get3A_752] {strides = array<i32>} : memref<32x1024xf32, #tpu.memory_space<vmem>>, vector<1x16xf32>,
      %get3A_754 = vector.shape_cast %get3A_753 : vector<1x16xf32> to vector<16xf32>
      %add3A_755 = arith.addf %get3A_750, %get3A_754 : vector<16xf32>
      %swap3A_756 = arith.index_cast %scan3A_47 : i32 to index
      %swap3A_757 = arith.constant 800 : index
      %swap3A_758 = tpu.vector_load %arg7[%swap3A_756, %swap3A_757] {strides = array<i32>} : memref<32x1024xf32, #tpu.memory_space<vmem>>, vector<1x16xf32>,
      %swap3A_759 = vector.shape_cast %swap3A_758 : vector<1x16xf32> to vector<16xf32>
      %swap3A_760 = vector.shape_cast %add3A_755 : vector<16xf32> to vector<1x16xf32>
      tpu.vector_store %arg7[%swap3A_756, %swap3A_757], %swap3A_760 {strides = array<i32>} : memref<32x1024xf32, #tpu.memory_space<vmem>>, vector<1x16xf32>,
      %get3A_761 = arith.index_cast %scan3A_47 : i32 to index
      %get3A_762 = arith.constant 816 : index
      %get3A_763 = tpu.vector_load %arg7[%get3A_761, %get3A_762] {strides = array<i32>} : memref<32x1024xf32, #tpu.memory_space<vmem>>, vector<1x16xf32>,
      %get3A_764 = vector.shape_cast %get3A_763 : vector<1x16xf32> to vector<16xf32>
      %get3A_765 = arith.index_cast %scan3A_47 : i32 to index
      %get3A_766 = arith.constant 816 : index
      %get3A_767 = tpu.vector_load %arg8[%get3A_765, %get3A_766] {strides = array<i32>} : memref<32x1024xf32, #tpu.memory_space<vmem>>, vector<1x16xf32>,
      %get3A_768 = vector.shape_cast %get3A_767 : vector<1x16xf32> to vector<16xf32>
      %add3A_769 = arith.addf %get3A_764, %get3A_768 : vector<16xf32>
      %swap3A_770 = arith.index_cast %scan3A_47 : i32 to index
      %swap3A_771 = arith.constant 816 : index
      %swap3A_772 = tpu.vector_load %arg7[%swap3A_770, %swap3A_771] {strides = array<i32>} : memref<32x1024xf32, #tpu.memory_space<vmem>>, vector<1x16xf32>,
      %swap3A_773 = vector.shape_cast %swap3A_772 : vector<1x16xf32> to vector<16xf32>
      %swap3A_774 = vector.shape_cast %add3A_769 : vector<16xf32> to vector<1x16xf32>
      tpu.vector_store %arg7[%swap3A_770, %swap3A_771], %swap3A_774 {strides = array<i32>} : memref<32x1024xf32, #tpu.memory_space<vmem>>, vector<1x16xf32>,
      %get3A_775 = arith.index_cast %scan3A_47 : i32 to index
      %get3A_776 = arith.constant 832 : index
      %get3A_777 = tpu.vector_load %arg7[%get3A_775, %get3A_776] {strides = array<i32>} : memref<32x1024xf32, #tpu.memory_space<vmem>>, vector<1x16xf32>,
      %get3A_778 = vector.shape_cast %get3A_777 : vector<1x16xf32> to vector<16xf32>
      %get3A_779 = arith.index_cast %scan3A_47 : i32 to index
      %get3A_780 = arith.constant 832 : index
      %get3A_781 = tpu.vector_load %arg8[%get3A_779, %get3A_780] {strides = array<i32>} : memref<32x1024xf32, #tpu.memory_space<vmem>>, vector<1x16xf32>,
      %get3A_782 = vector.shape_cast %get3A_781 : vector<1x16xf32> to vector<16xf32>
      %add3A_783 = arith.addf %get3A_778, %get3A_782 : vector<16xf32>
      %swap3A_784 = arith.index_cast %scan3A_47 : i32 to index
      %swap3A_785 = arith.constant 832 : index
      %swap3A_786 = tpu.vector_load %arg7[%swap3A_784, %swap3A_785] {strides = array<i32>} : memref<32x1024xf32, #tpu.memory_space<vmem>>, vector<1x16xf32>,
      %swap3A_787 = vector.shape_cast %swap3A_786 : vector<1x16xf32> to vector<16xf32>
      %swap3A_788 = vector.shape_cast %add3A_783 : vector<16xf32> to vector<1x16xf32>
      tpu.vector_store %arg7[%swap3A_784, %swap3A_785], %swap3A_788 {strides = array<i32>} : memref<32x1024xf32, #tpu.memory_space<vmem>>, vector<1x16xf32>,
      %get3A_789 = arith.index_cast %scan3A_47 : i32 to index
      %get3A_790 = arith.constant 848 : index
      %get3A_791 = tpu.vector_load %arg7[%get3A_789, %get3A_790] {strides = array<i32>} : memref<32x1024xf32, #tpu.memory_space<vmem>>, vector<1x16xf32>,
      %get3A_792 = vector.shape_cast %get3A_791 : vector<1x16xf32> to vector<16xf32>
      %get3A_793 = arith.index_cast %scan3A_47 : i32 to index
      %get3A_794 = arith.constant 848 : index
      %get3A_795 = tpu.vector_load %arg8[%get3A_793, %get3A_794] {strides = array<i32>} : memref<32x1024xf32, #tpu.memory_space<vmem>>, vector<1x16xf32>,
      %get3A_796 = vector.shape_cast %get3A_795 : vector<1x16xf32> to vector<16xf32>
      %add3A_797 = arith.addf %get3A_792, %get3A_796 : vector<16xf32>
      %swap3A_798 = arith.index_cast %scan3A_47 : i32 to index
      %swap3A_799 = arith.constant 848 : index
      %swap3A_800 = tpu.vector_load %arg7[%swap3A_798, %swap3A_799] {strides = array<i32>} : memref<32x1024xf32, #tpu.memory_space<vmem>>, vector<1x16xf32>,
      %swap3A_801 = vector.shape_cast %swap3A_800 : vector<1x16xf32> to vector<16xf32>
      %swap3A_802 = vector.shape_cast %add3A_797 : vector<16xf32> to vector<1x16xf32>
      tpu.vector_store %arg7[%swap3A_798, %swap3A_799], %swap3A_802 {strides = array<i32>} : memref<32x1024xf32, #tpu.memory_space<vmem>>, vector<1x16xf32>,
      %get3A_803 = arith.index_cast %scan3A_47 : i32 to index
      %get3A_804 = arith.constant 864 : index
      %get3A_805 = tpu.vector_load %arg7[%get3A_803, %get3A_804] {strides = array<i32>} : memref<32x1024xf32, #tpu.memory_space<vmem>>, vector<1x16xf32>,
      %get3A_806 = vector.shape_cast %get3A_805 : vector<1x16xf32> to vector<16xf32>
      %get3A_807 = arith.index_cast %scan3A_47 : i32 to index
      %get3A_808 = arith.constant 864 : index
      %get3A_809 = tpu.vector_load %arg8[%get3A_807, %get3A_808] {strides = array<i32>} : memref<32x1024xf32, #tpu.memory_space<vmem>>, vector<1x16xf32>,
      %get3A_810 = vector.shape_cast %get3A_809 : vector<1x16xf32> to vector<16xf32>
      %add3A_811 = arith.addf %get3A_806, %get3A_810 : vector<16xf32>
      %swap3A_812 = arith.index_cast %scan3A_47 : i32 to index
      %swap3A_813 = arith.constant 864 : index
      %swap3A_814 = tpu.vector_load %arg7[%swap3A_812, %swap3A_813] {strides = array<i32>} : memref<32x1024xf32, #tpu.memory_space<vmem>>, vector<1x16xf32>,
      %swap3A_815 = vector.shape_cast %swap3A_814 : vector<1x16xf32> to vector<16xf32>
      %swap3A_816 = vector.shape_cast %add3A_811 : vector<16xf32> to vector<1x16xf32>
      tpu.vector_store %arg7[%swap3A_812, %swap3A_813], %swap3A_816 {strides = array<i32>} : memref<32x1024xf32, #tpu.memory_space<vmem>>, vector<1x16xf32>,
      %get3A_817 = arith.index_cast %scan3A_47 : i32 to index
      %get3A_818 = arith.constant 880 : index
      %get3A_819 = tpu.vector_load %arg7[%get3A_817, %get3A_818] {strides = array<i32>} : memref<32x1024xf32, #tpu.memory_space<vmem>>, vector<1x16xf32>,
      %get3A_820 = vector.shape_cast %get3A_819 : vector<1x16xf32> to vector<16xf32>
      %get3A_821 = arith.index_cast %scan3A_47 : i32 to index
      %get3A_822 = arith.constant 880 : index
      %get3A_823 = tpu.vector_load %arg8[%get3A_821, %get3A_822] {strides = array<i32>} : memref<32x1024xf32, #tpu.memory_space<vmem>>, vector<1x16xf32>,
      %get3A_824 = vector.shape_cast %get3A_823 : vector<1x16xf32> to vector<16xf32>
      %add3A_825 = arith.addf %get3A_820, %get3A_824 : vector<16xf32>
      %swap3A_826 = arith.index_cast %scan3A_47 : i32 to index
      %swap3A_827 = arith.constant 880 : index
      %swap3A_828 = tpu.vector_load %arg7[%swap3A_826, %swap3A_827] {strides = array<i32>} : memref<32x1024xf32, #tpu.memory_space<vmem>>, vector<1x16xf32>,
      %swap3A_829 = vector.shape_cast %swap3A_828 : vector<1x16xf32> to vector<16xf32>
      %swap3A_830 = vector.shape_cast %add3A_825 : vector<16xf32> to vector<1x16xf32>
      tpu.vector_store %arg7[%swap3A_826, %swap3A_827], %swap3A_830 {strides = array<i32>} : memref<32x1024xf32, #tpu.memory_space<vmem>>, vector<1x16xf32>,
      %get3A_831 = arith.index_cast %scan3A_47 : i32 to index
      %get3A_832 = arith.constant 896 : index
      %get3A_833 = tpu.vector_load %arg7[%get3A_831, %get3A_832] {strides = array<i32>} : memref<32x1024xf32, #tpu.memory_space<vmem>>, vector<1x16xf32>,
      %get3A_834 = vector.shape_cast %get3A_833 : vector<1x16xf32> to vector<16xf32>
      %get3A_835 = arith.index_cast %scan3A_47 : i32 to index
      %get3A_836 = arith.constant 896 : index
      %get3A_837 = tpu.vector_load %arg8[%get3A_835, %get3A_836] {strides = array<i32>} : memref<32x1024xf32, #tpu.memory_space<vmem>>, vector<1x16xf32>,
      %get3A_838 = vector.shape_cast %get3A_837 : vector<1x16xf32> to vector<16xf32>
      %add3A_839 = arith.addf %get3A_834, %get3A_838 : vector<16xf32>
      %swap3A_840 = arith.index_cast %scan3A_47 : i32 to index
      %swap3A_841 = arith.constant 896 : index
      %swap3A_842 = tpu.vector_load %arg7[%swap3A_840, %swap3A_841] {strides = array<i32>} : memref<32x1024xf32, #tpu.memory_space<vmem>>, vector<1x16xf32>,
      %swap3A_843 = vector.shape_cast %swap3A_842 : vector<1x16xf32> to vector<16xf32>
      %swap3A_844 = vector.shape_cast %add3A_839 : vector<16xf32> to vector<1x16xf32>
      tpu.vector_store %arg7[%swap3A_840, %swap3A_841], %swap3A_844 {strides = array<i32>} : memref<32x1024xf32, #tpu.memory_space<vmem>>, vector<1x16xf32>,
      %get3A_845 = arith.index_cast %scan3A_47 : i32 to index
      %get3A_846 = arith.constant 912 : index
      %get3A_847 = tpu.vector_load %arg7[%get3A_845, %get3A_846] {strides = array<i32>} : memref<32x1024xf32, #tpu.memory_space<vmem>>, vector<1x16xf32>,
      %get3A_848 = vector.shape_cast %get3A_847 : vector<1x16xf32> to vector<16xf32>
      %get3A_849 = arith.index_cast %scan3A_47 : i32 to index
      %get3A_850 = arith.constant 912 : index
      %get3A_851 = tpu.vector_load %arg8[%get3A_849, %get3A_850] {strides = array<i32>} : memref<32x1024xf32, #tpu.memory_space<vmem>>, vector<1x16xf32>,
      %get3A_852 = vector.shape_cast %get3A_851 : vector<1x16xf32> to vector<16xf32>
      %add3A_853 = arith.addf %get3A_848, %get3A_852 : vector<16xf32>
      %swap3A_854 = arith.index_cast %scan3A_47 : i32 to index
      %swap3A_855 = arith.constant 912 : index
      %swap3A_856 = tpu.vector_load %arg7[%swap3A_854, %swap3A_855] {strides = array<i32>} : memref<32x1024xf32, #tpu.memory_space<vmem>>, vector<1x16xf32>,
      %swap3A_857 = vector.shape_cast %swap3A_856 : vector<1x16xf32> to vector<16xf32>
      %swap3A_858 = vector.shape_cast %add3A_853 : vector<16xf32> to vector<1x16xf32>
      tpu.vector_store %arg7[%swap3A_854, %swap3A_855], %swap3A_858 {strides = array<i32>} : memref<32x1024xf32, #tpu.memory_space<vmem>>, vector<1x16xf32>,
      %get3A_859 = arith.index_cast %scan3A_47 : i32 to index
      %get3A_860 = arith.constant 928 : index
      %get3A_861 = tpu.vector_load %arg7[%get3A_859, %get3A_860] {strides = array<i32>} : memref<32x1024xf32, #tpu.memory_space<vmem>>, vector<1x16xf32>,
      %get3A_862 = vector.shape_cast %get3A_861 : vector<1x16xf32> to vector<16xf32>
      %get3A_863 = arith.index_cast %scan3A_47 : i32 to index
      %get3A_864 = arith.constant 928 : index
      %get3A_865 = tpu.vector_load %arg8[%get3A_863, %get3A_864] {strides = array<i32>} : memref<32x1024xf32, #tpu.memory_space<vmem>>, vector<1x16xf32>,
      %get3A_866 = vector.shape_cast %get3A_865 : vector<1x16xf32> to vector<16xf32>
      %add3A_867 = arith.addf %get3A_862, %get3A_866 : vector<16xf32>
      %swap3A_868 = arith.index_cast %scan3A_47 : i32 to index
      %swap3A_869 = arith.constant 928 : index
      %swap3A_870 = tpu.vector_load %arg7[%swap3A_868, %swap3A_869] {strides = array<i32>} : memref<32x1024xf32, #tpu.memory_space<vmem>>, vector<1x16xf32>,
      %swap3A_871 = vector.shape_cast %swap3A_870 : vector<1x16xf32> to vector<16xf32>
      %swap3A_872 = vector.shape_cast %add3A_867 : vector<16xf32> to vector<1x16xf32>
      tpu.vector_store %arg7[%swap3A_868, %swap3A_869], %swap3A_872 {strides = array<i32>} : memref<32x1024xf32, #tpu.memory_space<vmem>>, vector<1x16xf32>,
      %get3A_873 = arith.index_cast %scan3A_47 : i32 to index
      %get3A_874 = arith.constant 944 : index
      %get3A_875 = tpu.vector_load %arg7[%get3A_873, %get3A_874] {strides = array<i32>} : memref<32x1024xf32, #tpu.memory_space<vmem>>, vector<1x16xf32>,
      %get3A_876 = vector.shape_cast %get3A_875 : vector<1x16xf32> to vector<16xf32>
      %get3A_877 = arith.index_cast %scan3A_47 : i32 to index
      %get3A_878 = arith.constant 944 : index
      %get3A_879 = tpu.vector_load %arg8[%get3A_877, %get3A_878] {strides = array<i32>} : memref<32x1024xf32, #tpu.memory_space<vmem>>, vector<1x16xf32>,
      %get3A_880 = vector.shape_cast %get3A_879 : vector<1x16xf32> to vector<16xf32>
      %add3A_881 = arith.addf %get3A_876, %get3A_880 : vector<16xf32>
      %swap3A_882 = arith.index_cast %scan3A_47 : i32 to index
      %swap3A_883 = arith.constant 944 : index
      %swap3A_884 = tpu.vector_load %arg7[%swap3A_882, %swap3A_883] {strides = array<i32>} : memref<32x1024xf32, #tpu.memory_space<vmem>>, vector<1x16xf32>,
      %swap3A_885 = vector.shape_cast %swap3A_884 : vector<1x16xf32> to vector<16xf32>
      %swap3A_886 = vector.shape_cast %add3A_881 : vector<16xf32> to vector<1x16xf32>
      tpu.vector_store %arg7[%swap3A_882, %swap3A_883], %swap3A_886 {strides = array<i32>} : memref<32x1024xf32, #tpu.memory_space<vmem>>, vector<1x16xf32>,
      %get3A_887 = arith.index_cast %scan3A_47 : i32 to index
      %get3A_888 = arith.constant 960 : index
      %get3A_889 = tpu.vector_load %arg7[%get3A_887, %get3A_888] {strides = array<i32>} : memref<32x1024xf32, #tpu.memory_space<vmem>>, vector<1x16xf32>,
      %get3A_890 = vector.shape_cast %get3A_889 : vector<1x16xf32> to vector<16xf32>
      %get3A_891 = arith.index_cast %scan3A_47 : i32 to index
      %get3A_892 = arith.constant 960 : index
      %get3A_893 = tpu.vector_load %arg8[%get3A_891, %get3A_892] {strides = array<i32>} : memref<32x1024xf32, #tpu.memory_space<vmem>>, vector<1x16xf32>,
      %get3A_894 = vector.shape_cast %get3A_893 : vector<1x16xf32> to vector<16xf32>
      %add3A_895 = arith.addf %get3A_890, %get3A_894 : vector<16xf32>
      %swap3A_896 = arith.index_cast %scan3A_47 : i32 to index
      %swap3A_897 = arith.constant 960 : index
      %swap3A_898 = tpu.vector_load %arg7[%swap3A_896, %swap3A_897] {strides = array<i32>} : memref<32x1024xf32, #tpu.memory_space<vmem>>, vector<1x16xf32>,
      %swap3A_899 = vector.shape_cast %swap3A_898 : vector<1x16xf32> to vector<16xf32>
      %swap3A_900 = vector.shape_cast %add3A_895 : vector<16xf32> to vector<1x16xf32>
      tpu.vector_store %arg7[%swap3A_896, %swap3A_897], %swap3A_900 {strides = array<i32>} : memref<32x1024xf32, #tpu.memory_space<vmem>>, vector<1x16xf32>,
      %get3A_901 = arith.index_cast %scan3A_47 : i32 to index
      %get3A_902 = arith.constant 976 : index
      %get3A_903 = tpu.vector_load %arg7[%get3A_901, %get3A_902] {strides = array<i32>} : memref<32x1024xf32, #tpu.memory_space<vmem>>, vector<1x16xf32>,
      %get3A_904 = vector.shape_cast %get3A_903 : vector<1x16xf32> to vector<16xf32>
      %get3A_905 = arith.index_cast %scan3A_47 : i32 to index
      %get3A_906 = arith.constant 976 : index
      %get3A_907 = tpu.vector_load %arg8[%get3A_905, %get3A_906] {strides = array<i32>} : memref<32x1024xf32, #tpu.memory_space<vmem>>, vector<1x16xf32>,
      %get3A_908 = vector.shape_cast %get3A_907 : vector<1x16xf32> to vector<16xf32>
      %add3A_909 = arith.addf %get3A_904, %get3A_908 : vector<16xf32>
      %swap3A_910 = arith.index_cast %scan3A_47 : i32 to index
      %swap3A_911 = arith.constant 976 : index
      %swap3A_912 = tpu.vector_load %arg7[%swap3A_910, %swap3A_911] {strides = array<i32>} : memref<32x1024xf32, #tpu.memory_space<vmem>>, vector<1x16xf32>,
      %swap3A_913 = vector.shape_cast %swap3A_912 : vector<1x16xf32> to vector<16xf32>
      %swap3A_914 = vector.shape_cast %add3A_909 : vector<16xf32> to vector<1x16xf32>
      tpu.vector_store %arg7[%swap3A_910, %swap3A_911], %swap3A_914 {strides = array<i32>} : memref<32x1024xf32, #tpu.memory_space<vmem>>, vector<1x16xf32>,
      %get3A_915 = arith.index_cast %scan3A_47 : i32 to index
      %get3A_916 = arith.constant 992 : index
      %get3A_917 = tpu.vector_load %arg7[%get3A_915, %get3A_916] {strides = array<i32>} : memref<32x1024xf32, #tpu.memory_space<vmem>>, vector<1x16xf32>,
      %get3A_918 = vector.shape_cast %get3A_917 : vector<1x16xf32> to vector<16xf32>
      %get3A_919 = arith.index_cast %scan3A_47 : i32 to index
      %get3A_920 = arith.constant 992 : index
      %get3A_921 = tpu.vector_load %arg8[%get3A_919, %get3A_920] {strides = array<i32>} : memref<32x1024xf32, #tpu.memory_space<vmem>>, vector<1x16xf32>,
      %get3A_922 = vector.shape_cast %get3A_921 : vector<1x16xf32> to vector<16xf32>
      %add3A_923 = arith.addf %get3A_918, %get3A_922 : vector<16xf32>
      %swap3A_924 = arith.index_cast %scan3A_47 : i32 to index
      %swap3A_925 = arith.constant 992 : index
      %swap3A_926 = tpu.vector_load %arg7[%swap3A_924, %swap3A_925] {strides = array<i32>} : memref<32x1024xf32, #tpu.memory_space<vmem>>, vector<1x16xf32>,
      %swap3A_927 = vector.shape_cast %swap3A_926 : vector<1x16xf32> to vector<16xf32>
      %swap3A_928 = vector.shape_cast %add3A_923 : vector<16xf32> to vector<1x16xf32>
      tpu.vector_store %arg7[%swap3A_924, %swap3A_925], %swap3A_928 {strides = array<i32>} : memref<32x1024xf32, #tpu.memory_space<vmem>>, vector<1x16xf32>,
      %get3A_929 = arith.index_cast %scan3A_47 : i32 to index
      %get3A_930 = arith.constant 1008 : index
      %get3A_931 = tpu.vector_load %arg7[%get3A_929, %get3A_930] {strides = array<i32>} : memref<32x1024xf32, #tpu.memory_space<vmem>>, vector<1x16xf32>,
      %get3A_932 = vector.shape_cast %get3A_931 : vector<1x16xf32> to vector<16xf32>
      %get3A_933 = arith.index_cast %scan3A_47 : i32 to index
      %get3A_934 = arith.constant 1008 : index
      %get3A_935 = tpu.vector_load %arg8[%get3A_933, %get3A_934] {strides = array<i32>} : memref<32x1024xf32, #tpu.memory_space<vmem>>, vector<1x16xf32>,
      %get3A_936 = vector.shape_cast %get3A_935 : vector<1x16xf32> to vector<16xf32>
      %add3A_937 = arith.addf %get3A_932, %get3A_936 : vector<16xf32>
      %swap3A_938 = arith.index_cast %scan3A_47 : i32 to index
      %swap3A_939 = arith.constant 1008 : index
      %swap3A_940 = tpu.vector_load %arg7[%swap3A_938, %swap3A_939] {strides = array<i32>} : memref<32x1024xf32, #tpu.memory_space<vmem>>, vector<1x16xf32>,
      %swap3A_941 = vector.shape_cast %swap3A_940 : vector<1x16xf32> to vector<16xf32>
      %swap3A_942 = vector.shape_cast %add3A_937 : vector<16xf32> to vector<1x16xf32>
      tpu.vector_store %arg7[%swap3A_938, %swap3A_939], %swap3A_942 {strides = array<i32>} : memref<32x1024xf32, #tpu.memory_space<vmem>>, vector<1x16xf32>,
      %scan3A_943 = arith.constant 0 : i32
      scf.yield %scan3A_943 : i32
    }
    %scan3A_46 = arith.constant 32 : i32
    "tpu.region"() ({
      %run_scoped3A_47 = tpu.sem_alloc : memref<!tpu.dma_semaphore, #tpu.memory_space<semaphore_mem>>
      %dma_start3A_48 = arith.constant 0 : i32
      %dma_start3A_49 = tpu.memref_slice %arg4[%add3A_25, %dma_start3A_48] : memref<2048x1024xf32, #tpu.memory_space<hbm>> -> memref<32x1024xf32, #tpu.memory_space<hbm>>
      %dma_start3A_50 = arith.constant 0 : i32
      %dma_start3A_51 = tpu.memref_slice %arg4[%add3A_25, %dma_start3A_50] : memref<2048x1024xf32, #tpu.memory_space<hbm>> -> memref<32x1024xf32, #tpu.memory_space<hbm>>
      tpu.enqueue_dma source(%arg7 : memref<32x1024xf32, #tpu.memory_space<vmem>>) target(%dma_start3A_51 : memref<32x1024xf32, #tpu.memory_space<hbm>>) target_semaphore(%run_scoped3A_47 : memref<!tpu.dma_semaphore, #tpu.memory_space<semaphore_mem>>)
      %dma_wait3A_52 = arith.constant 0 : i32
      %dma_wait3A_53 = tpu.memref_slice %arg4[%add3A_25, %dma_wait3A_52] : memref<2048x1024xf32, #tpu.memory_space<hbm>> -> memref<32x1024xf32, #tpu.memory_space<hbm>>
      %dma_wait3A_54 = arith.constant 0 : i32
      %dma_wait3A_55 = tpu.memref_slice %arg4[%add3A_25, %dma_wait3A_54] : memref<2048x1024xf32, #tpu.memory_space<hbm>> -> memref<32x1024xf32, #tpu.memory_space<hbm>>
      tpu.wait_dma2 semaphore(%run_scoped3A_47 : memref<!tpu.dma_semaphore, #tpu.memory_space<semaphore_mem>>) src(%arg7 : memref<32x1024xf32, #tpu.memory_space<vmem>>) dst(%dma_wait3A_55 : memref<32x1024xf32, #tpu.memory_space<hbm>>)
      tpu.yield
    }) : () -> ()
    return
  }
}

module attributes {stable_mosaic.version = 14 : i64} {
  func.func @_router_body(%arg0: memref<2048x1024xf32, #tpu.memory_space<vmem>>, %arg1: memref<1024x8xf32, #tpu.memory_space<vmem>>, %arg2: memref<2x2048xi32, #tpu.memory_space<vmem>>, %arg3: memref<2x2048xf32, #tpu.memory_space<vmem>>, %arg4: memref<2x32xi32, #tpu.memory_space<vmem>>) attributes {dimension_semantics = [], scalar_prefetch = 0 : i64, scratch_operands = 0 : i64, tpu.core_type = #tpu.core_type<tc>} {
    %get3A = arith.constant 0 : index
    %get3A_0 = arith.constant 0 : index
    %get3A_1 = vector.load %arg0[%get3A, %get3A_0] : memref<2048x1024xf32, #tpu.memory_space<vmem>>, vector<2048x1024xf32>
    %get3A_2 = arith.constant 0 : index
    %get3A_3 = arith.constant 0 : index
    %get3A_4 = vector.load %arg1[%get3A_2, %get3A_3] : memref<1024x8xf32, #tpu.memory_space<vmem>>, vector<1024x8xf32>
    %dot_general3A = arith.constant dense<0.000000e+00> : vector<8x2048xf32>
    %dot_general3A_5 = tpu.matmul %get3A_4, %get3A_1, %dot_general3A {dimension_numbers = #tpu.dot_dimension_numbers<[0], [1], [1], [0], [0, 1, 1, 0], [], []>, transpose_lhs_hint = false} : vector<1024x8xf32>, vector<2048x1024xf32>, vector<8x2048xf32> -> vector<8x2048xf32>
    %iota3A = tpu.iota {dimensions = array<i32: 0>} : vector<8x2048xi32>
    %reduce_max3A = arith.constant dense<0xFF800000> : vector<2048xf32>
    %reduce_max3A_6 = vector.multi_reduction <maximumf>, %dot_general3A_5, %reduce_max3A [0] : vector<8x2048xf32> to vector<2048xf32>
    %broadcast_in_dim3A = vector.shape_cast %reduce_max3A_6 : vector<2048xf32> to vector<1x2048xf32>
    %eq3A = vector.broadcast %broadcast_in_dim3A : vector<1x2048xf32> to vector<8x2048xf32>
    %eq3A_7 = arith.cmpf oeq, %dot_general3A_5, %eq3A : vector<8x2048xf32>
    %jit3A = arith.constant 8 : i32
    %broadcast_in_dim3A_8 = vector.broadcast %jit3A : i32 to vector<8x2048xi32>
    %select_n3A = arith.select %eq3A_7, %iota3A, %broadcast_in_dim3A_8 : vector<8x2048xi1>, vector<8x2048xi32>
    %reduce_min3A = arith.constant dense<2147483647> : vector<2048xi32>
    %reduce_min3A_9 = vector.multi_reduction <minsi>, %select_n3A, %reduce_min3A [0] : vector<8x2048xi32> to vector<2048xi32>
    %broadcast_in_dim3A_10 = vector.shape_cast %reduce_min3A_9 : vector<2048xi32> to vector<1x2048xi32>
    %eq3A_11 = vector.broadcast %broadcast_in_dim3A_10 : vector<1x2048xi32> to vector<8x2048xi32>
    %eq3A_12 = arith.cmpi eq, %iota3A, %eq3A_11 : vector<8x2048xi32>
    %jit3A_13 = arith.constant 0xFF800000 : f32
    %broadcast_in_dim3A_14 = vector.broadcast %jit3A_13 : f32 to vector<8x2048xf32>
    %select_n3A_15 = arith.select %eq3A_12, %broadcast_in_dim3A_14, %dot_general3A_5 : vector<8x2048xi1>, vector<8x2048xf32>
    %reduce_max3A_16 = arith.constant dense<0xFF800000> : vector<2048xf32>
    %reduce_max3A_17 = vector.multi_reduction <maximumf>, %select_n3A_15, %reduce_max3A_16 [0] : vector<8x2048xf32> to vector<2048xf32>
    %broadcast_in_dim3A_18 = vector.shape_cast %reduce_max3A_17 : vector<2048xf32> to vector<1x2048xf32>
    %eq3A_19 = vector.broadcast %broadcast_in_dim3A_18 : vector<1x2048xf32> to vector<8x2048xf32>
    %eq3A_20 = arith.cmpf oeq, %select_n3A_15, %eq3A_19 : vector<8x2048xf32>
    %jit3A_21 = arith.constant 8 : i32
    %broadcast_in_dim3A_22 = vector.broadcast %jit3A_21 : i32 to vector<8x2048xi32>
    %select_n3A_23 = arith.select %eq3A_20, %iota3A, %broadcast_in_dim3A_22 : vector<8x2048xi1>, vector<8x2048xi32>
    %reduce_min3A_24 = arith.constant dense<2147483647> : vector<2048xi32>
    %reduce_min3A_25 = vector.multi_reduction <minsi>, %select_n3A_23, %reduce_min3A_24 [0] : vector<8x2048xi32> to vector<2048xi32>
    %broadcast_in_dim3A_26 = vector.shape_cast %reduce_min3A_25 : vector<2048xi32> to vector<1x2048xi32>
    %eq3A_27 = vector.broadcast %broadcast_in_dim3A_26 : vector<1x2048xi32> to vector<8x2048xi32>
    %eq3A_28 = arith.cmpi eq, %iota3A, %eq3A_27 : vector<8x2048xi32>
    %sub3A = arith.subf %broadcast_in_dim3A, %broadcast_in_dim3A_18 : vector<1x2048xf32>
    %logistic3A = arith.negf %sub3A : vector<1x2048xf32>
    %logistic3A_29 = math.exp %logistic3A : vector<1x2048xf32>
    %logistic3A_30 = arith.constant 1.000000e+00 : f32
    %logistic3A_31 = vector.broadcast %logistic3A_30 : f32 to vector<1x2048xf32>
    %logistic3A_32 = arith.addf %logistic3A_31, %logistic3A_29 : vector<1x2048xf32>
    %logistic3A_33 = arith.divf %logistic3A_31, %logistic3A_32 : vector<1x2048xf32>
    %sub3A_34 = arith.subf %broadcast_in_dim3A_18, %broadcast_in_dim3A : vector<1x2048xf32>
    %logistic3A_35 = arith.negf %sub3A_34 : vector<1x2048xf32>
    %logistic3A_36 = math.exp %logistic3A_35 : vector<1x2048xf32>
    %logistic3A_37 = arith.constant 1.000000e+00 : f32
    %logistic3A_38 = vector.broadcast %logistic3A_37 : f32 to vector<1x2048xf32>
    %logistic3A_39 = arith.addf %logistic3A_38, %logistic3A_36 : vector<1x2048xf32>
    %logistic3A_40 = arith.divf %logistic3A_38, %logistic3A_39 : vector<1x2048xf32>
    %or3A = arith.ori %eq3A_12, %eq3A_28 : vector<8x2048xi1>
    %convert_element_type3A = arith.extui %or3A : vector<8x2048xi1> to vector<8x2048xi32>
    %convert_element_type3A_41 = arith.sitofp %convert_element_type3A : vector<8x2048xi32> to vector<8x2048xf32>
    %iota3A_42 = tpu.iota {dimensions = array<i32: 0>} : vector<2048x2048xi32>
    %iota3A_43 = tpu.iota {dimensions = array<i32: 1>} : vector<2048x2048xi32>
    %lt3A = arith.cmpi slt, %iota3A_42, %iota3A_43 : vector<2048x2048xi32>
    %convert_element_type3A_44 = arith.extui %lt3A : vector<2048x2048xi1> to vector<2048x2048xi32>
    %convert_element_type3A_45 = arith.sitofp %convert_element_type3A_44 : vector<2048x2048xi32> to vector<2048x2048xf32>
    %dot_general3A_46 = arith.constant dense<0.000000e+00> : vector<8x2048xf32>
    %dot_general3A_47 = tpu.matmul %convert_element_type3A_41, %convert_element_type3A_45, %dot_general3A_46 {dimension_numbers = #tpu.dot_dimension_numbers<[1], [0], [0], [1], [0, 0, 1, 1], [], []>, transpose_lhs_hint = false} : vector<8x2048xf32>, vector<2048x2048xf32>, vector<8x2048xf32> -> vector<8x2048xf32>
    %reduce_sum3A = arith.constant dense<0.000000e+00> : vector<8xf32>
    %reduce_sum3A_48 = vector.multi_reduction <add>, %convert_element_type3A_41, %reduce_sum3A [1] : vector<8x2048xf32> to vector<8xf32>
    %broadcast_in_dim3A_49 = vector.shape_cast %reduce_sum3A_48 : vector<8xf32> to vector<8x1xf32>
    %add3A = arith.constant 2.550000e+02 : f32
    %add3A_50 = vector.broadcast %add3A : f32 to vector<8x1xf32>
    %add3A_51 = arith.addf %broadcast_in_dim3A_49, %add3A_50 : vector<8x1xf32>
    %div3A = arith.constant 2.560000e+02 : f32
    %div3A_52 = vector.broadcast %div3A : f32 to vector<8x1xf32>
    %div3A_53 = arith.divf %add3A_51, %div3A_52 : vector<8x1xf32>
    %floor3A = math.floor %div3A_53 : vector<8x1xf32>
    %iota3A_54 = tpu.iota {dimensions = array<i32: 0>} : vector<8x8xi32>
    %iota3A_55 = tpu.iota {dimensions = array<i32: 1>} : vector<8x8xi32>
    %gt3A = arith.cmpi sgt, %iota3A_54, %iota3A_55 : vector<8x8xi32>
    %convert_element_type3A_56 = arith.extui %gt3A : vector<8x8xi1> to vector<8x8xi32>
    %convert_element_type3A_57 = arith.sitofp %convert_element_type3A_56 : vector<8x8xi32> to vector<8x8xf32>
    %dot_general3A_58 = arith.constant dense<0.000000e+00> : vector<8x1xf32>
    %dot_general3A_59 = tpu.matmul %convert_element_type3A_57, %floor3A, %dot_general3A_58 {dimension_numbers = #tpu.dot_dimension_numbers<[1], [0], [0], [1], [0, 0, 1, 1], [], []>, transpose_lhs_hint = false} : vector<8x8xf32>, vector<8x1xf32>, vector<8x1xf32> -> vector<8x1xf32>
    %mul3A = arith.constant 2.560000e+02 : f32
    %mul3A_60 = vector.broadcast %mul3A : f32 to vector<8x1xf32>
    %mul3A_61 = arith.mulf %mul3A_60, %dot_general3A_59 : vector<8x1xf32>
    %convert_element_type3A_62 = arith.extui %eq3A_12 : vector<8x2048xi1> to vector<8x2048xi32>
    %convert_element_type3A_63 = arith.sitofp %convert_element_type3A_62 : vector<8x2048xi32> to vector<8x2048xf32>
    %add3A_64 = vector.broadcast %mul3A_61 : vector<8x1xf32> to vector<8x2048xf32>
    %add3A_65 = arith.addf %dot_general3A_47, %add3A_64 : vector<8x2048xf32>
    %mul3A_66 = arith.mulf %convert_element_type3A_63, %add3A_65 : vector<8x2048xf32>
    %reduce_sum3A_67 = arith.constant dense<0.000000e+00> : vector<2048xf32>
    %reduce_sum3A_68 = vector.multi_reduction <add>, %mul3A_66, %reduce_sum3A_67 [0] : vector<8x2048xf32> to vector<2048xf32>
    %broadcast_in_dim3A_69 = vector.shape_cast %reduce_sum3A_68 : vector<2048xf32> to vector<1x2048xf32>
    %convert_element_type3A_70 = arith.extui %eq3A_28 : vector<8x2048xi1> to vector<8x2048xi32>
    %convert_element_type3A_71 = arith.sitofp %convert_element_type3A_70 : vector<8x2048xi32> to vector<8x2048xf32>
    %add3A_72 = vector.broadcast %mul3A_61 : vector<8x1xf32> to vector<8x2048xf32>
    %add3A_73 = arith.addf %dot_general3A_47, %add3A_72 : vector<8x2048xf32>
    %mul3A_74 = arith.mulf %convert_element_type3A_71, %add3A_73 : vector<8x2048xf32>
    %reduce_sum3A_75 = arith.constant dense<0.000000e+00> : vector<2048xf32>
    %reduce_sum3A_76 = vector.multi_reduction <add>, %mul3A_74, %reduce_sum3A_75 [0] : vector<8x2048xf32> to vector<2048xf32>
    %broadcast_in_dim3A_77 = vector.shape_cast %reduce_sum3A_76 : vector<2048xf32> to vector<1x2048xf32>
    %concatenate3A = tpu.concatenate %broadcast_in_dim3A_69, %broadcast_in_dim3A_77 in 0 : vector<1x2048xf32>, vector<1x2048xf32> -> vector<2x2048xf32>
    %convert_element_type3A_78 = arith.fptosi %concatenate3A : vector<2x2048xf32> to vector<2x2048xi32>
    %swap3A = arith.constant 0 : index
    %swap3A_79 = arith.constant 0 : index
    %swap3A_80 = vector.load %arg2[%swap3A, %swap3A_79] : memref<2x2048xi32, #tpu.memory_space<vmem>>, vector<2x2048xi32>
    tpu.vector_store %arg2[%swap3A, %swap3A_79], %convert_element_type3A_78 {strides = array<i32>} : memref<2x2048xi32, #tpu.memory_space<vmem>>, vector<2x2048xi32>,
    %concatenate3A_81 = tpu.concatenate %logistic3A_33, %logistic3A_40 in 0 : vector<1x2048xf32>, vector<1x2048xf32> -> vector<2x2048xf32>
    %swap3A_82 = arith.constant 0 : index
    %swap3A_83 = arith.constant 0 : index
    %swap3A_84 = vector.load %arg3[%swap3A_82, %swap3A_83] : memref<2x2048xf32, #tpu.memory_space<vmem>>, vector<2x2048xf32>
    tpu.vector_store %arg3[%swap3A_82, %swap3A_83], %concatenate3A_81 {strides = array<i32>} : memref<2x2048xf32, #tpu.memory_space<vmem>>, vector<2x2048xf32>,
    %iota3A_85 = tpu.iota {dimensions = array<i32: 1>} : vector<8x32xi32>
    %convert_element_type3A_86 = arith.sitofp %iota3A_85 : vector<8x32xi32> to vector<8x32xf32>
    %ge3A = vector.broadcast %dot_general3A_59 : vector<8x1xf32> to vector<8x32xf32>
    %ge3A_87 = arith.cmpf oge, %convert_element_type3A_86, %ge3A : vector<8x32xf32>
    %convert_element_type3A_88 = arith.extui %ge3A_87 : vector<8x32xi1> to vector<8x32xi32>
    %convert_element_type3A_89 = arith.sitofp %convert_element_type3A_88 : vector<8x32xi32> to vector<8x32xf32>
    %reduce_sum3A_90 = arith.constant dense<0.000000e+00> : vector<32xf32>
    %reduce_sum3A_91 = vector.multi_reduction <add>, %convert_element_type3A_89, %reduce_sum3A_90 [0] : vector<8x32xf32> to vector<32xf32>
    %broadcast_in_dim3A_92 = vector.shape_cast %reduce_sum3A_91 : vector<32xf32> to vector<1x32xf32>
    %sub3A_93 = arith.constant 1.000000e+00 : f32
    %sub3A_94 = vector.broadcast %sub3A_93 : f32 to vector<1x32xf32>
    %sub3A_95 = arith.subf %broadcast_in_dim3A_92, %sub3A_94 : vector<1x32xf32>
    %jit3A_96 = arith.constant 0 : i32
    %jit3A_97 = arith.constant 7 : i32
    %convert_element_type3A_98 = arith.sitofp %jit3A_96 : i32 to f32
    %max3A = vector.broadcast %convert_element_type3A_98 : f32 to vector<1x32xf32>
    %max3A_99 = arith.maximumf %max3A, %sub3A_95 : vector<1x32xf32>
    %convert_element_type3A_100 = arith.sitofp %jit3A_97 : i32 to f32
    %min3A = vector.broadcast %convert_element_type3A_100 : f32 to vector<1x32xf32>
    %min3A_101 = arith.minimumf %min3A, %max3A_99 : vector<1x32xf32>
    %reduce_sum3A_102 = vector.shape_cast %floor3A : vector<8x1xf32> to vector<1x8x1xf32>
    %reduce_sum3A_103 = arith.constant dense<0.000000e+00> : vector<1xf32>
    %reduce_sum3A_104 = vector.multi_reduction <add>, %reduce_sum3A_102, %reduce_sum3A_103 [1, 2] : vector<1x8x1xf32> to vector<1xf32>
    %reduce_sum3A_105 = vector.shape_cast %reduce_sum3A_104 : vector<1xf32> to vector<1x1x1xf32>
    %reduce_sum3A_106 = vector.extract %reduce_sum3A_105[0, 0, 0] : f32 from vector<1x1x1xf32>
    %iota3A_107 = tpu.iota {dimensions = array<i32: 1>} : vector<1x32xi32>
    %convert_element_type3A_108 = arith.sitofp %iota3A_107 : vector<1x32xi32> to vector<1x32xf32>
    %lt3A_109 = vector.broadcast %reduce_sum3A_106 : f32 to vector<1x32xf32>
    %lt3A_110 = arith.cmpf olt, %convert_element_type3A_108, %lt3A_109 : vector<1x32xf32>
    %convert_element_type3A_111 = arith.extui %lt3A_110 : vector<1x32xi1> to vector<1x32xi32>
    %convert_element_type3A_112 = arith.sitofp %convert_element_type3A_111 : vector<1x32xi32> to vector<1x32xf32>
    %concatenate3A_113 = tpu.concatenate %min3A_101, %convert_element_type3A_112 in 0 : vector<1x32xf32>, vector<1x32xf32> -> vector<2x32xf32>
    %convert_element_type3A_114 = arith.fptosi %concatenate3A_113 : vector<2x32xf32> to vector<2x32xi32>
    %swap3A_115 = arith.constant 0 : index
    %swap3A_116 = arith.constant 0 : index
    %swap3A_117 = vector.load %arg4[%swap3A_115, %swap3A_116] : memref<2x32xi32, #tpu.memory_space<vmem>>, vector<2x32xi32>
    tpu.vector_store %arg4[%swap3A_115, %swap3A_116], %convert_element_type3A_114 {strides = array<i32>} : memref<2x32xi32, #tpu.memory_space<vmem>>, vector<2x32xi32>,
    return
  }
}

module attributes {stable_mosaic.version = 14 : i64} {
  func.func @_gemm_body(%arg0: i32, %arg1: i32, %arg2: i32, %arg3: memref<64xi32, #tpu.memory_space<smem>>, %arg4: memref<2x2048xi32, #tpu.memory_space<vmem>>, %arg5: memref<2x2048xf32, #tpu.memory_space<vmem>>, %arg6: memref<2048x1024xbf16, #tpu.memory_space<vmem>>, %arg7: memref<1x1024x1408xf32, #tpu.memory_space<vmem>>, %arg8: memref<1x1024x1408xf32, #tpu.memory_space<vmem>>, %arg9: memref<1x1408x1024xf32, #tpu.memory_space<vmem>>, %arg10: memref<256x1024xf32, #tpu.memory_space<vmem>>, %arg11: memref<8x256x1024xf32, #tpu.memory_space<vmem>>, %arg12: memref<8x256x1024xbf16, #tpu.memory_space<vmem>>) attributes {dimension_semantics = [#tpu.dimension_semantics<arbitrary>, #tpu.dimension_semantics<arbitrary>, #tpu.dimension_semantics<arbitrary>], iteration_bounds = array<i64: 3, 2, 8>, scalar_prefetch = 1 : i64, scratch_operands = 2 : i64, tpu.core_type = #tpu.core_type<tc>, window_params = [{pipeline_mode = #tpu.pipeline_mode<synchronous>, transform_indices = @transform_0, window_bounds = array<i64: 2, 2048>}, {pipeline_mode = #tpu.pipeline_mode<synchronous>, transform_indices = @transform_1, window_bounds = array<i64: 2, 2048>}, {pipeline_mode = #tpu.pipeline_mode<synchronous>, transform_indices = @transform_2, window_bounds = array<i64: 2048, 1024>}, {transform_indices = @transform_3, window_bounds = array<i64: 1, 1024, 1408>}, {transform_indices = @transform_4, window_bounds = array<i64: 1, 1024, 1408>}, {transform_indices = @transform_5, window_bounds = array<i64: 1, 1408, 1024>}, {transform_indices = @transform_6, window_bounds = array<i64: 256, 1024>}]} {
    %mul3A = arith.constant 8 : i32
    %mul3A_0 = arith.muli %arg0, %mul3A : i32
    %add3A = arith.addi %mul3A_0, %arg2 : i32
    %add3A_1 = arith.constant 32 : i32
    %add3A_2 = arith.addi %add3A_1, %add3A : i32
    %get3A = arith.index_cast %add3A_2 : i32 to index
    %get3A_3 = memref.load %arg3[%get3A] : memref<64xi32, #tpu.memory_space<smem>>
    %eq3A = arith.constant 1 : i32
    %eq3A_4 = arith.cmpi eq, %get3A_3, %eq3A : i32
    %convert_element_type3A = arith.extui %eq3A_4 : i1 to i32
    %cond3A = arith.constant 0 : i32
    %cond3A_5 = arith.cmpi ne, %convert_element_type3A, %cond3A : i32
    scf.if %cond3A_5 {
      %mul3A_6 = arith.constant 256 : i32
      %mul3A_7 = arith.muli %add3A, %mul3A_6 : i32
      %iota3A = tpu.iota {dimensions = array<i32: 0>} : vector<256x2048xi32>
      %add3A_8 = vector.broadcast %mul3A_7 : i32 to vector<256x2048xi32>
      %add3A_9 = arith.addi %add3A_8, %iota3A : vector<256x2048xi32>
      %get3A_10 = arith.constant 0 : index
      %get3A_11 = arith.constant 0 : index
      %get3A_12 = vector.load %arg4[%get3A_10, %get3A_11] : memref<2x2048xi32, #tpu.memory_space<vmem>>, vector<1x2048xi32>
      %eq3A_13 = vector.broadcast %get3A_12 : vector<1x2048xi32> to vector<256x2048xi32>
      %eq3A_14 = arith.cmpi eq, %add3A_9, %eq3A_13 : vector<256x2048xi32>
      %get3A_15 = arith.constant 1 : index
      %get3A_16 = arith.constant 0 : index
      %get3A_17 = vector.load %arg4[%get3A_15, %get3A_16] : memref<2x2048xi32, #tpu.memory_space<vmem>>, vector<1x2048xi32>
      %eq3A_18 = vector.broadcast %get3A_17 : vector<1x2048xi32> to vector<256x2048xi32>
      %eq3A_19 = arith.cmpi eq, %add3A_9, %eq3A_18 : vector<256x2048xi32>
      %eq3A_20 = arith.constant 0 : i32
      %eq3A_21 = arith.cmpi eq, %arg1, %eq3A_20 : i32
      %convert_element_type3A_22 = arith.extui %eq3A_21 : i1 to i32
      %cond3A_23 = arith.constant 0 : i32
      %cond3A_24 = arith.cmpi ne, %convert_element_type3A_22, %cond3A_23 : i32
      scf.if %cond3A_24 {
        %or3A = arith.ori %eq3A_14, %eq3A_19 : vector<256x2048xi1>
        %convert_element_type3A_76 = arith.extui %or3A : vector<256x2048xi1> to vector<256x2048xi32>
        %convert_element_type3A_77 = arith.sitofp %convert_element_type3A_76 : vector<256x2048xi32> to vector<256x2048xf32>
        %convert_element_type3A_78 = arith.truncf %convert_element_type3A_77 : vector<256x2048xf32> to vector<256x2048xbf16>
        %get3A_79 = arith.constant 0 : index
        %get3A_80 = arith.constant 0 : index
        %get3A_81 = vector.load %arg6[%get3A_79, %get3A_80] : memref<2048x1024xbf16, #tpu.memory_space<vmem>>, vector<2048x1024xbf16>
        %dot_general3A_82 = arith.constant dense<0.000000e+00> : vector<256x1024xf32>
        %dot_general3A_83 = tpu.matmul %convert_element_type3A_78, %get3A_81, %dot_general3A_82 {dimension_numbers = #tpu.dot_dimension_numbers<[1], [0], [0], [1], [0, 0, 1, 1], [], []>, transpose_lhs_hint = false} : vector<256x2048xbf16>, vector<2048x1024xbf16>, vector<256x1024xf32> -> vector<256x1024xf32>
        %convert_element_type3A_84 = arith.truncf %dot_general3A_83 : vector<256x1024xf32> to vector<256x1024xbf16>
        %swap3A = arith.index_cast %arg2 : i32 to index
        %swap3A_85 = arith.constant 0 : index
        %swap3A_86 = arith.constant 0 : index
        %swap3A_87 = vector.load %arg12[%swap3A, %swap3A_85, %swap3A_86] : memref<8x256x1024xbf16, #tpu.memory_space<vmem>>, vector<1x256x1024xbf16>
        %swap3A_88 = vector.shape_cast %swap3A_87 : vector<1x256x1024xbf16> to vector<256x1024xbf16>
        %swap3A_89 = vector.shape_cast %convert_element_type3A_84 : vector<256x1024xbf16> to vector<1x256x1024xbf16>
        tpu.vector_store %arg12[%swap3A, %swap3A_85, %swap3A_86], %swap3A_89 {strides = array<i32>} : memref<8x256x1024xbf16, #tpu.memory_space<vmem>>, vector<1x256x1024xbf16>,
      } else {
      }
      %get3A_25 = arith.index_cast %arg2 : i32 to index
      %get3A_26 = arith.constant 0 : index
      %get3A_27 = arith.constant 0 : index
      %get3A_28 = vector.load %arg12[%get3A_25, %get3A_26, %get3A_27] : memref<8x256x1024xbf16, #tpu.memory_space<vmem>>, vector<1x256x1024xbf16>
      %get3A_29 = vector.shape_cast %get3A_28 : vector<1x256x1024xbf16> to vector<256x1024xbf16>
      %get3A_30 = arith.constant 0 : index
      %get3A_31 = arith.constant 0 : index
      %get3A_32 = arith.constant 0 : index
      %get3A_33 = vector.load %arg7[%get3A_30, %get3A_31, %get3A_32] : memref<1x1024x1408xf32, #tpu.memory_space<vmem>>, vector<1x1024x1408xf32>
      %get3A_34 = vector.shape_cast %get3A_33 : vector<1x1024x1408xf32> to vector<1024x1408xf32>
      %convert_element_type3A_35 = arith.truncf %get3A_34 : vector<1024x1408xf32> to vector<1024x1408xbf16>
      %get3A_36 = arith.constant 0 : index
      %get3A_37 = arith.constant 0 : index
      %get3A_38 = arith.constant 0 : index
      %get3A_39 = vector.load %arg8[%get3A_36, %get3A_37, %get3A_38] : memref<1x1024x1408xf32, #tpu.memory_space<vmem>>, vector<1x1024x1408xf32>
      %get3A_40 = vector.shape_cast %get3A_39 : vector<1x1024x1408xf32> to vector<1024x1408xf32>
      %convert_element_type3A_41 = arith.truncf %get3A_40 : vector<1024x1408xf32> to vector<1024x1408xbf16>
      %get3A_42 = arith.constant 0 : index
      %get3A_43 = arith.constant 0 : index
      %get3A_44 = arith.constant 0 : index
      %get3A_45 = vector.load %arg9[%get3A_42, %get3A_43, %get3A_44] : memref<1x1408x1024xf32, #tpu.memory_space<vmem>>, vector<1x1408x1024xf32>
      %get3A_46 = vector.shape_cast %get3A_45 : vector<1x1408x1024xf32> to vector<1408x1024xf32>
      %convert_element_type3A_47 = arith.truncf %get3A_46 : vector<1408x1024xf32> to vector<1408x1024xbf16>
      %dot_general3A = arith.constant dense<0.000000e+00> : vector<256x1408xf32>
      %dot_general3A_48 = tpu.matmul %get3A_29, %convert_element_type3A_35, %dot_general3A {dimension_numbers = #tpu.dot_dimension_numbers<[1], [0], [0], [1], [0, 0, 1, 1], [], []>, transpose_lhs_hint = false} : vector<256x1024xbf16>, vector<1024x1408xbf16>, vector<256x1408xf32> -> vector<256x1408xf32>
      %dot_general3A_49 = arith.constant dense<0.000000e+00> : vector<256x1408xf32>
      %dot_general3A_50 = tpu.matmul %get3A_29, %convert_element_type3A_41, %dot_general3A_49 {dimension_numbers = #tpu.dot_dimension_numbers<[1], [0], [0], [1], [0, 0, 1, 1], [], []>, transpose_lhs_hint = false} : vector<256x1024xbf16>, vector<1024x1408xbf16>, vector<256x1408xf32> -> vector<256x1408xf32>
      %logistic3A = arith.negf %dot_general3A_48 : vector<256x1408xf32>
      %logistic3A_51 = math.exp %logistic3A : vector<256x1408xf32>
      %logistic3A_52 = arith.constant 1.000000e+00 : f32
      %logistic3A_53 = vector.broadcast %logistic3A_52 : f32 to vector<256x1408xf32>
      %logistic3A_54 = arith.addf %logistic3A_53, %logistic3A_51 : vector<256x1408xf32>
      %logistic3A_55 = arith.divf %logistic3A_53, %logistic3A_54 : vector<256x1408xf32>
      %mul3A_56 = arith.mulf %dot_general3A_48, %logistic3A_55 : vector<256x1408xf32>
      %mul3A_57 = arith.mulf %mul3A_56, %dot_general3A_50 : vector<256x1408xf32>
      %convert_element_type3A_58 = arith.truncf %mul3A_57 : vector<256x1408xf32> to vector<256x1408xbf16>
      %dot_general3A_59 = arith.constant dense<0.000000e+00> : vector<256x1024xf32>
      %dot_general3A_60 = tpu.matmul %convert_element_type3A_58, %convert_element_type3A_47, %dot_general3A_59 {dimension_numbers = #tpu.dot_dimension_numbers<[1], [0], [0], [1], [0, 0, 1, 1], [], []>, transpose_lhs_hint = false} : vector<256x1408xbf16>, vector<1408x1024xbf16>, vector<256x1024xf32> -> vector<256x1024xf32>
      %eq3A_61 = arith.constant 0 : i32
      %eq3A_62 = arith.cmpi eq, %arg1, %eq3A_61 : i32
      %convert_element_type3A_63 = arith.extui %eq3A_62 : i1 to i32
      %cond3A_64 = arith.constant 0 : i32
      %cond3A_65 = arith.cmpi ne, %convert_element_type3A_63, %cond3A_64 : i32
      scf.if %cond3A_65 {
        %swap3A = arith.index_cast %arg2 : i32 to index
        %swap3A_76 = arith.constant 0 : index
        %swap3A_77 = arith.constant 0 : index
        %swap3A_78 = vector.load %arg11[%swap3A, %swap3A_76, %swap3A_77] : memref<8x256x1024xf32, #tpu.memory_space<vmem>>, vector<1x256x1024xf32>
        %swap3A_79 = vector.shape_cast %swap3A_78 : vector<1x256x1024xf32> to vector<256x1024xf32>
        %swap3A_80 = vector.shape_cast %dot_general3A_60 : vector<256x1024xf32> to vector<1x256x1024xf32>
        tpu.vector_store %arg11[%swap3A, %swap3A_76, %swap3A_77], %swap3A_80 {strides = array<i32>} : memref<8x256x1024xf32, #tpu.memory_space<vmem>>, vector<1x256x1024xf32>,
      } else {
      }
      %gt3A = arith.constant 0 : i32
      %gt3A_66 = arith.cmpi sgt, %arg1, %gt3A : i32
      %lt3A = arith.constant 1 : i32
      %lt3A_67 = arith.cmpi slt, %arg1, %lt3A : i32
      %and3A = arith.andi %gt3A_66, %lt3A_67 : i1
      %convert_element_type3A_68 = arith.extui %and3A : i1 to i32
      %cond3A_69 = arith.constant 0 : i32
      %cond3A_70 = arith.cmpi ne, %convert_element_type3A_68, %cond3A_69 : i32
      scf.if %cond3A_70 {
        %get3A_76 = arith.index_cast %arg2 : i32 to index
        %get3A_77 = arith.constant 0 : index
        %get3A_78 = arith.constant 0 : index
        %get3A_79 = vector.load %arg11[%get3A_76, %get3A_77, %get3A_78] : memref<8x256x1024xf32, #tpu.memory_space<vmem>>, vector<1x256x1024xf32>
        %get3A_80 = vector.shape_cast %get3A_79 : vector<1x256x1024xf32> to vector<256x1024xf32>
        %add3A_81 = arith.addf %get3A_80, %dot_general3A_60 : vector<256x1024xf32>
        %swap3A = arith.index_cast %arg2 : i32 to index
        %swap3A_82 = arith.constant 0 : index
        %swap3A_83 = arith.constant 0 : index
        %swap3A_84 = vector.load %arg11[%swap3A, %swap3A_82, %swap3A_83] : memref<8x256x1024xf32, #tpu.memory_space<vmem>>, vector<1x256x1024xf32>
        %swap3A_85 = vector.shape_cast %swap3A_84 : vector<1x256x1024xf32> to vector<256x1024xf32>
        %swap3A_86 = vector.shape_cast %add3A_81 : vector<256x1024xf32> to vector<1x256x1024xf32>
        tpu.vector_store %arg11[%swap3A, %swap3A_82, %swap3A_83], %swap3A_86 {strides = array<i32>} : memref<8x256x1024xf32, #tpu.memory_space<vmem>>, vector<1x256x1024xf32>,
      } else {
      }
      %eq3A_71 = arith.constant 1 : i32
      %eq3A_72 = arith.cmpi eq, %arg1, %eq3A_71 : i32
      %convert_element_type3A_73 = arith.extui %eq3A_72 : i1 to i32
      %cond3A_74 = arith.constant 0 : i32
      %cond3A_75 = arith.cmpi ne, %convert_element_type3A_73, %cond3A_74 : i32
      scf.if %cond3A_75 {
        %get3A_76 = arith.constant 0 : index
        %get3A_77 = arith.constant 0 : index
        %get3A_78 = vector.load %arg5[%get3A_76, %get3A_77] : memref<2x2048xf32, #tpu.memory_space<vmem>>, vector<1x2048xf32>
        %jit3A = arith.constant 0.000000e+00 : f32
        %broadcast_in_dim3A = vector.shape_cast %get3A_78 : vector<1x2048xf32> to vector<1x2048xf32>
        %broadcast_in_dim3A_79 = vector.broadcast %broadcast_in_dim3A : vector<1x2048xf32> to vector<256x2048xf32>
        %broadcast_in_dim3A_80 = vector.broadcast %jit3A : f32 to vector<256x2048xf32>
        %select_n3A = arith.select %eq3A_14, %broadcast_in_dim3A_79, %broadcast_in_dim3A_80 : vector<256x2048xi1>, vector<256x2048xf32>
        %get3A_81 = arith.constant 1 : index
        %get3A_82 = arith.constant 0 : index
        %get3A_83 = vector.load %arg5[%get3A_81, %get3A_82] : memref<2x2048xf32, #tpu.memory_space<vmem>>, vector<1x2048xf32>
        %jit3A_84 = arith.constant 0.000000e+00 : f32
        %broadcast_in_dim3A_85 = vector.shape_cast %get3A_83 : vector<1x2048xf32> to vector<1x2048xf32>
        %broadcast_in_dim3A_86 = vector.broadcast %broadcast_in_dim3A_85 : vector<1x2048xf32> to vector<256x2048xf32>
        %broadcast_in_dim3A_87 = vector.broadcast %jit3A_84 : f32 to vector<256x2048xf32>
        %select_n3A_88 = arith.select %eq3A_19, %broadcast_in_dim3A_86, %broadcast_in_dim3A_87 : vector<256x2048xi1>, vector<256x2048xf32>
        %add3A_89 = arith.addf %select_n3A, %select_n3A_88 : vector<256x2048xf32>
        %reduce_sum3A = arith.constant dense<0.000000e+00> : vector<256xf32>
        %reduce_sum3A_90 = vector.multi_reduction <add>, %add3A_89, %reduce_sum3A [1] : vector<256x2048xf32> to vector<256xf32>
        %broadcast_in_dim3A_91 = vector.shape_cast %reduce_sum3A_90 : vector<256xf32> to vector<256x1xf32>
        %get3A_92 = arith.index_cast %arg2 : i32 to index
        %get3A_93 = arith.constant 0 : index
        %get3A_94 = arith.constant 0 : index
        %get3A_95 = vector.load %arg11[%get3A_92, %get3A_93, %get3A_94] : memref<8x256x1024xf32, #tpu.memory_space<vmem>>, vector<1x256x1024xf32>
        %get3A_96 = vector.shape_cast %get3A_95 : vector<1x256x1024xf32> to vector<256x1024xf32>
        %add3A_97 = arith.addf %get3A_96, %dot_general3A_60 : vector<256x1024xf32>
        %mul3A_98 = vector.broadcast %broadcast_in_dim3A_91 : vector<256x1xf32> to vector<256x1024xf32>
        %mul3A_99 = arith.mulf %add3A_97, %mul3A_98 : vector<256x1024xf32>
        %swap3A = arith.constant 0 : index
        %swap3A_100 = arith.constant 0 : index
        %swap3A_101 = vector.load %arg10[%swap3A, %swap3A_100] : memref<256x1024xf32, #tpu.memory_space<vmem>>, vector<256x1024xf32>
        tpu.vector_store %arg10[%swap3A, %swap3A_100], %mul3A_99 {strides = array<i32>} : memref<256x1024xf32, #tpu.memory_space<vmem>>, vector<256x1024xf32>,
      } else {
      }
    } else {
    }
    return
  }
  func.func @transform_0(%arg0: i32, %arg1: i32, %arg2: i32, %arg3: memref<64xi32, #tpu.memory_space<smem>>) -> (i32, i32) {
    %c0_i32 = arith.constant 0 : i32
    %c0_i32_0 = arith.constant 0 : i32
    %c0_i32_1 = arith.constant 0 : i32
    return %c0_i32, %c0_i32_0 : i32, i32
  }
  func.func @transform_1(%arg0: i32, %arg1: i32, %arg2: i32, %arg3: memref<64xi32, #tpu.memory_space<smem>>) -> (i32, i32) {
    %c0_i32 = arith.constant 0 : i32
    %c0_i32_0 = arith.constant 0 : i32
    %c0_i32_1 = arith.constant 0 : i32
    return %c0_i32, %c0_i32_0 : i32, i32
  }
  func.func @transform_2(%arg0: i32, %arg1: i32, %arg2: i32, %arg3: memref<64xi32, #tpu.memory_space<smem>>) -> (i32, i32) {
    %c0_i32 = arith.constant 0 : i32
    %c0_i32_0 = arith.constant 0 : i32
    %c0_i32_1 = arith.constant 0 : i32
    return %c0_i32, %c0_i32_0 : i32, i32
  }
  func.func @transform_3(%arg0: i32, %arg1: i32, %arg2: i32, %arg3: memref<64xi32, #tpu.memory_space<smem>>) -> (i32, i32, i32) {
    %mul3A = arith.constant 8 : i32
    %mul3A_0 = arith.muli %arg0, %mul3A : i32
    %add3A = arith.addi %mul3A_0, %arg2 : i32
    %get3A = arith.index_cast %add3A : i32 to index
    %get3A_1 = memref.load %arg3[%get3A] : memref<64xi32, #tpu.memory_space<smem>>
    %c0_i32 = arith.constant 0 : i32
    %c0_i32_2 = arith.constant 0 : i32
    return %get3A_1, %c0_i32, %arg1 : i32, i32, i32
  }
  func.func @transform_4(%arg0: i32, %arg1: i32, %arg2: i32, %arg3: memref<64xi32, #tpu.memory_space<smem>>) -> (i32, i32, i32) {
    %mul3A = arith.constant 8 : i32
    %mul3A_0 = arith.muli %arg0, %mul3A : i32
    %add3A = arith.addi %mul3A_0, %arg2 : i32
    %get3A = arith.index_cast %add3A : i32 to index
    %get3A_1 = memref.load %arg3[%get3A] : memref<64xi32, #tpu.memory_space<smem>>
    %c0_i32 = arith.constant 0 : i32
    %c0_i32_2 = arith.constant 0 : i32
    return %get3A_1, %c0_i32, %arg1 : i32, i32, i32
  }
  func.func @transform_5(%arg0: i32, %arg1: i32, %arg2: i32, %arg3: memref<64xi32, #tpu.memory_space<smem>>) -> (i32, i32, i32) {
    %mul3A = arith.constant 8 : i32
    %mul3A_0 = arith.muli %arg0, %mul3A : i32
    %add3A = arith.addi %mul3A_0, %arg2 : i32
    %get3A = arith.index_cast %add3A : i32 to index
    %get3A_1 = memref.load %arg3[%get3A] : memref<64xi32, #tpu.memory_space<smem>>
    %c0_i32 = arith.constant 0 : i32
    %c0_i32_2 = arith.constant 0 : i32
    return %get3A_1, %arg1, %c0_i32 : i32, i32, i32
  }
  func.func @transform_6(%arg0: i32, %arg1: i32, %arg2: i32, %arg3: memref<64xi32, #tpu.memory_space<smem>>) -> (i32, i32) {
    %eq3A = arith.constant 1 : i32
    %eq3A_0 = arith.cmpi eq, %arg1, %eq3A : i32
    %mul3A = arith.constant 8 : i32
    %mul3A_1 = arith.muli %arg0, %mul3A : i32
    %add3A = arith.addi %mul3A_1, %arg2 : i32
    %jit3A = arith.constant 24 : i32
    %select_n3A = arith.select %eq3A_0, %add3A, %jit3A : i32
    %c0_i32 = arith.constant 0 : i32
    %c0_i32_2 = arith.constant 0 : i32
    return %select_n3A, %c0_i32 : i32, i32
  }
}

</mosaic_0001>

<sc_bundles>
// kernel: kernel.5.cloned.1.call-start
scs
__scs_entry_jumppad:
0x0: {  	(pc) =	sbr.rel $0x88, $3  }
0x1: {  	(tag) =	ssettag $0x0;
	lr =	simm.s32 $0x1  }
0x2: {  	[smem:$0x3F9C] =	sst lr;
	_ =	strace $0xD0000000  }
0x3: {  	_ = 	snop  }
0x4: {  	_ = 	snop  }
0x5: {  	_ = 	snop  }
0x6: {  	_ = 	snop  }
0x7: {  	_ = 	snop  }
__scs_overlays_trampoline_lowered:
0x8: {  	[smem:$0x3FAB] =	sst s0  }
0x9: {  	[smem:$0x3FAC] =	sst s1  }
0xa: {  	[smem:$0x3FAD] =	sst s2  }
0xb: {  	[smem:$0x3FAE] =	sst s3  }
0xc: {  	[smem:$0x3FAF] =	sst s4  }
0xd: {  	[smem:$0x3FB0] =	sst s5  }
0xe: {  	[smem:$0x3FB1] =	sst s6  }
0xf: {  	[smem:$0x3FB2] =	sst s7  }
0x10: {  	[smem:$0x3FB3] =	sst s8  }
0x11: {  	[smem:$0x3FB4] =	sst s9;
	s0 =	simm.s32 @!p0 $0x0  }
0x12: {  	s1 =	sld [smem:$0x3F9A];
	s0 =	simm.s32 @p0 $0x1  }
0x13: {  	[smem:$0x3FB5] =	sst s0;
	s0 =	simm.s32 @!p1 $0x0  }
0x14: {  	s2 =	sld [smem:$0x3F99];
	s0 =	simm.s32 @p1 $0x1  }
0x15: {  	[smem:$0x3FB6] =	sst s0;
	s0 =	simm.s32 @!p2 $0x0  }
0x16: {  	s3 =	sld [smem:$0x3FDB];
	s0 =	simm.s32 @p2 $0x1  }
0x17: {  	s4 =	simm.s32 $0x1BF5;
	[smem:$0x3FB8] =	sst s0  }
0x18: {  	s0 =	sld [smem:$0x3F9B];
	_ =	swait.ge [sflag:s4], $0x0  }
0x19: {  	s7 =	sld [smem:$0x3F9C]  }
0x1a: {  	s8 =	sadd.s32 $0xFFFFE003, lr  }
0x1b: {  	s9 =	sadd.s32 $0xFFFFFEF7, lr;
	s5 =	simm.s32 $0xFFFFFFFF;
	p2 =	slt.u32 s8, $0xFFFFF086  }
0x1c: {  	p1 =	slt.u32 s9, $0xF7A;
	s5 =	simm.s32 @!p2 $0x0  }
0x1d: {  	s5 =	simm.s32 @p1 $0x1;
	p0 =	seq.s32 s7, s2  }
0x1e: {  	s7 =	smul.u32 @!p0 $0xF7A, s2;
	p2 =	seq.s32 @!p0 s5, $0x0  }
0x1f: {  	s9 =	smul.u32 $0xF7A, s1;
	s8 =	simm.s32 @!p0 $0x1BF5;
	p2 =	por !p2, p0  }
0x20: {  	[sflag:s8] =	ssyncset.s32 @!p0 $0xFFFFF086;
	s6 =	sadd.s32 @!p0 s3, s7;
	s7 =	simm.s32 @!p0 $0x108  }
0x21: {  	s3 =	sadd.s32 s3, s9;
	s6 =	sadd.s32 @!p0 $0x88, s6;
	s7 =	simm.s32 @p2 $0x1082  }
0x22: {  	[simem:s7], [sflag:s8] =	dma.local @!p0 [hbm:s6], $0xF7A  }
0x23: {  	s9 =	sor.u32 $0xD0000000, s2;
	s6 =	simm.s32 $0x108;
	_ =	swait.ge @!p0 [sflag:s8], $0x0  }
0x24: {  	s3 =	sadd.s32 $0x88, s3;
	s6 =	simm.s32 @!p1 $0x1082;
	[sflag:s4] =	ssyncset.s32 $0xFFFFF086  }
0x25: {  	[simem:s6], [sflag:s4] =	dma.local [hbm:s3], $0xF7A  }
0x26: {  	[smem:$0x3F9C] =	sst s1;
	(tag) =	ssettag s2;
	_ =	strace s9  }
0x27: {  	s1 =	sld [smem:$0x3FAC]  }
0x28: {  	s2 =	sld [smem:$0x3FAD]  }
0x29: {  	s4 =	sld [smem:$0x3FAF]  }
0x2a: {  	p0 =	seq.s32 s5, $0x0;
	s5 =	sld [smem:$0x3FB0]  }
0x2b: {  	s6 =	sld [smem:$0x3FB1]  }
0x2c: {  	s7 =	sld [smem:$0x3FB2]  }
0x2d: {  	s3 =	simm.s32 $0x108;
	s8 =	sld [smem:$0x3FB3]  }
0x2e: {  	s3 =	simm.s32 @!p0 $0x1082;
	s9 =	sld [smem:$0x3FB4]  }
0x2f: {  	lr =	sadd.s32 s0, s3;
	s0 =	sld [smem:$0x3FAB]  }
0x30: {  	s3 =	sld [smem:$0x3FAE]  }
0x31: {  	[smem:$0x3FB7] =	sst s10  }
0x32: {  	s10 =	sld [smem:$0x3FB5];
	_ =	sdelay $0x3  }
0x33: {  	p0 =	seq.s32 s10, $0x1;
	s10 =	sld [smem:$0x3FB7];
	_ =	sdelay $0x3  }
0x34: {  	[smem:$0x3FB7] =	sst s10  }
0x35: {  	s10 =	sld [smem:$0x3FB6];
	_ =	sdelay $0x3  }
0x36: {  	p1 =	seq.s32 s10, $0x1;
	s10 =	sld [smem:$0x3FB7];
	_ =	sdelay $0x3  }
0x37: {  	[smem:$0x3FB7] =	sst s10  }
0x38: {  	s10 =	sld [smem:$0x3FB8]  }
0x39: {  	_ = 	snop;
	(pc) =	sbr.ind lr, $3  }
0x3a: {  	_ = 	snop  }
0x3b: {  	_ = 	snop  }
0x3c: {  	p2 =	seq.s32 s10, $0x1;
	s10 =	sld [smem:$0x3FB7]  }
0x3d: {  	_ =	shalt  }
0x3e: {  	_ =	shalt  }
0x3f: {  	_ =	shalt  }
0x40: {  	_ =	shalt  }
0x41: {  	_ =	shalt  }
0x42: {  	_ =	shalt  }
0x43: {  	_ =	shalt  }
0x44: {  	_ =	shalt  }
0x45: {  	_ =	shalt  }
0x46: {  	_ =	shalt  }
0x47: {  	_ =	shalt  }
0x48: {  	_ =	shalt  }
0x49: {  	_ =	shalt  }
0x4a: {  	_ =	shalt  }
0x4b: {  	_ =	shalt  }
0x4c: {  	_ =	shalt  }
0x4d: {  	_ =	shalt  }
0x4e: {  	_ =	shalt  }
0x4f: {  	_ =	shalt  }
0x50: {  	_ =	shalt  }
0x51: {  	_ =	shalt  }
0x52: {  	_ =	shalt  }
0x53: {  	_ =	shalt  }
0x54: {  	_ =	shalt  }
0x55: {  	_ =	shalt  }
0x56: {  	_ =	shalt  }
0x57: {  	_ =	shalt  }
0x58: {  	_ =	shalt  }
0x59: {  	_ =	shalt  }
0x5a: {  	_ =	shalt  }
0x5b: {  	_ =	shalt  }
0x5c: {  	_ =	shalt  }
0x5d: {  	_ =	shalt  }
0x5e: {  	_ =	shalt  }
0x5f: {  	_ =	shalt  }
0x60: {  	_ =	shalt  }
0x61: {  	_ =	shalt  }
0x62: {  	_ =	shalt  }
0x63: {  	_ =	shalt  }
0x64: {  	_ =	shalt  }
0x65: {  	_ =	shalt  }
0x66: {  	_ =	shalt  }
0x67: {  	_ =	shalt  }
0x68: {  	_ =	shalt  }
0x69: {  	_ =	shalt  }
0x6a: {  	_ =	shalt  }
0x6b: {  	_ =	shalt  }
0x6c: {  	_ =	shalt  }
0x6d: {  	_ =	shalt  }
0x6e: {  	_ =	shalt  }
0x6f: {  	_ =	shalt  }
0x70: {  	_ =	shalt  }
0x71: {  	_ =	shalt  }
0x72: {  	_ =	shalt  }
0x73: {  	_ =	shalt  }
0x74: {  	_ =	shalt  }
0x75: {  	_ =	shalt  }
0x76: {  	_ =	shalt  }
0x77: {  	_ =	shalt  }
0x78: {  	_ =	shalt  }
0x79: {  	_ =	shalt  }
0x7a: {  	_ =	shalt  }
0x7b: {  	_ =	shalt  }
0x7c: {  	_ =	shalt  }
0x7d: {  	_ =	shalt  }
0x7e: {  	_ =	shalt  }
0x7f: {  	_ =	shalt  }
0x80: {  	_ =	shalt  }
0x81: {  	_ =	shalt  }
0x82: {  	_ =	shalt  }
0x83: {  	_ =	shalt  }
0x84: {  	_ =	shalt  }
0x85: {  	_ =	shalt  }
0x86: {  	_ =	shalt  }
0x87: {  	_ =	shalt  }
.Lfunc_end0:
.L_simem_size_0:
called_computation_lowered:
.L_overlay_start_0:
0x88: {  	s2 =	sld [smem:$0x3FD9]  }
0x89: {  	s3 =	sld [smem:$0x3FFE];
	_ =	sdelay $0x1  }
0x8a: {  	s1 =	srdreg.scid  }
0x8b: {  	s0 =	sand.u32 $0x1, s1  }
0x8c: {  	s17 =	sshll.u32 s0, $0xA;
	s2 =	sadd.s32 s3, s2  }
0x8d: {  	s2 =	sadd.s32 s2, s17  }
0x8e: {  	[smem:$0x3FC3] =	sst s2  }
0x8f: {  	_ = 	snop  }
0x90: {  	s2 =	sld [smem:$0x3FD0];
	(tm) =	ssettm $0x1  }
0x91: {  	s18 =	sld [smem:$0x3FFB];
	_ =	sdelay $0x3  }
0x92: {  	_ =	strace s18  }
0x93: {  	s3 =	sld [smem:$0x3FFC];
	_ =	sdelay $0x3  }
0x94: {  	_ =	strace s3  }
0x95: {  	s3 =	sld [smem:$0x3FFD];
	_ =	sdelay $0x3  }
0x96: {  	_ =	strace s3  }
0x97: {  	_ =	strace $0x8FFFFFFF  }
0x98: {  	s19 =	sld [smem:$0x3FDB];
	_ =	sdelay $0x1  }
0x99: {  	s4 =	simm.s32 $_scs_section_size  }
0x9a: {  	s5 =	simm.s32 $_size__tile_overlayer_lowered;
	s6 =	simm.s32 $_tile_overlayer_lowered  }
0x9b: {  	s22 =	simm.s32 $0x1BFF;
	s21 =	sshll.u32 s6, $0x1;
	s3 =	sadd.s32 s4, s19  }
0x9c: {  	s7 =	simm.s32 $0x0;
	s20 =	sshll.u32 s5, $0x1;
	s5 =	sadd.s32 s21, s3  }
0x9d: {  	[timem:s7], [sflag:s22] =	dma.local [hbm:s5], s20  }
0x9e: {  	_ =	swait.ge [sflag:s22], s20  }
0x9f: {  	s4 =	ssub.s32 $0x0, s20;
	[sflag:s22] =	ssyncset.done $0x0  }
0xa0: {  	[sflag:s22] =	ssyncadd.s32 s4;
	_ =	sdelay $0x1  }
0xa1: {  	s23 =	simm.s32 $0x1B8B  }
0xa2: {  	_ =	swait.ge [sflag:s23], $0x1  }
0xa3: {  	[sflag:s23] =	ssyncset.done $0x0  }
0xa4: {  	s25 =	simm.s32 $0x1B8E;
	s24 =	sld [smem:$0x3FFE];
	[sflag:s23] =	ssyncadd.s32 $0xFFFFFFFF  }
0xa5: {  	s26 =	simm.s32 $execute0_lowered;
	[smem:$0x3FD2] =	sst s25  }
0xa6: {  	s5 =	sshll.u32 s26, $0x1;
	_ =	strace $0x80000046;
	[dreg:$0x1] =	wrdreg $0xFFFFFFFF  }
0xa7: {  	s28 =	simm.s32 $_size_execute0_lowered;
	s3 =	sadd.s32 s3, s5;
	[dreg:$0x0] =	wrdreg $0x0  }
0xa8: {  	s5 =	sshll.u32 s28, $0x1;
	[dreg:$0x2] =	wrdreg s3  }
0xa9: {  	[dreg:$0x3] =	wrdreg s5  }
0xaa: {  	[dreg:$0x4] =	wrdreg $0xC0  }
0xab: {  	_ =	task [dreg:s7], $0x5FFFF  }
0xac: {  	[dreg:$0x1] =	wrdreg $0xFFFFFFFF  }
0xad: {  	[dreg:$0x0] =	wrdreg $0x60  }
0xae: {  	[dreg:$0x2] =	wrdreg s24  }
0xaf: {  	[dreg:$0x3] =	wrdreg s2  }
0xb0: {  	[dreg:$0x4] =	wrdreg $0x9  }
0xb1: {  	_ =	task.clear_ibuf [dreg:s7], $0x5FFFF;
	_ =	strace $0x90000046  }
0xb2: {  	s29 =	simm.s32 $0x9;
	_ =	strace $0x80000048  }
0xb3: {  	_ =	swait.ge [sflag:s29], $0x1  }
0xb4: {  	[sflag:s29] =	ssyncadd.s32 $0xFFFFFFFF  }
0xb5: {  	_ =	strace $0x90000048  }
0xb6: {  	_ =	sfence  }
0xb7: {  	s30 =	sld [smem:$0x0];
	_ =	sdelay $0x2  }
0xb8: {  	s31 =	sshll.u32 s1, $0xD;
	s1 =	sshrl.u32 s1, $0x2  }
0xb9: {  	s3 =	sand.u32 $0x4000, s31;
	s1 =	sadd.s32 s1, s30  }
0xba: {  	s0 =	sor.u32 s3, s0;
	s1 =	sshll.u32 s1, $0x11  }
0xbb: {  	s0 =	sor.u32 s1, s0  }
0xbc: {  	s0 =	sadd.s32 $0x8F2B, s0  }
0xbd: {  	[sflag:s0] =	ssyncadd.remote.s32 $0x1  }
0xbe: {  	_ =	sfence.sel $0xFFFF  }
0xbf: {  	[dreg:$0x0] =	wrdreg $0xFFFFFFFF;
	(pc) =	sbr.abs _section_cstart, $3  }
0xc0: {  	[dreg:$0x1] =	wrdreg $0xFFFFFFFF  }
0xc1: {  	_ =	task.clear_ibuf [dreg:s7], $0x2FFFF;
	_ =	strace $0x9FFFFFFF  }
0xc2: {  	(tm) =	ssettm $0x7FFFFFFF  }
0xc3: {  	_ =	shalt  }
tec
execute0_lowered:
.L_overlay_start_1:
0x0: {  	(tag) =	ssettag $0x1  }
0x1: {  	s0 =	rddreg [dreg:$0x0]  }
0x2: {  	s1 =	rddreg [dreg:$0x1]  }
0x3: {  	s2 =	srdreg.scid;
	s3 =	stileid.u32;
	s14 =	simm.s32 $0x2  }
0x4: {  	s16 =	simm.s32 $0x100;
	s15 =	simm.s32 $0x9900;
	s17 =	simm.s32 $0xA100  }
0x5: {  	s18 =	simm.s32 $0xB100;
	s19 =	simm.s32 $0xB900;
	s20 =	simm.s32 $0xC100  }
0x6: {  	s21 =	simm.s32 $0xD100;
	s22 =	simm.s32 $0xD900;
	s23 =	simm.s32 $0xE100  }
0x7: {  	s24 =	simm.s32 $0xF100;
	s25 =	simm.s32 $0x1;
	s13 =	simm.s32 $0x0  }
0x8: {  	s4 =	sand.u32 $0x1, s2;
	s2 =	simm.s32 $0x0;
	s3 =	sshll.u32 s3, $0x7  }
0x9: {  	s11 =	sadd.s32 $0xC00, s0;
	s8 =	sadd.s32 $0x1500, s0;
	s5 =	sshll.u32 s4, $0x6  }
0xa: {  	[smem:$0x7FF] =	sst s2;
	s4 =	ssub.s32 $0x2, s4;
	s9 =	sor.u32 s5, s3  }
0xb: {  	_ =	strace $0x80000047;
	s3 =	sadd.s32 $0x1200, s0;
	s7 =	sshrl.u32 s4, $0x1  }
0xc: {  	s10 =	sshll.u32 s9, $0x1;
	s4 =	ssub.s32 s4, s7;
	s26 =	sor.u32 $0x20, s9  }
0xd: {  	s7 =	sadd.s32 $0x1400, s0;
	s9 =	sshll.u32 s9, $0x7;
	s12 =	sand.u32 $0xF00, s10  }
0xe: {  	s28 =	sand.u32 $0x60, s26;
	s9 =	sadd.s32 s1, s9;
	s31 =	smax.u32 s4, $0x1  }
0xf: {  	s4 =	simm.s32 $0x8900;
	s6 =	sor.u32 s5, s12;
	[dreg:$0x5] =	wrdreg s9  }
0x10: {  	s5 =	sor.u32 s5, s10;
	s12 =	sor.u32 s28, s12;
	[dreg:$0x9] =	wrdreg s31  }
0x11: {  	s6 =	sshrl.u32 s6, $0x3;
	s5 =	sshrl.u32 s5, $0x3;
	s29 =	sshrl.u32 s12, $0x3  }
0x12: {  	s12 =	simm.s32 $0xF900;
	s6 =	sadd.s32 s11, s6;
	s5 =	sor.u32 $0x10, s5  }
0x13: {  	s9 =	sadd.s32 s11, s29;
	[dreg:$0x3] =	wrdreg s6;
	s5 =	sadd.s32 s11, s5  }
0x14: {  	s6 =	sadd.s32 $0x1300, s0;
	s0 =	sor.u32 s10, s28;
	[dreg:$0x6] =	wrdreg s9  }
0x15: {  	[dreg:$0x4] =	wrdreg s5;
	s0 =	sshrl.u32 s0, $0x3;
	s5 =	sshll.u32 s26, $0x7  }
0x16: {  	v2 =	vlaneseq.u32;
	s9 =	simm.s32 $0xA900;
	s0 =	sor.u32 $0x10, s0;
	s30 =	sadd.s32 s1, s5  }
0x17: {  	vm0 =	vmmov $0xffff;
	v1 =	vshrl.u32 v2, $0x3;
	s10 =	simm.s32 $0xC900;
	s0 =	sadd.s32 s11, s0;
	[dreg:$0x8] =	wrdreg s30  }
0x18: {  	v0 =	vand.u32 $0x7, v2;
	v2 =	vor.u32 $0x8, v2;
	v1 =	vmul.u32 $0x8, v1;
	s5 =	simm.s32 $0x9100;
	s11 =	simm.s32 $0xE900;
	[dreg:$0x7] =	wrdreg s0  }
.LBB2_1:
0x19: {  	s0 =	rddreg [dreg:$0x3]  }
0x1a: {  	[tilespmem:s2], [sflag:$0x2] =	stream.linear.gather [hbm4b:s0+s2], $0x20, $0x38;
	[tilespmem:$0x10100] =	vst v63  }
0x1b: {  	_ =	swait.ge [sflag:s14], $0x20  }
0x1c: {  	[sflag:s14] =	ssyncset.done $0x0  }
0x1d: {  	s1 =	simm.s32 $0x80;
	s26 =	rddreg [dreg:$0x4];
	[sflag:s14] =	ssyncadd.s32 $0xFFFFFFE0  }
0x1e: {  	[tilespmem:s1], [sflag:$0x2] =	stream.linear.gather [hbm4b:s26+s2], $0x20, $0x38;
	[tilespmem:$0x10100] =	vst v63  }
0x1f: {  	_ =	swait.ge [sflag:s14], $0x20  }
0x20: {  	[sflag:s14] =	ssyncset.done $0x0  }
0x21: {  	[sflag:s14] =	ssyncadd.s32 $0xFFFFFFE0  }
0x22: {  	v3 =	vld [tilespmem:$0x0];
	_ =	sdelay $0x4  }
0x23: {  	v4 =	vshll.u32 v3, $0x3  }
0x24: {  	v3 =	vand.u32 $0x7, v3;
	v4 =	vand.u32 $0xFFFFFFC0, v4  }
0x25: {  	v3 =	vor.u32 v3, v4  }
0x26: {  	v4 =	vperm.xlane v3, v0;
	_ =	sdelay $0x1  }
0x27: {  	v4 =	vadd.s32 v1, v4;
	_ =	sdelay $0x4  }
0x28: {  	[tilespmem:s16], [sflag:$0x1] =	stream.indirect_vreg.gather [hbm4b:s3+s2], $0x80, v4, vm0, $0xb8;
	[tilespmem:$0x10100] =	vst v63  }
0x29: {  	s31 =	simm.s32 $0x900;
	v3 =	vperm.xlane v3, v2  }
0x2a: {  	[tilespmem:s31], [sflag:$0x1] =	stream.indirect_vreg.gather [hbm4b:s6+s2], $0x80, v4, vm0, $0xb8;
	[tilespmem:$0x10100] =	vst v63  }
0x2b: {  	s1 =	simm.s32 $0x1100;
	v3 =	vadd.s32 v1, v3  }
0x2c: {  	[tilespmem:s1], [sflag:$0x1] =	stream.indirect_vreg.gather [hbm4b:s7+s2], $0x80, v4, vm0, $0xb8;
	[tilespmem:$0x10100] =	vst v63  }
0x2d: {  	s26 =	simm.s32 $0x1900  }
0x2e: {  	[tilespmem:s26], [sflag:$0x1] =	stream.indirect_vreg.gather [hbm4b:s8+s2], $0x80, v4, vm0, $0xb8;
	[tilespmem:$0x10100] =	vst v63  }
0x2f: {  	s31 =	simm.s32 $0x2100  }
0x30: {  	[tilespmem:s31], [sflag:$0x1] =	stream.indirect_vreg.gather [hbm4b:s3+s2], $0x80, v3, vm0, $0xb8;
	[tilespmem:$0x10100] =	vst v63  }
0x31: {  	s1 =	simm.s32 $0x2900  }
0x32: {  	[tilespmem:s1], [sflag:$0x1] =	stream.indirect_vreg.gather [hbm4b:s6+s2], $0x80, v3, vm0, $0xb8;
	[tilespmem:$0x10100] =	vst v63  }
0x33: {  	s26 =	simm.s32 $0x3100  }
0x34: {  	[tilespmem:s26], [sflag:$0x1] =	stream.indirect_vreg.gather [hbm4b:s7+s2], $0x80, v3, vm0, $0xb8;
	[tilespmem:$0x10100] =	vst v63  }
0x35: {  	s31 =	simm.s32 $0x3900  }
0x36: {  	[tilespmem:s31], [sflag:$0x1] =	stream.indirect_vreg.gather [hbm4b:s8+s2], $0x80, v3, vm0, $0xb8;
	[tilespmem:$0x10100] =	vst v63  }
0x37: {  	v3 =	vld [tilespmem:$0x10];
	_ =	sdelay $0x4  }
0x38: {  	v61 =	vshll.u32 v3, $0x3  }
0x39: {  	v3 =	vand.u32 $0x7, v3;
	v4 =	vand.u32 $0xFFFFFFC0, v61  }
0x3a: {  	v3 =	vor.u32 v3, v4  }
0x3b: {  	v4 =	vperm.xlane v3, v0;
	_ =	sdelay $0x1  }
0x3c: {  	v4 =	vadd.s32 v1, v4;
	_ =	sdelay $0x3  }
0x3d: {  	s1 =	simm.s32 $0x4100  }
0x3e: {  	[tilespmem:s1], [sflag:$0x1] =	stream.indirect_vreg.gather [hbm4b:s3+s2], $0x80, v4, vm0, $0xb8;
	[tilespmem:$0x10100] =	vst v63  }
0x3f: {  	s26 =	simm.s32 $0x4900;
	v3 =	vperm.xlane v3, v2  }
0x40: {  	[tilespmem:s26], [sflag:$0x1] =	stream.indirect_vreg.gather [hbm4b:s6+s2], $0x80, v4, vm0, $0xb8;
	[tilespmem:$0x10100] =	vst v63  }
0x41: {  	s31 =	simm.s32 $0x5100;
	v3 =	vadd.s32 v1, v3  }
0x42: {  	[tilespmem:s31], [sflag:$0x1] =	stream.indirect_vreg.gather [hbm4b:s7+s2], $0x80, v4, vm0, $0xb8;
	[tilespmem:$0x10100] =	vst v63  }
0x43: {  	s1 =	simm.s32 $0x5900  }
0x44: {  	[tilespmem:s1], [sflag:$0x1] =	stream.indirect_vreg.gather [hbm4b:s8+s2], $0x80, v4, vm0, $0xb8;
	[tilespmem:$0x10100] =	vst v63  }
0x45: {  	s26 =	simm.s32 $0x6100  }
0x46: {  	[tilespmem:s26], [sflag:$0x1] =	stream.indirect_vreg.gather [hbm4b:s3+s2], $0x80, v3, vm0, $0xb8;
	[tilespmem:$0x10100] =	vst v63  }
0x47: {  	s31 =	simm.s32 $0x6900  }
0x48: {  	[tilespmem:s31], [sflag:$0x1] =	stream.indirect_vreg.gather [hbm4b:s6+s2], $0x80, v3, vm0, $0xb8;
	[tilespmem:$0x10100] =	vst v63  }
0x49: {  	s1 =	simm.s32 $0x7100  }
0x4a: {  	[tilespmem:s1], [sflag:$0x1] =	stream.indirect_vreg.gather [hbm4b:s7+s2], $0x80, v3, vm0, $0xb8;
	[tilespmem:$0x10100] =	vst v63  }
0x4b: {  	s26 =	simm.s32 $0x7900  }
0x4c: {  	[tilespmem:s26], [sflag:$0x1] =	stream.indirect_vreg.gather [hbm4b:s8+s2], $0x80, v3, vm0, $0xb8;
	[tilespmem:$0x10100] =	vst v63  }
0x4d: {  	v3 =	vld [tilespmem:$0x80];
	_ =	sdelay $0x4  }
0x4e: {  	v62 =	vshll.u32 v3, $0x3  }
0x4f: {  	v3 =	vand.u32 $0x7, v3;
	v4 =	vand.u32 $0xFFFFFFC0, v62  }
0x50: {  	v3 =	vor.u32 v3, v4  }
0x51: {  	v4 =	vperm.xlane v3, v0;
	_ =	sdelay $0x1  }
0x52: {  	v4 =	vadd.s32 v1, v4;
	_ =	sdelay $0x3  }
0x53: {  	s31 =	simm.s32 $0x8100  }
0x54: {  	[tilespmem:s31], [sflag:$0x1] =	stream.indirect_vreg.gather [hbm4b:s3+s2], $0x80, v4, vm0, $0xb8;
	[tilespmem:$0x10100] =	vst v63  }
0x55: {  	v3 =	vperm.xlane v3, v2  }
0x56: {  	[tilespmem:s4], [sflag:$0x1] =	stream.indirect_vreg.gather [hbm4b:s6+s2], $0x80, v4, vm0, $0xb8;
	[tilespmem:$0x10100] =	vst v63  }
0x57: {  	v3 =	vadd.s32 v1, v3  }
0x58: {  	[tilespmem:s5], [sflag:$0x1] =	stream.indirect_vreg.gather [hbm4b:s7+s2], $0x80, v4, vm0, $0xb8;
	[tilespmem:$0x10100] =	vst v63  }
0x59: {  	_ = 	snop  }
0x5a: {  	[tilespmem:s15], [sflag:$0x1] =	stream.indirect_vreg.gather [hbm4b:s8+s2], $0x80, v4, vm0, $0xb8;
	[tilespmem:$0x10100] =	vst v63  }
0x5b: {  	_ = 	snop  }
0x5c: {  	[tilespmem:s17], [sflag:$0x1] =	stream.indirect_vreg.gather [hbm4b:s3+s2], $0x80, v3, vm0, $0xb8;
	[tilespmem:$0x10100] =	vst v63  }
0x5d: {  	_ = 	snop  }
0x5e: {  	[tilespmem:s9], [sflag:$0x1] =	stream.indirect_vreg.gather [hbm4b:s6+s2], $0x80, v3, vm0, $0xb8;
	[tilespmem:$0x10100] =	vst v63  }
0x5f: {  	_ = 	snop  }
0x60: {  	[tilespmem:s18], [sflag:$0x1] =	stream.indirect_vreg.gather [hbm4b:s7+s2], $0x80, v3, vm0, $0xb8;
	[tilespmem:$0x10100] =	vst v63  }
0x61: {  	_ = 	snop  }
0x62: {  	[tilespmem:s19], [sflag:$0x1] =	stream.indirect_vreg.gather [hbm4b:s8+s2], $0x80, v3, vm0, $0xb8;
	[tilespmem:$0x10100] =	vst v63  }
0x63: {  	v3 =	vld [tilespmem:$0x90];
	_ =	sdelay $0x4  }
0x64: {  	v63 =	vshll.u32 v3, $0x3  }
0x65: {  	v3 =	vand.u32 $0x7, v3;
	v4 =	vand.u32 $0xFFFFFFC0, v63  }
0x66: {  	v3 =	vor.u32 v3, v4  }
0x67: {  	v4 =	vperm.xlane v3, v0;
	_ =	sdelay $0x1  }
0x68: {  	v4 =	vadd.s32 v1, v4;
	_ =	sdelay $0x4  }
0x69: {  	[tilespmem:s20], [sflag:$0x1] =	stream.indirect_vreg.gather [hbm4b:s3+s2], $0x80, v4, vm0, $0xb8;
	[tilespmem:$0x10100] =	vst v63  }
0x6a: {  	v3 =	vperm.xlane v3, v2  }
0x6b: {  	[tilespmem:s10], [sflag:$0x1] =	stream.indirect_vreg.gather [hbm4b:s6+s2], $0x80, v4, vm0, $0xb8;
	[tilespmem:$0x10100] =	vst v63  }
0x6c: {  	v3 =	vadd.s32 v1, v3  }
0x6d: {  	[tilespmem:s21], [sflag:$0x1] =	stream.indirect_vreg.gather [hbm4b:s7+s2], $0x80, v4, vm0, $0xb8;
	[tilespmem:$0x10100] =	vst v63  }
0x6e: {  	_ = 	snop  }
0x6f: {  	[tilespmem:s22], [sflag:$0x1] =	stream.indirect_vreg.gather [hbm4b:s8+s2], $0x80, v4, vm0, $0xb8;
	[tilespmem:$0x10100] =	vst v63  }
0x70: {  	_ = 	snop  }
0x71: {  	[tilespmem:s23], [sflag:$0x1] =	stream.indirect_vreg.gather [hbm4b:s3+s2], $0x80, v3, vm0, $0xb8;
	[tilespmem:$0x10100] =	vst v63  }
0x72: {  	_ = 	snop  }
0x73: {  	[tilespmem:s11], [sflag:$0x1] =	stream.indirect_vreg.gather [hbm4b:s6+s2], $0x80, v3, vm0, $0xb8;
	[tilespmem:$0x10100] =	vst v63  }
0x74: {  	_ = 	snop  }
0x75: {  	[tilespmem:s24], [sflag:$0x1] =	stream.indirect_vreg.gather [hbm4b:s7+s2], $0x80, v3, vm0, $0xb8;
	[tilespmem:$0x10100] =	vst v63  }
0x76: {  	_ = 	snop  }
0x77: {  	[tilespmem:s12], [sflag:$0x1] =	stream.indirect_vreg.gather [hbm4b:s8+s2], $0x80, v3, vm0, $0xb8;
	[tilespmem:$0x10100] =	vst v63  }
0x78: {  	_ =	swait.ge [sflag:s25], $0x8000  }
0x79: {  	[sflag:s25] =	ssyncset.done $0x0  }
0x7a: {  	[sflag:s25] =	ssyncadd.s32 $0xFFFF8000  }
0x7b: {  	_ =	swait.ge [sflag:s25], $0x8000  }
0x7c: {  	s28 =	simm.s32 $0x0;
	s29 =	simm.s32 $0x0;
	[sflag:s25] =	ssyncset.done $0x0  }
0x7d: {  	s30 =	simm.s32 $0x0;
	s26 =	simm.s32 $0xFFFF8000;
	[sflag:s25] =	ssyncadd.s32 $0xFFFF8000  }
.LBB2_2:
0x7e: {  	s31 =	sadd.s32 $0x8000, s26  }
0x7f: {  	s0 =	sand.u32 $0x380, s30;
	s31 =	sand.u32 $0x6000, s31  }
0x80: {  	s31 =	sor.u32 s0, s31  }
0x81: {  	v3 =	vld [tilespmem:s31+$0x100]  }
0x82: {  	v4 =	vld [tilespmem:s31+$0x8100]  }
0x83: {  	v5 =	vld [tilespmem:s31+$0x110]  }
0x84: {  	v6 =	vld [tilespmem:s31+$0x8110]  }
0x85: {  	v7 =	vld [tilespmem:s31+$0x120]  }
0x86: {  	v8 =	vld [tilespmem:s31+$0x8120]  }
0x87: {  	v9 =	vld [tilespmem:s31+$0x130]  }
0x88: {  	v10 =	vld [tilespmem:s31+$0x8130]  }
0x89: {  	v11 =	vld [tilespmem:s31+$0x140]  }
0x8a: {  	v12 =	vld [tilespmem:s31+$0x8140]  }
0x8b: {  	v13 =	vld [tilespmem:s31+$0x150]  }
0x8c: {  	v14 =	vld [tilespmem:s31+$0x8150]  }
0x8d: {  	v15 =	vld [tilespmem:s31+$0x160]  }
0x8e: {  	v16 =	vld [tilespmem:s31+$0x8160]  }
0x8f: {  	v17 =	vld [tilespmem:s31+$0x170]  }
0x90: {  	v18 =	vld [tilespmem:s31+$0x8170]  }
0x91: {  	v19 =	vld [tilespmem:s31+$0x500]  }
0x92: {  	v20 =	vld [tilespmem:s31+$0x8500]  }
0x93: {  	v21 =	vld [tilespmem:s31+$0x510]  }
0x94: {  	v22 =	vld [tilespmem:s31+$0x8510]  }
0x95: {  	v23 =	vld [tilespmem:s31+$0x520]  }
0x96: {  	v24 =	vld [tilespmem:s31+$0x8520]  }
0x97: {  	v25 =	vld [tilespmem:s31+$0x530]  }
0x98: {  	v26 =	vld [tilespmem:s31+$0x8530]  }
0x99: {  	v27 =	vld [tilespmem:s31+$0x540]  }
0x9a: {  	v28 =	vld [tilespmem:s31+$0x8540]  }
0x9b: {  	v29 =	vld [tilespmem:s31+$0x550]  }
0x9c: {  	v30 =	vld [tilespmem:s31+$0x8550]  }
0x9d: {  	v31 =	vld [tilespmem:s31+$0x560]  }
0x9e: {  	v32 =	vld [tilespmem:s31+$0x8560]  }
0x9f: {  	v33 =	vld [tilespmem:s31+$0x570]  }
0xa0: {  	v34 =	vld [tilespmem:s31+$0x8570]  }
0xa1: {  	v35 =	vld [tilespmem:s31+$0x900]  }
0xa2: {  	v36 =	vld [tilespmem:s31+$0x8900]  }
0xa3: {  	v37 =	vld [tilespmem:s31+$0x910]  }
0xa4: {  	v38 =	vld [tilespmem:s31+$0x8910]  }
0xa5: {  	v39 =	vld [tilespmem:s31+$0x920]  }
0xa6: {  	v40 =	vld [tilespmem:s31+$0x8920]  }
0xa7: {  	v41 =	vld [tilespmem:s31+$0x930]  }
0xa8: {  	v42 =	vld [tilespmem:s31+$0x8930]  }
0xa9: {  	v43 =	vld [tilespmem:s31+$0x940]  }
0xaa: {  	v44 =	vld [tilespmem:s31+$0x8940]  }
0xab: {  	v45 =	vld [tilespmem:s31+$0x950]  }
0xac: {  	v46 =	vld [tilespmem:s31+$0x8950]  }
0xad: {  	v47 =	vld [tilespmem:s31+$0x960]  }
0xae: {  	v48 =	vld [tilespmem:s31+$0x8960]  }
0xaf: {  	v49 =	vld [tilespmem:s31+$0x970]  }
0xb0: {  	v50 =	vld [tilespmem:s31+$0x8970]  }
0xb1: {  	v51 =	vld [tilespmem:s31+$0xD00]  }
0xb2: {  	v52 =	vld [tilespmem:s31+$0x8D00]  }
0xb3: {  	v53 =	vld [tilespmem:s31+$0xD10]  }
0xb4: {  	v54 =	vld [tilespmem:s31+$0x8D10]  }
0xb5: {  	v55 =	vld [tilespmem:s31+$0xD20]  }
0xb6: {  	v56 =	vld [tilespmem:s31+$0x8D20]  }
0xb7: {  	v57 =	vld [tilespmem:s31+$0xD30]  }
0xb8: {  	v58 =	vld [tilespmem:s31+$0x8D30]  }
0xb9: {  	v59 =	vld [tilespmem:s31+$0xD40]  }
0xba: {  	v60 =	vld [tilespmem:s31+$0x8D40]  }
0xbb: {  	v61 =	vld [tilespmem:s31+$0xD50]  }
0xbc: {  	v62 =	vld [tilespmem:s31+$0x8D50]  }
0xbd: {  	v63 =	vld [tilespmem:s31+$0xD60]  }
0xbe: {  	v3 =	vadd.f32 v4, v3;
	v4 =	vld [tilespmem:s31+$0x8D60]  }
0xbf: {  	v5 =	vadd.f32 v6, v5;
	v6 =	vld [tilespmem:s31+$0xD70]  }
0xc0: {  	v14 =	vadd.f32 v14, v13;
	v13 =	vld [tilespmem:s31+$0x9120];
	[tilespmem:s31+$0x100] =	vst v3;
	v3 =	vadd.f32 v8, v7  }
0xc1: {  	v18 =	vadd.f32 v18, v17;
	v17 =	vld [tilespmem:s31+$0x9140];
	[tilespmem:s31+$0x110] =	vst v5  }
0xc2: {  	v22 =	vadd.f32 v22, v21;
	v21 =	vld [tilespmem:s31+$0x9160];
	[tilespmem:s31+$0x120] =	vst v3;
	v3 =	vadd.f32 v12, v11  }
0xc3: {  	v7 =	vld [tilespmem:s31+$0x8D70];
	[tilespmem:s31+$0x150] =	vst v14  }
0xc4: {  	v8 =	vld [tilespmem:s31+$0x1100];
	[tilespmem:s31+$0x140] =	vst v3;
	v3 =	vadd.f32 v16, v15  }
0xc5: {  	v5 =	vadd.f32 v10, v9;
	v9 =	vld [tilespmem:s31+$0x9100];
	[tilespmem:s31+$0x170] =	vst v18  }
0xc6: {  	v10 =	vld [tilespmem:s31+$0x1110];
	[tilespmem:s31+$0x160] =	vst v3;
	v3 =	vadd.f32 v20, v19  }
0xc7: {  	v26 =	vadd.f32 v26, v25;
	v14 =	vld [tilespmem:s31+$0x1130];
	[tilespmem:s31+$0x510] =	vst v22  }
0xc8: {  	v18 =	vld [tilespmem:s31+$0x1150];
	[tilespmem:s31+$0x500] =	vst v3;
	v3 =	vadd.f32 v24, v23  }
0xc9: {  	v30 =	vadd.f32 v30, v29;
	[tilespmem:s31+$0x530] =	vst v26;
	v22 =	vld [tilespmem:s31+$0x1170]  }
0xca: {  	v19 =	vld [tilespmem:s31+$0x9150];
	[tilespmem:s31+$0x520] =	vst v3;
	v3 =	vadd.f32 v28, v27  }
0xcb: {  	v34 =	vadd.f32 v34, v33;
	[tilespmem:s31+$0x550] =	vst v30;
	v11 =	vld [tilespmem:s31+$0x9110]  }
0xcc: {  	v12 =	vld [tilespmem:s31+$0x1120];
	[tilespmem:s31+$0x540] =	vst v3;
	v3 =	vadd.f32 v32, v31  }
0xcd: {  	[tilespmem:s31+$0x570] =	vst v34;
	v15 =	vld [tilespmem:s31+$0x9130]  }
0xce: {  	v16 =	vld [tilespmem:s31+$0x1140];
	[tilespmem:s31+$0x560] =	vst v3;
	v3 =	vadd.f32 v36, v35  }
0xcf: {  	[tilespmem:s31+$0x130] =	vst v5;
	v20 =	vld [tilespmem:s31+$0x1160];
	v19 =	vadd.f32 v19, v18  }
0xd0: {  	v24 =	vld [tilespmem:s31+$0x1500];
	[tilespmem:s31+$0x900] =	vst v3;
	v3 =	vadd.f32 v40, v39  }
0xd1: {  	[tilespmem:s31+$0x1150] =	vst v19;
	v36 =	vadd.f32 v38, v37;
	v37 =	vld [tilespmem:s31+$0x9170]  }
0xd2: {  	v38 =	vadd.f32 v42, v41;
	v41 =	vld [tilespmem:s31+$0x1510];
	[tilespmem:s31+$0x920] =	vst v3;
	v3 =	vadd.f32 v44, v43  }
0xd3: {  	v42 =	vld [tilespmem:s31+$0x9510];
	[tilespmem:s31+$0x910] =	vst v36  }
0xd4: {  	v35 =	vld [tilespmem:s31+$0x1910];
	[tilespmem:s31+$0x940] =	vst v3;
	v3 =	vadd.f32 v48, v47  }
0xd5: {  	v39 =	vld [tilespmem:s31+$0x9500];
	[tilespmem:s31+$0x930] =	vst v38;
	v40 =	vadd.f32 v46, v45  }
0xd6: {  	v45 =	vld [tilespmem:s31+$0x9520];
	[tilespmem:s31+$0x960] =	vst v3;
	v3 =	vadd.f32 v52, v51  }
0xd7: {  	v46 =	vadd.f32 v54, v53;
	v53 =	vld [tilespmem:s31+$0x1550];
	[tilespmem:s31+$0x950] =	vst v40  }
0xd8: {  	v54 =	vld [tilespmem:s31+$0x9550];
	[tilespmem:s31+$0xD00] =	vst v3;
	v3 =	vadd.f32 v56, v55  }
0xd9: {  	v36 =	vld [tilespmem:s31+$0x9910];
	v43 =	vadd.f32 v50, v49;
	[tilespmem:s31+$0xD10] =	vst v46  }
0xda: {  	v38 =	vld [tilespmem:s31+$0x1920];
	[tilespmem:s31+$0xD20] =	vst v3;
	v3 =	vadd.f32 v60, v59  }
0xdb: {  	v44 =	vld [tilespmem:s31+$0x1520];
	v49 =	vadd.f32 v58, v57;
	[tilespmem:s31+$0x970] =	vst v43  }
0xdc: {  	v50 =	vld [tilespmem:s31+$0x1540];
	[tilespmem:s31+$0xD40] =	vst v3;
	v3 =	vadd.f32 v4, v63  }
0xdd: {  	v57 =	vld [tilespmem:s31+$0x9560];
	v58 =	vadd.f32 v11, v10;
	[tilespmem:s31+$0xD30] =	vst v49  }
0xde: {  	v46 =	vld [tilespmem:s31+$0x9950];
	[tilespmem:s31+$0xD60] =	vst v3;
	v3 =	vadd.f32 v9, v8  }
0xdf: {  	v37 =	vadd.f32 v37, v22;
	v40 =	vadd.f32 v42, v41;
	v41 =	vld [tilespmem:s31+$0x1930];
	[tilespmem:s31+$0x1110] =	vst v58  }
0xe0: {  	v42 =	vld [tilespmem:s31+$0x9930];
	[tilespmem:s31+$0x1100] =	vst v3;
	v3 =	vadd.f32 v13, v12  }
0xe1: {  	v47 =	vld [tilespmem:s31+$0x1530];
	[tilespmem:s31+$0x1170] =	vst v37  }
0xe2: {  	v48 =	vld [tilespmem:s31+$0x9530];
	[tilespmem:s31+$0x1120] =	vst v3;
	v3 =	vadd.f32 v17, v16  }
0xe3: {  	v49 =	vld [tilespmem:s31+$0x9960];
	[tilespmem:s31+$0x1510] =	vst v40;
	v52 =	vadd.f32 v62, v61  }
0xe4: {  	v51 =	vld [tilespmem:s31+$0x9540];
	[tilespmem:s31+$0x1140] =	vst v3;
	v3 =	vadd.f32 v21, v20  }
0xe5: {  	v61 =	vadd.f32 v15, v14;
	v62 =	vld [tilespmem:s31+$0x1900];
	[tilespmem:s31+$0xD50] =	vst v52  }
0xe6: {  	v56 =	vld [tilespmem:s31+$0x1560];
	[tilespmem:s31+$0x1160] =	vst v3;
	v3 =	vadd.f32 v39, v24  }
0xe7: {  	v55 =	vadd.f32 v7, v6;
	[tilespmem:s31+$0x1130] =	vst v61;
	v52 =	vld [tilespmem:s31+$0x9970]  }
0xe8: {  	v43 =	vadd.f32 v48, v47;
	v47 =	vld [tilespmem:s31+$0x1960];
	[tilespmem:s31+$0x1500] =	vst v3;
	v3 =	vadd.f32 v45, v44  }
0xe9: {  	[tilespmem:s31+$0xD70] =	vst v55;
	v63 =	vld [tilespmem:s31+$0x9900]  }
0xea: {  	v59 =	vld [tilespmem:s31+$0x1570];
	[tilespmem:s31+$0x1520] =	vst v3;
	v3 =	vadd.f32 v51, v50  }
0xeb: {  	[tilespmem:s31+$0x1530] =	vst v43;
	v4 =	vadd.f32 v54, v53;
	v39 =	vld [tilespmem:s31+$0x9920]  }
0xec: {  	v60 =	vld [tilespmem:s31+$0x9570];
	[tilespmem:s31+$0x1540] =	vst v3;
	v3 =	vadd.f32 v57, v56  }
0xed: {  	v54 =	vadd.f32 v42, v41;
	[tilespmem:s31+$0x1550] =	vst v4;
	v45 =	vld [tilespmem:s31+$0x1950]  }
0xee: {  	v53 =	vld [tilespmem:s31+$0x9940];
	[tilespmem:s31+$0x1560] =	vst v3;
	v3 =	vadd.f32 v63, v62  }
0xef: {  	[tilespmem:s31+$0x1930] =	vst v54;
	v55 =	vadd.f32 v49, v47;
	v50 =	vld [tilespmem:s31+$0x1970]  }
0xf0: {  	v44 =	vld [tilespmem:s31+$0x1940];
	[tilespmem:s31+$0x1900] =	vst v3;
	v3 =	vadd.f32 v39, v38  }
0xf1: {  	v48 =	vadd.f32 v60, v59;
	[tilespmem:s31+$0x1960] =	vst v55  }
0xf2: {  	[tilespmem:s31+$0x1920] =	vst v3;
	v3 =	vadd.f32 v46, v45  }
0xf3: {  	s1 =	sand.u32 $0x7, s28;
	[tilespmem:s31+$0x1570] =	vst v48;
	v51 =	vadd.f32 v36, v35  }
0xf4: {  	s0 =	sshll.u32 s1, $0x7;
	[tilespmem:s31+$0x1950] =	vst v3;
	v3 =	vadd.f32 v52, v50  }
0xf5: {  	s0 =	sadd.s32 s0, s29;
	[tilespmem:s31+$0x1910] =	vst v51;
	v56 =	vadd.f32 v53, v44  }
0xf6: {  	s1 =	sor.u32 $0x1C00, s0;
	[tilespmem:s31+$0x1970] =	vst v3  }
0xf7: {  	[tilespmem:s31+$0x1940] =	vst v56;
	v3 =	vld [tilespmem:s1+$0x100]  }
0xf8: {  	v4 =	vld [tilespmem:s1+$0x8100];
	_ =	sdelay $0x4  }
0xf9: {  	v3 =	vadd.f32 v4, v3;
	_ =	sdelay $0x1  }
0xfa: {  	s31 =	sor.u32 $0x1C10, s0;
	[tilespmem:s1+$0x100] =	vst v3  }
0xfb: {  	v3 =	vld [tilespmem:s31+$0x100]  }
0xfc: {  	v57 =	vld [tilespmem:s31+$0x8100];
	_ =	sdelay $0x4  }
0xfd: {  	v3 =	vadd.f32 v57, v3;
	_ =	sdelay $0x1  }
0xfe: {  	[tilespmem:s31+$0x100] =	vst v3;
	s31 =	sor.u32 $0x1C20, s0  }
0xff: {  	v3 =	vld [tilespmem:s31+$0x100]  }
0x100: {  	v58 =	vld [tilespmem:s31+$0x8100];
	_ =	sdelay $0x4  }
0x101: {  	v3 =	vadd.f32 v58, v3;
	_ =	sdelay $0x1  }
0x102: {  	[tilespmem:s31+$0x100] =	vst v3;
	s31 =	sor.u32 $0x1C30, s0  }
0x103: {  	v3 =	vld [tilespmem:s31+$0x100]  }
0x104: {  	v59 =	vld [tilespmem:s31+$0x8100];
	_ =	sdelay $0x4  }
0x105: {  	v3 =	vadd.f32 v59, v3;
	_ =	sdelay $0x1  }
0x106: {  	[tilespmem:s31+$0x100] =	vst v3;
	s31 =	sor.u32 $0x1C40, s0  }
0x107: {  	v3 =	vld [tilespmem:s31+$0x100]  }
0x108: {  	v60 =	vld [tilespmem:s31+$0x8100];
	_ =	sdelay $0x4  }
0x109: {  	v3 =	vadd.f32 v60, v3;
	_ =	sdelay $0x1  }
0x10a: {  	[tilespmem:s31+$0x100] =	vst v3;
	s31 =	sor.u32 $0x1C50, s0  }
0x10b: {  	v3 =	vld [tilespmem:s31+$0x100]  }
0x10c: {  	v61 =	vld [tilespmem:s31+$0x8100];
	_ =	sdelay $0x4  }
0x10d: {  	v3 =	vadd.f32 v61, v3;
	_ =	sdelay $0x1  }
0x10e: {  	[tilespmem:s31+$0x100] =	vst v3;
	s31 =	sor.u32 $0x1C60, s0  }
0x10f: {  	v3 =	vld [tilespmem:s31+$0x100]  }
0x110: {  	v62 =	vld [tilespmem:s31+$0x8100];
	_ =	sdelay $0x4  }
0x111: {  	v3 =	vadd.f32 v62, v3;
	_ =	sdelay $0x1  }
0x112: {  	s0 =	sor.u32 $0x1C70, s0;
	[tilespmem:s31+$0x100] =	vst v3  }
0x113: {  	v3 =	vld [tilespmem:s0+$0x100]  }
0x114: {  	v63 =	vld [tilespmem:s0+$0x8100];
	_ =	sdelay $0x1  }
0x115: {  	p0 =	sne.s32 s30, $0xF80  }
.Ltmp0:
0x116: {  	_ = 	snop;
	(pc) =	sbr.rel @p0 .LBB2_2-.Ltmp0, $4  }
0x117: {  	_ = 	snop  }
0x118: {  	v3 =	vadd.f32 v63, v3  }
0x119: {  	s28 =	sadd.s32 $0x1, s28  }
0x11a: {  	s26 =	sadd.s32 $0x400, s26;
	s30 =	sadd.s32 $0x80, s30;
	s29 =	sadd.s32 $0x400, s29;
	[tilespmem:s0+$0x100] =	vst v3  }
0x11b: {  	s26 =	simm.s32 $0x0;
	s0 =	rddreg [dreg:$0x5]  }
0x11c: {  	[hbm4b:s0+s26] =	stream.linear.scatter [tilespmem:s16], [sflag:$0x2], $0x8000, $0x38;
	[tilespmem:$0x10100] =	vst v63  }
0x11d: {  	_ =	swait.ge [sflag:s14], $0x8000  }
0x11e: {  	[sflag:s14] =	ssyncset.done $0x0  }
0x11f: {  	s1 =	rddreg [dreg:$0x6];
	[sflag:s14] =	ssyncadd.s32 $0xFFFF8000  }
0x120: {  	[tilespmem:s26], [sflag:$0x2] =	stream.linear.gather [hbm4b:s1+s26], $0x20, $0x38;
	[tilespmem:$0x10100] =	vst v63  }
0x121: {  	_ =	swait.ge [sflag:s14], $0x20  }
0x122: {  	[sflag:s14] =	ssyncset.done $0x0  }
0x123: {  	s1 =	simm.s32 $0x80;
	s31 =	rddreg [dreg:$0x7];
	[sflag:s14] =	ssyncadd.s32 $0xFFFFFFE0  }
0x124: {  	[tilespmem:s1], [sflag:$0x2] =	stream.linear.gather [hbm4b:s31+s26], $0x20, $0x38;
	[tilespmem:$0x10100] =	vst v63  }
0x125: {  	_ =	swait.ge [sflag:s14], $0x20  }
0x126: {  	[sflag:s14] =	ssyncset.done $0x0  }
0x127: {  	[sflag:s14] =	ssyncadd.s32 $0xFFFFFFE0  }
0x128: {  	v3 =	vld [tilespmem:$0x0];
	_ =	sdelay $0x4  }
0x129: {  	v4 =	vshll.u32 v3, $0x3  }
0x12a: {  	v3 =	vand.u32 $0x7, v3;
	v4 =	vand.u32 $0xFFFFFFC0, v4  }
0x12b: {  	v3 =	vor.u32 v3, v4  }
0x12c: {  	v4 =	vperm.xlane v3, v0;
	_ =	sdelay $0x1  }
0x12d: {  	v4 =	vadd.s32 v1, v4;
	_ =	sdelay $0x4  }
0x12e: {  	[tilespmem:s16], [sflag:$0x1] =	stream.indirect_vreg.gather [hbm4b:s3+s26], $0x80, v4, vm0, $0xb8;
	[tilespmem:$0x10100] =	vst v63  }
0x12f: {  	s1 =	simm.s32 $0x900;
	v3 =	vperm.xlane v3, v2  }
0x130: {  	[tilespmem:s1], [sflag:$0x1] =	stream.indirect_vreg.gather [hbm4b:s6+s26], $0x80, v4, vm0, $0xb8;
	[tilespmem:$0x10100] =	vst v63  }
0x131: {  	s31 =	simm.s32 $0x1100;
	v3 =	vadd.s32 v1, v3  }
0x132: {  	[tilespmem:s31], [sflag:$0x1] =	stream.indirect_vreg.gather [hbm4b:s7+s26], $0x80, v4, vm0, $0xb8;
	[tilespmem:$0x10100] =	vst v63  }
0x133: {  	s1 =	simm.s32 $0x1900  }
0x134: {  	[tilespmem:s1], [sflag:$0x1] =	stream.indirect_vreg.gather [hbm4b:s8+s26], $0x80, v4, vm0, $0xb8;
	[tilespmem:$0x10100] =	vst v63  }
0x135: {  	s31 =	simm.s32 $0x2100  }
0x136: {  	[tilespmem:s31], [sflag:$0x1] =	stream.indirect_vreg.gather [hbm4b:s3+s26], $0x80, v3, vm0, $0xb8;
	[tilespmem:$0x10100] =	vst v63  }
0x137: {  	s1 =	simm.s32 $0x2900  }
0x138: {  	[tilespmem:s1], [sflag:$0x1] =	stream.indirect_vreg.gather [hbm4b:s6+s26], $0x80, v3, vm0, $0xb8;
	[tilespmem:$0x10100] =	vst v63  }
0x139: {  	s31 =	simm.s32 $0x3100  }
0x13a: {  	[tilespmem:s31], [sflag:$0x1] =	stream.indirect_vreg.gather [hbm4b:s7+s26], $0x80, v3, vm0, $0xb8;
	[tilespmem:$0x10100] =	vst v63  }
0x13b: {  	s1 =	simm.s32 $0x3900  }
0x13c: {  	[tilespmem:s1], [sflag:$0x1] =	stream.indirect_vreg.gather [hbm4b:s8+s26], $0x80, v3, vm0, $0xb8;
	[tilespmem:$0x10100] =	vst v63  }
0x13d: {  	v3 =	vld [tilespmem:$0x10];
	_ =	sdelay $0x4  }
0x13e: {  	v61 =	vshll.u32 v3, $0x3  }
0x13f: {  	v3 =	vand.u32 $0x7, v3;
	v4 =	vand.u32 $0xFFFFFFC0, v61  }
0x140: {  	v3 =	vor.u32 v3, v4  }
0x141: {  	v4 =	vperm.xlane v3, v0;
	_ =	sdelay $0x1  }
0x142: {  	v4 =	vadd.s32 v1, v4;
	_ =	sdelay $0x3  }
0x143: {  	s31 =	simm.s32 $0x4100  }
0x144: {  	[tilespmem:s31], [sflag:$0x1] =	stream.indirect_vreg.gather [hbm4b:s3+s26], $0x80, v4, vm0, $0xb8;
	[tilespmem:$0x10100] =	vst v63  }
0x145: {  	s1 =	simm.s32 $0x4900;
	v3 =	vperm.xlane v3, v2  }
0x146: {  	[tilespmem:s1], [sflag:$0x1] =	stream.indirect_vreg.gather [hbm4b:s6+s26], $0x80, v4, vm0, $0xb8;
	[tilespmem:$0x10100] =	vst v63  }
0x147: {  	v3 =	vadd.s32 v1, v3;
	s31 =	simm.s32 $0x5100  }
0x148: {  	[tilespmem:s31], [sflag:$0x1] =	stream.indirect_vreg.gather [hbm4b:s7+s26], $0x80, v4, vm0, $0xb8;
	[tilespmem:$0x10100] =	vst v63  }
0x149: {  	s1 =	simm.s32 $0x5900  }
0x14a: {  	[tilespmem:s1], [sflag:$0x1] =	stream.indirect_vreg.gather [hbm4b:s8+s26], $0x80, v4, vm0, $0xb8;
	[tilespmem:$0x10100] =	vst v63  }
0x14b: {  	s31 =	simm.s32 $0x6100  }
0x14c: {  	[tilespmem:s31], [sflag:$0x1] =	stream.indirect_vreg.gather [hbm4b:s3+s26], $0x80, v3, vm0, $0xb8;
	[tilespmem:$0x10100] =	vst v63  }
0x14d: {  	s1 =	simm.s32 $0x6900  }
0x14e: {  	[tilespmem:s1], [sflag:$0x1] =	stream.indirect_vreg.gather [hbm4b:s6+s26], $0x80, v3, vm0, $0xb8;
	[tilespmem:$0x10100] =	vst v63  }
0x14f: {  	s31 =	simm.s32 $0x7100  }
0x150: {  	[tilespmem:s31], [sflag:$0x1] =	stream.indirect_vreg.gather [hbm4b:s7+s26], $0x80, v3, vm0, $0xb8;
	[tilespmem:$0x10100] =	vst v63  }
0x151: {  	s1 =	simm.s32 $0x7900  }
0x152: {  	[tilespmem:s1], [sflag:$0x1] =	stream.indirect_vreg.gather [hbm4b:s8+s26], $0x80, v3, vm0, $0xb8;
	[tilespmem:$0x10100] =	vst v63  }
0x153: {  	v3 =	vld [tilespmem:$0x80];
	_ =	sdelay $0x4  }
0x154: {  	v62 =	vshll.u32 v3, $0x3  }
0x155: {  	v3 =	vand.u32 $0x7, v3;
	v4 =	vand.u32 $0xFFFFFFC0, v62  }
0x156: {  	v3 =	vor.u32 v3, v4  }
0x157: {  	v4 =	vperm.xlane v3, v0;
	_ =	sdelay $0x1  }
0x158: {  	v4 =	vadd.s32 v1, v4;
	_ =	sdelay $0x3  }
0x159: {  	s31 =	simm.s32 $0x8100  }
0x15a: {  	[tilespmem:s31], [sflag:$0x1] =	stream.indirect_vreg.gather [hbm4b:s3+s26], $0x80, v4, vm0, $0xb8;
	[tilespmem:$0x10100] =	vst v63  }
0x15b: {  	v3 =	vperm.xlane v3, v2  }
0x15c: {  	[tilespmem:s4], [sflag:$0x1] =	stream.indirect_vreg.gather [hbm4b:s6+s26], $0x80, v4, vm0, $0xb8;
	[tilespmem:$0x10100] =	vst v63  }
0x15d: {  	v3 =	vadd.s32 v1, v3  }
0x15e: {  	[tilespmem:s5], [sflag:$0x1] =	stream.indirect_vreg.gather [hbm4b:s7+s26], $0x80, v4, vm0, $0xb8;
	[tilespmem:$0x10100] =	vst v63  }
0x15f: {  	_ = 	snop  }
0x160: {  	[tilespmem:s15], [sflag:$0x1] =	stream.indirect_vreg.gather [hbm4b:s8+s26], $0x80, v4, vm0, $0xb8;
	[tilespmem:$0x10100] =	vst v63  }
0x161: {  	_ = 	snop  }
0x162: {  	[tilespmem:s17], [sflag:$0x1] =	stream.indirect_vreg.gather [hbm4b:s3+s26], $0x80, v3, vm0, $0xb8;
	[tilespmem:$0x10100] =	vst v63  }
0x163: {  	_ = 	snop  }
0x164: {  	[tilespmem:s9], [sflag:$0x1] =	stream.indirect_vreg.gather [hbm4b:s6+s26], $0x80, v3, vm0, $0xb8;
	[tilespmem:$0x10100] =	vst v63  }
0x165: {  	_ = 	snop  }
0x166: {  	[tilespmem:s18], [sflag:$0x1] =	stream.indirect_vreg.gather [hbm4b:s7+s26], $0x80, v3, vm0, $0xb8;
	[tilespmem:$0x10100] =	vst v63  }
0x167: {  	_ = 	snop  }
0x168: {  	[tilespmem:s19], [sflag:$0x1] =	stream.indirect_vreg.gather [hbm4b:s8+s26], $0x80, v3, vm0, $0xb8;
	[tilespmem:$0x10100] =	vst v63  }
0x169: {  	v3 =	vld [tilespmem:$0x90];
	_ =	sdelay $0x4  }
0x16a: {  	v63 =	vshll.u32 v3, $0x3  }
0x16b: {  	v3 =	vand.u32 $0x7, v3;
	v4 =	vand.u32 $0xFFFFFFC0, v63  }
0x16c: {  	v3 =	vor.u32 v3, v4  }
0x16d: {  	v4 =	vperm.xlane v3, v0;
	_ =	sdelay $0x1  }
0x16e: {  	v4 =	vadd.s32 v1, v4;
	_ =	sdelay $0x4  }
0x16f: {  	[tilespmem:s20], [sflag:$0x1] =	stream.indirect_vreg.gather [hbm4b:s3+s26], $0x80, v4, vm0, $0xb8;
	[tilespmem:$0x10100] =	vst v63  }
0x170: {  	v3 =	vperm.xlane v3, v2  }
0x171: {  	[tilespmem:s10], [sflag:$0x1] =	stream.indirect_vreg.gather [hbm4b:s6+s26], $0x80, v4, vm0, $0xb8;
	[tilespmem:$0x10100] =	vst v63  }
0x172: {  	v3 =	vadd.s32 v1, v3  }
0x173: {  	[tilespmem:s21], [sflag:$0x1] =	stream.indirect_vreg.gather [hbm4b:s7+s26], $0x80, v4, vm0, $0xb8;
	[tilespmem:$0x10100] =	vst v63  }
0x174: {  	_ = 	snop  }
0x175: {  	[tilespmem:s22], [sflag:$0x1] =	stream.indirect_vreg.gather [hbm4b:s8+s26], $0x80, v4, vm0, $0xb8;
	[tilespmem:$0x10100] =	vst v63  }
0x176: {  	_ = 	snop  }
0x177: {  	[tilespmem:s23], [sflag:$0x1] =	stream.indirect_vreg.gather [hbm4b:s3+s26], $0x80, v3, vm0, $0xb8;
	[tilespmem:$0x10100] =	vst v63  }
0x178: {  	_ = 	snop  }
0x179: {  	[tilespmem:s11], [sflag:$0x1] =	stream.indirect_vreg.gather [hbm4b:s6+s26], $0x80, v3, vm0, $0xb8;
	[tilespmem:$0x10100] =	vst v63  }
0x17a: {  	_ = 	snop  }
0x17b: {  	[tilespmem:s24], [sflag:$0x1] =	stream.indirect_vreg.gather [hbm4b:s7+s26], $0x80, v3, vm0, $0xb8;
	[tilespmem:$0x10100] =	vst v63  }
0x17c: {  	_ = 	snop  }
0x17d: {  	[tilespmem:s12], [sflag:$0x1] =	stream.indirect_vreg.gather [hbm4b:s8+s26], $0x80, v3, vm0, $0xb8;
	[tilespmem:$0x10100] =	vst v63  }
0x17e: {  	_ =	swait.ge [sflag:s25], $0x8000  }
0x17f: {  	[sflag:s25] =	ssyncset.done $0x0  }
0x180: {  	[sflag:s25] =	ssyncadd.s32 $0xFFFF8000  }
0x181: {  	_ =	swait.ge [sflag:s25], $0x8000  }
0x182: {  	s28 =	simm.s32 $0xFFFF8000;
	[sflag:s25] =	ssyncset.done $0x0  }
0x183: {  	s29 =	simm.s32 $0x0;
	s30 =	simm.s32 $0x0;
	[sflag:s25] =	ssyncadd.s32 $0xFFFF8000  }
.LBB2_4:
0x184: {  	s0 =	sadd.s32 $0x8000, s28  }
0x185: {  	s1 =	sand.u32 $0x380, s30;
	s0 =	sand.u32 $0x6000, s0  }
0x186: {  	s31 =	sor.u32 s1, s0  }
0x187: {  	v3 =	vld [tilespmem:s31+$0x100]  }
0x188: {  	v4 =	vld [tilespmem:s31+$0x8100]  }
0x189: {  	v5 =	vld [tilespmem:s31+$0x110]  }
0x18a: {  	v6 =	vld [tilespmem:s31+$0x8110]  }
0x18b: {  	v7 =	vld [tilespmem:s31+$0x120]  }
0x18c: {  	v8 =	vld [tilespmem:s31+$0x8120]  }
0x18d: {  	v9 =	vld [tilespmem:s31+$0x130]  }
0x18e: {  	v10 =	vld [tilespmem:s31+$0x8130]  }
0x18f: {  	v11 =	vld [tilespmem:s31+$0x140]  }
0x190: {  	v12 =	vld [tilespmem:s31+$0x8140]  }
0x191: {  	v13 =	vld [tilespmem:s31+$0x150]  }
0x192: {  	v14 =	vld [tilespmem:s31+$0x8150]  }
0x193: {  	v15 =	vld [tilespmem:s31+$0x160]  }
0x194: {  	v16 =	vld [tilespmem:s31+$0x8160]  }
0x195: {  	v17 =	vld [tilespmem:s31+$0x170]  }
0x196: {  	v18 =	vld [tilespmem:s31+$0x8170]  }
0x197: {  	v19 =	vld [tilespmem:s31+$0x500]  }
0x198: {  	v20 =	vld [tilespmem:s31+$0x8500]  }
0x199: {  	v21 =	vld [tilespmem:s31+$0x510]  }
0x19a: {  	v22 =	vld [tilespmem:s31+$0x8510]  }
0x19b: {  	v23 =	vld [tilespmem:s31+$0x520]  }
0x19c: {  	v24 =	vld [tilespmem:s31+$0x8520]  }
0x19d: {  	v25 =	vld [tilespmem:s31+$0x530]  }
0x19e: {  	v26 =	vld [tilespmem:s31+$0x8530]  }
0x19f: {  	v27 =	vld [tilespmem:s31+$0x540]  }
0x1a0: {  	v28 =	vld [tilespmem:s31+$0x8540]  }
0x1a1: {  	v29 =	vld [tilespmem:s31+$0x550]  }
0x1a2: {  	v30 =	vld [tilespmem:s31+$0x8550]  }
0x1a3: {  	v31 =	vld [tilespmem:s31+$0x560]  }
0x1a4: {  	v32 =	vld [tilespmem:s31+$0x8560]  }
0x1a5: {  	v33 =	vld [tilespmem:s31+$0x570]  }
0x1a6: {  	v34 =	vld [tilespmem:s31+$0x8570]  }
0x1a7: {  	v35 =	vld [tilespmem:s31+$0x900]  }
0x1a8: {  	v36 =	vld [tilespmem:s31+$0x8900]  }
0x1a9: {  	v37 =	vld [tilespmem:s31+$0x910]  }
0x1aa: {  	v38 =	vld [tilespmem:s31+$0x8910]  }
0x1ab: {  	v39 =	vld [tilespmem:s31+$0x920]  }
0x1ac: {  	v40 =	vld [tilespmem:s31+$0x8920]  }
0x1ad: {  	v41 =	vld [tilespmem:s31+$0x930]  }
0x1ae: {  	v42 =	vld [tilespmem:s31+$0x8930]  }
0x1af: {  	v43 =	vld [tilespmem:s31+$0x940]  }
0x1b0: {  	v44 =	vld [tilespmem:s31+$0x8940]  }
0x1b1: {  	v45 =	vld [tilespmem:s31+$0x950]  }
0x1b2: {  	v46 =	vld [tilespmem:s31+$0x8950]  }
0x1b3: {  	v47 =	vld [tilespmem:s31+$0x960]  }
0x1b4: {  	v48 =	vld [tilespmem:s31+$0x8960]  }
0x1b5: {  	v49 =	vld [tilespmem:s31+$0x970]  }
0x1b6: {  	v50 =	vld [tilespmem:s31+$0x8970]  }
0x1b7: {  	v51 =	vld [tilespmem:s31+$0xD00]  }
0x1b8: {  	v52 =	vld [tilespmem:s31+$0x8D00]  }
0x1b9: {  	v53 =	vld [tilespmem:s31+$0xD10]  }
0x1ba: {  	v54 =	vld [tilespmem:s31+$0x8D10]  }
0x1bb: {  	v55 =	vld [tilespmem:s31+$0xD20]  }
0x1bc: {  	v56 =	vld [tilespmem:s31+$0x8D20]  }
0x1bd: {  	v57 =	vld [tilespmem:s31+$0xD30]  }
0x1be: {  	v58 =	vld [tilespmem:s31+$0x8D30]  }
0x1bf: {  	v59 =	vld [tilespmem:s31+$0xD40]  }
0x1c0: {  	v60 =	vld [tilespmem:s31+$0x8D40]  }
0x1c1: {  	v61 =	vld [tilespmem:s31+$0xD50]  }
0x1c2: {  	v62 =	vld [tilespmem:s31+$0x8D50]  }
0x1c3: {  	v63 =	vld [tilespmem:s31+$0xD60]  }
0x1c4: {  	v3 =	vadd.f32 v4, v3;
	v4 =	vld [tilespmem:s31+$0x8D60]  }
0x1c5: {  	v5 =	vadd.f32 v6, v5;
	v6 =	vld [tilespmem:s31+$0xD70]  }
0x1c6: {  	v14 =	vadd.f32 v14, v13;
	v13 =	vld [tilespmem:s31+$0x9120];
	[tilespmem:s31+$0x100] =	vst v3;
	v3 =	vadd.f32 v8, v7  }
0x1c7: {  	v18 =	vadd.f32 v18, v17;
	v17 =	vld [tilespmem:s31+$0x9140];
	[tilespmem:s31+$0x110] =	vst v5  }
0x1c8: {  	v22 =	vadd.f32 v22, v21;
	v21 =	vld [tilespmem:s31+$0x9160];
	[tilespmem:s31+$0x120] =	vst v3;
	v3 =	vadd.f32 v12, v11  }
0x1c9: {  	v7 =	vld [tilespmem:s31+$0x8D70];
	[tilespmem:s31+$0x150] =	vst v14  }
0x1ca: {  	v8 =	vld [tilespmem:s31+$0x1100];
	[tilespmem:s31+$0x140] =	vst v3;
	v3 =	vadd.f32 v16, v15  }
0x1cb: {  	v5 =	vadd.f32 v10, v9;
	v9 =	vld [tilespmem:s31+$0x9100];
	[tilespmem:s31+$0x170] =	vst v18  }
0x1cc: {  	v10 =	vld [tilespmem:s31+$0x1110];
	[tilespmem:s31+$0x160] =	vst v3;
	v3 =	vadd.f32 v20, v19  }
0x1cd: {  	v26 =	vadd.f32 v26, v25;
	v14 =	vld [tilespmem:s31+$0x1130];
	[tilespmem:s31+$0x510] =	vst v22  }
0x1ce: {  	v18 =	vld [tilespmem:s31+$0x1150];
	[tilespmem:s31+$0x500] =	vst v3;
	v3 =	vadd.f32 v24, v23  }
0x1cf: {  	v30 =	vadd.f32 v30, v29;
	[tilespmem:s31+$0x530] =	vst v26;
	v22 =	vld [tilespmem:s31+$0x1170]  }
0x1d0: {  	v19 =	vld [tilespmem:s31+$0x9150];
	[tilespmem:s31+$0x520] =	vst v3;
	v3 =	vadd.f32 v28, v27  }
0x1d1: {  	v34 =	vadd.f32 v34, v33;
	[tilespmem:s31+$0x550] =	vst v30;
	v11 =	vld [tilespmem:s31+$0x9110]  }
0x1d2: {  	v12 =	vld [tilespmem:s31+$0x1120];
	[tilespmem:s31+$0x540] =	vst v3;
	v3 =	vadd.f32 v32, v31  }
0x1d3: {  	[tilespmem:s31+$0x570] =	vst v34;
	v15 =	vld [tilespmem:s31+$0x9130]  }
0x1d4: {  	v16 =	vld [tilespmem:s31+$0x1140];
	[tilespmem:s31+$0x560] =	vst v3;
	v3 =	vadd.f32 v36, v35  }
0x1d5: {  	[tilespmem:s31+$0x130] =	vst v5;
	v20 =	vld [tilespmem:s31+$0x1160];
	v19 =	vadd.f32 v19, v18  }
0x1d6: {  	v24 =	vld [tilespmem:s31+$0x1500];
	[tilespmem:s31+$0x900] =	vst v3;
	v3 =	vadd.f32 v40, v39  }
0x1d7: {  	[tilespmem:s31+$0x1150] =	vst v19;
	v36 =	vadd.f32 v38, v37;
	v37 =	vld [tilespmem:s31+$0x9170]  }
0x1d8: {  	v38 =	vadd.f32 v42, v41;
	v41 =	vld [tilespmem:s31+$0x1510];
	[tilespmem:s31+$0x920] =	vst v3;
	v3 =	vadd.f32 v44, v43  }
0x1d9: {  	v42 =	vld [tilespmem:s31+$0x9510];
	[tilespmem:s31+$0x910] =	vst v36  }
0x1da: {  	v35 =	vld [tilespmem:s31+$0x1910];
	[tilespmem:s31+$0x940] =	vst v3;
	v3 =	vadd.f32 v48, v47  }
0x1db: {  	v39 =	vld [tilespmem:s31+$0x9500];
	[tilespmem:s31+$0x930] =	vst v38;
	v40 =	vadd.f32 v46, v45  }
0x1dc: {  	v45 =	vld [tilespmem:s31+$0x9520];
	[tilespmem:s31+$0x960] =	vst v3;
	v3 =	vadd.f32 v52, v51  }
0x1dd: {  	v46 =	vadd.f32 v54, v53;
	v53 =	vld [tilespmem:s31+$0x1550];
	[tilespmem:s31+$0x950] =	vst v40  }
0x1de: {  	v54 =	vld [tilespmem:s31+$0x9550];
	[tilespmem:s31+$0xD00] =	vst v3;
	v3 =	vadd.f32 v56, v55  }
0x1df: {  	v36 =	vld [tilespmem:s31+$0x9910];
	v43 =	vadd.f32 v50, v49;
	[tilespmem:s31+$0xD10] =	vst v46  }
0x1e0: {  	v38 =	vld [tilespmem:s31+$0x1920];
	[tilespmem:s31+$0xD20] =	vst v3;
	v3 =	vadd.f32 v60, v59  }
0x1e1: {  	v44 =	vld [tilespmem:s31+$0x1520];
	v49 =	vadd.f32 v58, v57;
	[tilespmem:s31+$0x970] =	vst v43  }
0x1e2: {  	v50 =	vld [tilespmem:s31+$0x1540];
	[tilespmem:s31+$0xD40] =	vst v3;
	v3 =	vadd.f32 v4, v63  }
0x1e3: {  	v57 =	vld [tilespmem:s31+$0x9560];
	v58 =	vadd.f32 v11, v10;
	[tilespmem:s31+$0xD30] =	vst v49  }
0x1e4: {  	v46 =	vld [tilespmem:s31+$0x9950];
	[tilespmem:s31+$0xD60] =	vst v3;
	v3 =	vadd.f32 v9, v8  }
0x1e5: {  	v37 =	vadd.f32 v37, v22;
	v40 =	vadd.f32 v42, v41;
	v41 =	vld [tilespmem:s31+$0x1930];
	[tilespmem:s31+$0x1110] =	vst v58  }
0x1e6: {  	v42 =	vld [tilespmem:s31+$0x9930];
	[tilespmem:s31+$0x1100] =	vst v3;
	v3 =	vadd.f32 v13, v12  }
0x1e7: {  	v47 =	vld [tilespmem:s31+$0x1530];
	[tilespmem:s31+$0x1170] =	vst v37  }
0x1e8: {  	v48 =	vld [tilespmem:s31+$0x9530];
	[tilespmem:s31+$0x1120] =	vst v3;
	v3 =	vadd.f32 v17, v16  }
0x1e9: {  	v49 =	vld [tilespmem:s31+$0x9960];
	[tilespmem:s31+$0x1510] =	vst v40;
	v52 =	vadd.f32 v62, v61  }
0x1ea: {  	v51 =	vld [tilespmem:s31+$0x9540];
	[tilespmem:s31+$0x1140] =	vst v3;
	v3 =	vadd.f32 v21, v20  }
0x1eb: {  	v61 =	vadd.f32 v15, v14;
	v62 =	vld [tilespmem:s31+$0x1900];
	[tilespmem:s31+$0xD50] =	vst v52  }
0x1ec: {  	v56 =	vld [tilespmem:s31+$0x1560];
	[tilespmem:s31+$0x1160] =	vst v3;
	v3 =	vadd.f32 v39, v24  }
0x1ed: {  	v55 =	vadd.f32 v7, v6;
	[tilespmem:s31+$0x1130] =	vst v61;
	v52 =	vld [tilespmem:s31+$0x9970]  }
0x1ee: {  	v43 =	vadd.f32 v48, v47;
	v47 =	vld [tilespmem:s31+$0x1960];
	[tilespmem:s31+$0x1500] =	vst v3;
	v3 =	vadd.f32 v45, v44  }
0x1ef: {  	[tilespmem:s31+$0xD70] =	vst v55;
	v63 =	vld [tilespmem:s31+$0x9900]  }
0x1f0: {  	v59 =	vld [tilespmem:s31+$0x1570];
	[tilespmem:s31+$0x1520] =	vst v3;
	v3 =	vadd.f32 v51, v50  }
0x1f1: {  	[tilespmem:s31+$0x1530] =	vst v43;
	v4 =	vadd.f32 v54, v53;
	v39 =	vld [tilespmem:s31+$0x9920]  }
0x1f2: {  	v60 =	vld [tilespmem:s31+$0x9570];
	[tilespmem:s31+$0x1540] =	vst v3;
	v3 =	vadd.f32 v57, v56  }
0x1f3: {  	v54 =	vadd.f32 v42, v41;
	[tilespmem:s31+$0x1550] =	vst v4;
	v45 =	vld [tilespmem:s31+$0x1950]  }
0x1f4: {  	v53 =	vld [tilespmem:s31+$0x9940];
	[tilespmem:s31+$0x1560] =	vst v3;
	v3 =	vadd.f32 v63, v62  }
0x1f5: {  	[tilespmem:s31+$0x1930] =	vst v54;
	v55 =	vadd.f32 v49, v47;
	v50 =	vld [tilespmem:s31+$0x1970]  }
0x1f6: {  	v44 =	vld [tilespmem:s31+$0x1940];
	[tilespmem:s31+$0x1900] =	vst v3;
	v3 =	vadd.f32 v39, v38  }
0x1f7: {  	v48 =	vadd.f32 v60, v59;
	[tilespmem:s31+$0x1960] =	vst v55  }
0x1f8: {  	[tilespmem:s31+$0x1920] =	vst v3;
	v3 =	vadd.f32 v46, v45  }
0x1f9: {  	s1 =	sand.u32 $0x7, s26;
	[tilespmem:s31+$0x1570] =	vst v48;
	v51 =	vadd.f32 v36, v35  }
0x1fa: {  	s0 =	sshll.u32 s1, $0x7;
	[tilespmem:s31+$0x1950] =	vst v3;
	v3 =	vadd.f32 v52, v50  }
0x1fb: {  	s0 =	sadd.s32 s0, s29;
	[tilespmem:s31+$0x1910] =	vst v51;
	v56 =	vadd.f32 v53, v44  }
0x1fc: {  	s1 =	sor.u32 $0x1C00, s0;
	[tilespmem:s31+$0x1970] =	vst v3  }
0x1fd: {  	[tilespmem:s31+$0x1940] =	vst v56;
	v3 =	vld [tilespmem:s1+$0x100]  }
0x1fe: {  	v4 =	vld [tilespmem:s1+$0x8100];
	_ =	sdelay $0x4  }
0x1ff: {  	v3 =	vadd.f32 v4, v3;
	_ =	sdelay $0x1  }
0x200: {  	s31 =	sor.u32 $0x1C10, s0;
	[tilespmem:s1+$0x100] =	vst v3  }
0x201: {  	v3 =	vld [tilespmem:s31+$0x100]  }
0x202: {  	v57 =	vld [tilespmem:s31+$0x8100];
	_ =	sdelay $0x4  }
0x203: {  	v3 =	vadd.f32 v57, v3;
	_ =	sdelay $0x1  }
0x204: {  	[tilespmem:s31+$0x100] =	vst v3;
	s31 =	sor.u32 $0x1C20, s0  }
0x205: {  	v3 =	vld [tilespmem:s31+$0x100]  }
0x206: {  	v58 =	vld [tilespmem:s31+$0x8100];
	_ =	sdelay $0x4  }
0x207: {  	v3 =	vadd.f32 v58, v3;
	_ =	sdelay $0x1  }
0x208: {  	[tilespmem:s31+$0x100] =	vst v3;
	s31 =	sor.u32 $0x1C30, s0  }
0x209: {  	v3 =	vld [tilespmem:s31+$0x100]  }
0x20a: {  	v59 =	vld [tilespmem:s31+$0x8100];
	_ =	sdelay $0x4  }
0x20b: {  	v3 =	vadd.f32 v59, v3;
	_ =	sdelay $0x1  }
0x20c: {  	[tilespmem:s31+$0x100] =	vst v3;
	s31 =	sor.u32 $0x1C40, s0  }
0x20d: {  	v3 =	vld [tilespmem:s31+$0x100]  }
0x20e: {  	v60 =	vld [tilespmem:s31+$0x8100];
	_ =	sdelay $0x4  }
0x20f: {  	v3 =	vadd.f32 v60, v3;
	_ =	sdelay $0x1  }
0x210: {  	[tilespmem:s31+$0x100] =	vst v3;
	s31 =	sor.u32 $0x1C50, s0  }
0x211: {  	v3 =	vld [tilespmem:s31+$0x100]  }
0x212: {  	v61 =	vld [tilespmem:s31+$0x8100];
	_ =	sdelay $0x4  }
0x213: {  	v3 =	vadd.f32 v61, v3;
	_ =	sdelay $0x1  }
0x214: {  	[tilespmem:s31+$0x100] =	vst v3;
	s31 =	sor.u32 $0x1C60, s0  }
0x215: {  	v3 =	vld [tilespmem:s31+$0x100]  }
0x216: {  	v62 =	vld [tilespmem:s31+$0x8100];
	_ =	sdelay $0x4  }
0x217: {  	v3 =	vadd.f32 v62, v3;
	_ =	sdelay $0x1  }
0x218: {  	s0 =	sor.u32 $0x1C70, s0;
	[tilespmem:s31+$0x100] =	vst v3  }
0x219: {  	v3 =	vld [tilespmem:s0+$0x100]  }
0x21a: {  	v63 =	vld [tilespmem:s0+$0x8100];
	_ =	sdelay $0x1  }
0x21b: {  	p0 =	sne.s32 s30, $0xF80  }
.Ltmp1:
0x21c: {  	_ = 	snop;
	(pc) =	sbr.rel @p0 .LBB2_4-.Ltmp1, $4  }
0x21d: {  	_ = 	snop  }
0x21e: {  	v3 =	vadd.f32 v63, v3  }
0x21f: {  	s28 =	sadd.s32 $0x400, s28  }
0x220: {  	s30 =	sadd.s32 $0x80, s30;
	s26 =	sadd.s32 $0x1, s26;
	s29 =	sadd.s32 $0x400, s29;
	[tilespmem:s0+$0x100] =	vst v3  }
0x221: {  	s0 =	rddreg [dreg:$0x8]  }
0x222: {  	[hbm4b:s0+s2] =	stream.linear.scatter [tilespmem:s16], [sflag:$0x2], $0x8000, $0x38;
	[tilespmem:$0x10100] =	vst v63  }
0x223: {  	_ =	swait.ge [sflag:s14], $0x8000  }
0x224: {  	s13 =	sadd.s32 $0x1, s13;
	s31 =	rddreg [dreg:$0x9]  }
0x225: {  	p0 =	sne.s32 s13, s31  }
.Ltmp2:
0x226: {  	_ = 	snop;
	(pc) =	sbr.rel @p0 .LBB2_1-.Ltmp2, $3  }
0x227: {  	_ =	sdelay $0x1  }
0x228: {  	[sflag:s14] =	ssyncset.done $0x0  }
0x229: {  	[sflag:s14] =	ssyncadd.s32 $0xFFFF8000  }
0x22a: {  	_ =	sfence.sel $0x180000  }
0x22b: {  	[bflag:$0x0] =	sbarrier.arrive $0xFFFF  }
0x22c: {  	_ =	strace $0x90000047  }
0x22d: {  	s0 =	stileid.u32;
	[bflag:$0x2] =	sbarrier.arrive $0xFFFF  }
0x22e: {  	p0 =	sne.s32 s0, $0x0;
	s0 =	rddreg [dreg:$0x2]  }
0x22f: {  	s0 =	sadd.s32 @!p0 $0x100000, s0  }
0x230: {  	[sflag:s0] =	ssyncadd.tile.s32 @!p0 $0x1;
	_ =	shalt  }
.Lfunc_end2:
_tile_overlayer_lowered:
.L_overlay_start_2:
0x231: {  	(tag) =	ssettag $0x2  }
0x232: {  	s0 =	rddreg [dreg:$0x0];
	s2 =	stileid.u32  }
0x233: {  	s1 =	rddreg [dreg:$0x1];
	p0 =	sne.s32 s2, $0x0  }
0x234: {  	s3 =	rddreg [dreg:$0x2];
	[bflag:$0x3] =	sbarrier.arrive $0xFFFF;
	s2 =	simm.s32 @!p0 $0x1C02  }
0x235: {  	[timem:s3], [sflag:s2] =	dma.local @!p0 [hbm:s0], s1  }
0x236: {  	s0 =	simm.s32 @!p0 $0x2  }
0x237: {  	_ =	swait.ge @!p0 [sflag:s0], s1  }
0x238: {  	s1 =	ssub.s32 @!p0 $0x0, s1;
	[sflag:s0] =	ssyncset.done @!p0 $0x0  }
0x239: {  	[sflag:s0] =	ssyncadd.s32 @!p0 s1  }
0x23a: {  	[bflag:$0x3] =	sbarrier.arrive $0xFFFF  }
0x23b: {  	_ =	shalt  }

</sc_bundles>
